<compile_context>
chip_gen: v7x
topology: tpu7x:2x2x1
jax: 0.10.2.dev20260603
libtpu: 0.0.44.dev20260713+nightly
codegen_flags: <defaults>
</compile_context>

<pallas_src>
import jax
import jax.numpy as jnp
from jax import lax
from jax.experimental import pallas as pl
from jax.experimental.pallas import tpu as pltpu
from jax.experimental.pallas import tpu_sc as plsc

K_EDGES = 30
N_NODES = 256
N_BATCH = 8
N_LAG = 96
T_LEN = 2000

SC_CORES = 2
SC_SUBCORES = 16
SC_LANES = 16
N_WORKERS = SC_CORES * SC_SUBCORES
ROWS_PER_W = N_NODES // N_WORKERS
VREGS_PER_ROW = N_NODES // SC_LANES

_I32_MIN = -2147483648


def _prep_body(cau_ref, bx_ref, cos_ref, bxc_ref, pyt_ref):
    bxc_ref[...] = bx_ref[...]
    pyt_ref[...] = jnp.transpose(bx_ref[...], (1, 0, 2))
    c = cau_ref[...]
    cmin = jnp.min(c, axis=0, keepdims=True)
    cmax = jnp.max(c, axis=0, keepdims=True)
    cau = (c - cmin) / (cmax - cmin + 1e-8)
    ct = jnp.transpose(cau, (1, 0))
    g = jnp.dot(ct, cau, preferred_element_type=jnp.float32)
    nsq = jnp.sum(ct * ct, axis=1, keepdims=True)
    norms_r = jnp.sqrt(nsq)
    norms_c = jnp.transpose(norms_r, (1, 0))
    cos = g / (norms_r * norms_c + 1e-8)
    row_i = lax.broadcasted_iota(jnp.int32, (N_NODES, N_NODES), 0)
    col_i = lax.broadcasted_iota(jnp.int32, (N_NODES, N_NODES), 1)
    cos_ref[...] = cos - jnp.where(row_i == col_i, 1.0, 0.0).astype(
        jnp.float32)


def _prep(cau_data, batch_x):
    return pl.pallas_call(
        _prep_body,
        out_shape=(
            jax.ShapeDtypeStruct((N_NODES, N_NODES), jnp.float32),
            jax.ShapeDtypeStruct((N_BATCH, N_LAG, N_NODES), jnp.float32),
            jax.ShapeDtypeStruct((N_LAG, N_BATCH, N_NODES), jnp.float32),
        ),
    )(cau_data, batch_x)


def _f32_sortable_key(v):
    s = lax.bitcast_convert_type(v, jnp.int32)
    return jnp.where(s < 0, jnp.int32(_I32_MIN) - s, s)


_KEY_BOUND = 1069547520


def _rev(x):
    return lax.rev(x, (0,))


def _sort(x):
    return lax.sort(x, dimension=0)


def _merge_sorted_pair(a, b):
    rb = _rev(b)
    return _sort(jnp.minimum(a, rb)), _sort(jnp.maximum(a, rb))


def _top32_merge(a, b):
    alo, ahi = a
    blo, bhi = b
    t0 = jnp.maximum(alo, _rev(bhi))
    t1 = jnp.maximum(ahi, _rev(blo))
    return _merge_sorted_pair(_sort(t0), _sort(t1))


def _topk_row_adj(keys):
    sorted_vregs = [_sort(k) for k in keys]
    pairs = [
        _merge_sorted_pair(sorted_vregs[2 * p], sorted_vregs[2 * p + 1])
        for p in range(VREGS_PER_ROW // 2)
    ]
    while len(pairs) > 1:
        pairs = [
            _top32_merge(pairs[2 * p], pairs[2 * p + 1])
            for p in range(len(pairs) // 2)
        ]
    top_lo, _ = pairs[0]

    pos = 2 * SC_LANES - K_EDGES
    iota = lax.iota(jnp.int32, SC_LANES)
    nb = jnp.full((SC_LANES,), -_KEY_BOUND, dtype=jnp.int32)
    thr = jnp.max(jnp.where(iota == pos, top_lo, nb))
    thr_v = jnp.full((SC_LANES,), thr, dtype=jnp.int32)

    k_splat = jnp.full((SC_LANES,), K_EDGES, dtype=jnp.int32)
    n_gt = plsc.all_reduce_population_count(keys[0] > thr_v)
    for i in range(1, VREGS_PER_ROW):
        n_gt = n_gt + plsc.all_reduce_population_count(keys[i] > thr_v)
    need = k_splat - n_gt
    out = []
    base = jnp.zeros((SC_LANES,), dtype=jnp.int32)
    for i in range(VREGS_PER_ROW):
        gt = keys[i] > thr_v
        eq = keys[i] == thr_v
        pref = plsc.cumsum(jnp.where(eq, 1, 0).astype(jnp.int32))
        take = eq & ((base + pref) <= need)
        base = base + plsc.all_reduce_population_count(eq)
        out.append(jnp.where(gt | take, 1.0, 0.0).astype(jnp.float32))
    return out


def _topk_body(cos_hbm, adj_hbm, rows_v, adj_v, sem):
    wid = lax.axis_index("s") * SC_CORES + lax.axis_index("c")
    row0 = wid * ROWS_PER_W
    pltpu.sync_copy(cos_hbm.at[pl.ds(row0, ROWS_PER_W)], rows_v)

    def row_step(r, carry):
        keys = [
            _f32_sortable_key(rows_v[r, pl.ds(i * SC_LANES, SC_LANES)])
            for i in range(VREGS_PER_ROW)
        ]
        adj_row = _topk_row_adj(keys)
        for i in range(VREGS_PER_ROW):
            adj_v[r, pl.ds(i * SC_LANES, SC_LANES)] = adj_row[i]
        return carry

    lax.fori_loop(0, ROWS_PER_W, row_step, 0)
    pltpu.sync_copy(adj_v, adj_hbm.at[pl.ds(row0, ROWS_PER_W)])


def _topk_adj(cos):
    mesh = plsc.VectorSubcoreMesh(
        core_axis_name="c", subcore_axis_name="s",
        num_cores=SC_CORES, num_subcores=SC_SUBCORES)
    krn = pl.kernel(
        _topk_body,
        out_type=jax.ShapeDtypeStruct((N_NODES, N_NODES), jnp.float32),
        mesh=mesh,
        compiler_params=pltpu.CompilerParams(needs_layout_passes=False,
                                             use_tc_tiling_on_sc=True),
        scratch_types=[
            pltpu.VMEM((ROWS_PER_W, N_NODES), jnp.float32),
            pltpu.VMEM((ROWS_PER_W, N_NODES), jnp.float32),
            pltpu.SemaphoreType.DMA,
        ],
    )
    return krn(cos)


def _lap_kron_body(adj_ref, bl_ref, sl_ref, l_ref):
    i = pl.program_id(0)

    @pl.when(i == 0)
    def _():
        a = adj_ref[...]
        a = jnp.maximum(a, jnp.transpose(a, (1, 0)))
        row_i = lax.broadcasted_iota(jnp.int32, (N_NODES, N_NODES), 0)
        col_i = lax.broadcasted_iota(jnp.int32, (N_NODES, N_NODES), 1)
        eye = jnp.where(row_i == col_i, 1.0, 0.0).astype(jnp.float32)
        sl = jnp.maximum(a, eye)
        sl_ref[...] = sl
        deg = jnp.sum(sl, axis=1, keepdims=True)
        dinv_r = jnp.where(deg > 0, lax.rsqrt(deg), 0.0)
        dinv_c = jnp.transpose(dinv_r, (1, 0))
        l_ref[...] = eye - dinv_r * sl * dinv_c

    for j in range(N_BATCH):
        blk = jnp.where(j == i, l_ref[...], jnp.zeros((N_NODES, N_NODES),
                                                      jnp.float32))
        bl_ref[:, pl.ds(j * N_NODES, N_NODES)] = blk


def _lap_kron(adj):
    return pl.pallas_call(
        _lap_kron_body,
        grid=(N_BATCH,),
        in_specs=[pl.BlockSpec((N_NODES, N_NODES), lambda i: (0, 0))],
        out_specs=(
            pl.BlockSpec((N_NODES, N_BATCH * N_NODES), lambda i: (i, 0)),
            pl.BlockSpec((N_NODES, N_NODES), lambda i: (0, 0)),
            pl.BlockSpec((N_NODES, N_NODES), lambda i: (0, 0)),
        ),
        out_shape=(
            jax.ShapeDtypeStruct((N_BATCH * N_NODES, N_BATCH * N_NODES),
                                 jnp.float32),
            jax.ShapeDtypeStruct((N_NODES, N_NODES), jnp.float32),
            jax.ShapeDtypeStruct((N_NODES, N_NODES), jnp.float32),
        ),
    )(adj)


@jax.jit
def kernel(batch_x, last_edge_index, cau_data):
    del last_edge_index
    cos, bxc, pyt = _prep(cau_data, batch_x)
    adj = _topk_adj(cos)
    batch_l, selfloop_adj, l_sym = _lap_kron(adj)
    bxT = jnp.transpose(bxc, (0, 2, 1))
    pyg_x = jnp.transpose(pyt.reshape(N_LAG, N_BATCH * N_NODES), (1, 0))
    return (pyg_x, selfloop_adj, batch_l, l_sym, bxT)

# --- scband reference (transcript-rebuilt; emitter-appended) ---
"""Pipeline reference for scband-graph-calculate-22754736734700 (READ-ONLY COPY).

The authoritative reference and input builder live on the scoring server;
editing this copy changes nothing except your own understanding.
"""

import jax, jax.numpy as jnp
import numpy as np

EDGE_TOPK = 30
BATCH_NUM = 8
LAG = 96
NODE_NUM = 256
CA_LAG = 2000


def setup_inputs(seed: int = 0) -> dict:
    key = jax.random.key(seed)
    k1, k2, k3 = jax.random.split(key, 3)
    batch_x = jax.random.normal(k1, (BATCH_NUM, LAG, NODE_NUM), dtype=jnp.float32)
    cau_data = jax.random.uniform(k2, (CA_LAG, NODE_NUM), dtype=jnp.float32)
    last_edge_index = jax.random.randint(k3, (2, NODE_NUM * EDGE_TOPK), 0, NODE_NUM, dtype=jnp.int32)
    return {"batch_x": batch_x, "last_edge_index": last_edge_index, "cau_data": cau_data}


def reference(batch_x, last_edge_index, cau_data):
    batch_num, lag, node_num = batch_x.shape
    # min-max normalize the causal-discovery data (replaces CSV read)
    cmin = cau_data.min(axis=0)
    cmax = cau_data.max(axis=0)
    cau = (cau_data - cmin) / (cmax - cmin + 1e-08)
    # cosine similarity between node series (graph_ca_meth != 'Euc')
    cau_T = cau.T  # (N, T)
    cos_ji_mat = jnp.matmul(cau_T, cau)  # (N, N)
    norms = jnp.linalg.norm(cau_T, axis=-1)
    normed_mat = norms[:, None] * norms[None, :]
    cos_ji_mat = cos_ji_mat / (normed_mat + 1e-08)
    cos_ji_mat = cos_ji_mat - jnp.eye(node_num, dtype=cos_ji_mat.dtype)
    # top-k neighbor selection per node
    _, topk_indices_ji = jax.lax.top_k(cos_ji_mat, EDGE_TOPK)  # (N, K)
    gated_i = jnp.repeat(jnp.arange(node_num), EDGE_TOPK)
    gated_j = topk_indices_ji.reshape(-1)
    # directed adjacency from gated edges (coalesced)
    adj = jnp.zeros((node_num, node_num), dtype=jnp.float32).at[gated_i, gated_j].set(1.0)
    # to_undirected + add_self_loops, represented as a dense 0/1 adjacency
    adj = jnp.maximum(adj, adj.T)
    selfloop_adj = jnp.maximum(adj, jnp.eye(node_num, dtype=jnp.float32))
    # symmetric normalized Laplacian L = I - D^{-1/2} A D^{-1/2}
    degree = selfloop_adj.sum(axis=1)
    dinv = jnp.where(degree > 0, degree ** -0.5, 0.0)
    L_sym_square = jnp.eye(node_num, dtype=jnp.float32) - dinv[:, None] * selfloop_adj * dinv[None, :]
    # batched graph is batch_num disjoint copies -> block-diagonal Laplacian
    batch_L_sym_square = jnp.kron(jnp.eye(batch_num, dtype=jnp.float32), L_sym_square)
    # reshape node features (plan == 'inv': no eigendecomposition)
    batch_x_T = jnp.transpose(batch_x, (0, 2, 1))
    pyG_batch_x = batch_x_T.reshape(batch_num * node_num, lag)
    return (pyG_batch_x, selfloop_adj, batch_L_sym_square, L_sym_square, batch_x_T)

if __name__ == "__main__":
    import jax
    _d = setup_inputs()
    print(jax.jit(kernel)(*tuple(_d.values())))

</pallas_src>

<mosaic_0001>
#map = affine_map<(d0, d1) -> (0, 0)>
module attributes {stable_mosaic.version = 14 : i64} {
  func.func @_topk_body(%arg0: i32, %arg1: i32, %arg2: memref<256x256xf32, #tpu.memory_space<hbm>>, %arg3: memref<256x256xf32, #tpu.memory_space<hbm>>, %arg4: memref<8x256xf32, #tpu.memory_space<vmem>>, %arg5: memref<8x256xf32, #tpu.memory_space<vmem>>, %arg6: memref<!tpu.dma_semaphore, #tpu.memory_space<semaphore_mem>>) attributes {dimension_semantics = [#tpu.dimension_semantics<core_parallel>, #tpu.dimension_semantics<subcore_parallel>], iteration_bounds = array<i64: 2, 16>, scalar_prefetch = 0 : i64, scratch_operands = 3 : i64, tpu.core_type = #tpu.core_type<sc_vector_subcore>, window_params = [{transform_indices = #map}, {transform_indices = #map}]} {
    %mul3A = arith.constant 2 : i32
    %mul3A_0 = arith.muli %arg1, %mul3A : i32
    %add3A = arith.addi %mul3A_0, %arg0 : i32
    %mul3A_1 = arith.constant 8 : i32
    %mul3A_2 = arith.muli %add3A, %mul3A_1 : i32
    "tpu.region"() ({
      %run_scoped3A = tpu.sem_alloc : memref<!tpu.dma_semaphore, #tpu.memory_space<semaphore_mem>>
      %dma_start3A = arith.constant 0 : i32
      %dma_start3A_8 = tpu.memref_slice %arg2[%mul3A_2, %dma_start3A] : memref<256x256xf32, #tpu.memory_space<hbm>> -> memref<8x256xf32, #tpu.memory_space<hbm>>
      %dma_start3A_9 = arith.constant 0 : i32
      %dma_start3A_10 = tpu.memref_slice %arg2[%mul3A_2, %dma_start3A_9] : memref<256x256xf32, #tpu.memory_space<hbm>> -> memref<8x256xf32, #tpu.memory_space<hbm>>
      tpu.enqueue_dma source(%dma_start3A_10 : memref<8x256xf32, #tpu.memory_space<hbm>>) target(%arg4 : memref<8x256xf32, #tpu.memory_space<vmem>>) target_semaphore(%run_scoped3A : memref<!tpu.dma_semaphore, #tpu.memory_space<semaphore_mem>>)
      %dma_wait3A = arith.constant 0 : i32
      %dma_wait3A_11 = tpu.memref_slice %arg2[%mul3A_2, %dma_wait3A] : memref<256x256xf32, #tpu.memory_space<hbm>> -> memref<8x256xf32, #tpu.memory_space<hbm>>
      %dma_wait3A_12 = arith.constant 0 : i32
      %dma_wait3A_13 = tpu.memref_slice %arg2[%mul3A_2, %dma_wait3A_12] : memref<256x256xf32, #tpu.memory_space<hbm>> -> memref<8x256xf32, #tpu.memory_space<hbm>>
      tpu.wait_dma2 semaphore(%run_scoped3A : memref<!tpu.dma_semaphore, #tpu.memory_space<semaphore_mem>>) src(%dma_wait3A_13 : memref<8x256xf32, #tpu.memory_space<hbm>>) dst(%arg4 : memref<8x256xf32, #tpu.memory_space<vmem>>)
      tpu.yield
    }) : () -> ()
    %scan3A = arith.constant 0 : i32
    %scan3A_3 = arith.constant 0 : i32
    %scan3A_4 = arith.constant 8 : i32
    %scan3A_5 = arith.addi %scan3A_3, %scan3A_4 : i32
    %scan3A_6 = arith.constant 1 : i32
    scf.for %scan3A_8 = %scan3A_3 to %scan3A_5 step %scan3A_6  : i32 {
      %get3A = arith.index_cast %scan3A_8 : i32 to index
      %get3A_9 = arith.constant 0 : index
      %get3A_10 = tpu.vector_load %arg4[%get3A, %get3A_9] {strides = array<i32>} : memref<8x256xf32, #tpu.memory_space<vmem>>, vector<16xf32>,
      %bitcast_convert_type3A = tpu.bitcast %get3A_10 : vector<16xf32> -> vector<16xi32>
      %lt3A = arith.constant 0 : i32
      %lt3A_11 = vector.broadcast %lt3A : i32 to vector<16xi32>
      %lt3A_12 = arith.cmpi slt, %bitcast_convert_type3A, %lt3A_11 : vector<16xi32>
      %sub3A = arith.constant -2147483648 : i32
      %sub3A_13 = vector.broadcast %sub3A : i32 to vector<16xi32>
      %sub3A_14 = arith.subi %sub3A_13, %bitcast_convert_type3A : vector<16xi32>
      %select_n3A = arith.select %lt3A_12, %sub3A_14, %bitcast_convert_type3A : vector<16xi1>, vector<16xi32>
      %get3A_15 = arith.index_cast %scan3A_8 : i32 to index
      %get3A_16 = arith.constant 16 : index
      %get3A_17 = tpu.vector_load %arg4[%get3A_15, %get3A_16] {strides = array<i32>} : memref<8x256xf32, #tpu.memory_space<vmem>>, vector<16xf32>,
      %bitcast_convert_type3A_18 = tpu.bitcast %get3A_17 : vector<16xf32> -> vector<16xi32>
      %lt3A_19 = arith.constant 0 : i32
      %lt3A_20 = vector.broadcast %lt3A_19 : i32 to vector<16xi32>
      %lt3A_21 = arith.cmpi slt, %bitcast_convert_type3A_18, %lt3A_20 : vector<16xi32>
      %sub3A_22 = arith.constant -2147483648 : i32
      %sub3A_23 = vector.broadcast %sub3A_22 : i32 to vector<16xi32>
      %sub3A_24 = arith.subi %sub3A_23, %bitcast_convert_type3A_18 : vector<16xi32>
      %select_n3A_25 = arith.select %lt3A_21, %sub3A_24, %bitcast_convert_type3A_18 : vector<16xi1>, vector<16xi32>
      %get3A_26 = arith.index_cast %scan3A_8 : i32 to index
      %get3A_27 = arith.constant 32 : index
      %get3A_28 = tpu.vector_load %arg4[%get3A_26, %get3A_27] {strides = array<i32>} : memref<8x256xf32, #tpu.memory_space<vmem>>, vector<16xf32>,
      %bitcast_convert_type3A_29 = tpu.bitcast %get3A_28 : vector<16xf32> -> vector<16xi32>
      %lt3A_30 = arith.constant 0 : i32
      %lt3A_31 = vector.broadcast %lt3A_30 : i32 to vector<16xi32>
      %lt3A_32 = arith.cmpi slt, %bitcast_convert_type3A_29, %lt3A_31 : vector<16xi32>
      %sub3A_33 = arith.constant -2147483648 : i32
      %sub3A_34 = vector.broadcast %sub3A_33 : i32 to vector<16xi32>
      %sub3A_35 = arith.subi %sub3A_34, %bitcast_convert_type3A_29 : vector<16xi32>
      %select_n3A_36 = arith.select %lt3A_32, %sub3A_35, %bitcast_convert_type3A_29 : vector<16xi1>, vector<16xi32>
      %get3A_37 = arith.index_cast %scan3A_8 : i32 to index
      %get3A_38 = arith.constant 48 : index
      %get3A_39 = tpu.vector_load %arg4[%get3A_37, %get3A_38] {strides = array<i32>} : memref<8x256xf32, #tpu.memory_space<vmem>>, vector<16xf32>,
      %bitcast_convert_type3A_40 = tpu.bitcast %get3A_39 : vector<16xf32> -> vector<16xi32>
      %lt3A_41 = arith.constant 0 : i32
      %lt3A_42 = vector.broadcast %lt3A_41 : i32 to vector<16xi32>
      %lt3A_43 = arith.cmpi slt, %bitcast_convert_type3A_40, %lt3A_42 : vector<16xi32>
      %sub3A_44 = arith.constant -2147483648 : i32
      %sub3A_45 = vector.broadcast %sub3A_44 : i32 to vector<16xi32>
      %sub3A_46 = arith.subi %sub3A_45, %bitcast_convert_type3A_40 : vector<16xi32>
      %select_n3A_47 = arith.select %lt3A_43, %sub3A_46, %bitcast_convert_type3A_40 : vector<16xi1>, vector<16xi32>
      %get3A_48 = arith.index_cast %scan3A_8 : i32 to index
      %get3A_49 = arith.constant 64 : index
      %get3A_50 = tpu.vector_load %arg4[%get3A_48, %get3A_49] {strides = array<i32>} : memref<8x256xf32, #tpu.memory_space<vmem>>, vector<16xf32>,
      %bitcast_convert_type3A_51 = tpu.bitcast %get3A_50 : vector<16xf32> -> vector<16xi32>
      %lt3A_52 = arith.constant 0 : i32
      %lt3A_53 = vector.broadcast %lt3A_52 : i32 to vector<16xi32>
      %lt3A_54 = arith.cmpi slt, %bitcast_convert_type3A_51, %lt3A_53 : vector<16xi32>
      %sub3A_55 = arith.constant -2147483648 : i32
      %sub3A_56 = vector.broadcast %sub3A_55 : i32 to vector<16xi32>
      %sub3A_57 = arith.subi %sub3A_56, %bitcast_convert_type3A_51 : vector<16xi32>
      %select_n3A_58 = arith.select %lt3A_54, %sub3A_57, %bitcast_convert_type3A_51 : vector<16xi1>, vector<16xi32>
      %get3A_59 = arith.index_cast %scan3A_8 : i32 to index
      %get3A_60 = arith.constant 80 : index
      %get3A_61 = tpu.vector_load %arg4[%get3A_59, %get3A_60] {strides = array<i32>} : memref<8x256xf32, #tpu.memory_space<vmem>>, vector<16xf32>,
      %bitcast_convert_type3A_62 = tpu.bitcast %get3A_61 : vector<16xf32> -> vector<16xi32>
      %lt3A_63 = arith.constant 0 : i32
      %lt3A_64 = vector.broadcast %lt3A_63 : i32 to vector<16xi32>
      %lt3A_65 = arith.cmpi slt, %bitcast_convert_type3A_62, %lt3A_64 : vector<16xi32>
      %sub3A_66 = arith.constant -2147483648 : i32
      %sub3A_67 = vector.broadcast %sub3A_66 : i32 to vector<16xi32>
      %sub3A_68 = arith.subi %sub3A_67, %bitcast_convert_type3A_62 : vector<16xi32>
      %select_n3A_69 = arith.select %lt3A_65, %sub3A_68, %bitcast_convert_type3A_62 : vector<16xi1>, vector<16xi32>
      %get3A_70 = arith.index_cast %scan3A_8 : i32 to index
      %get3A_71 = arith.constant 96 : index
      %get3A_72 = tpu.vector_load %arg4[%get3A_70, %get3A_71] {strides = array<i32>} : memref<8x256xf32, #tpu.memory_space<vmem>>, vector<16xf32>,
      %bitcast_convert_type3A_73 = tpu.bitcast %get3A_72 : vector<16xf32> -> vector<16xi32>
      %lt3A_74 = arith.constant 0 : i32
      %lt3A_75 = vector.broadcast %lt3A_74 : i32 to vector<16xi32>
      %lt3A_76 = arith.cmpi slt, %bitcast_convert_type3A_73, %lt3A_75 : vector<16xi32>
      %sub3A_77 = arith.constant -2147483648 : i32
      %sub3A_78 = vector.broadcast %sub3A_77 : i32 to vector<16xi32>
      %sub3A_79 = arith.subi %sub3A_78, %bitcast_convert_type3A_73 : vector<16xi32>
      %select_n3A_80 = arith.select %lt3A_76, %sub3A_79, %bitcast_convert_type3A_73 : vector<16xi1>, vector<16xi32>
      %get3A_81 = arith.index_cast %scan3A_8 : i32 to index
      %get3A_82 = arith.constant 112 : index
      %get3A_83 = tpu.vector_load %arg4[%get3A_81, %get3A_82] {strides = array<i32>} : memref<8x256xf32, #tpu.memory_space<vmem>>, vector<16xf32>,
      %bitcast_convert_type3A_84 = tpu.bitcast %get3A_83 : vector<16xf32> -> vector<16xi32>
      %lt3A_85 = arith.constant 0 : i32
      %lt3A_86 = vector.broadcast %lt3A_85 : i32 to vector<16xi32>
      %lt3A_87 = arith.cmpi slt, %bitcast_convert_type3A_84, %lt3A_86 : vector<16xi32>
      %sub3A_88 = arith.constant -2147483648 : i32
      %sub3A_89 = vector.broadcast %sub3A_88 : i32 to vector<16xi32>
      %sub3A_90 = arith.subi %sub3A_89, %bitcast_convert_type3A_84 : vector<16xi32>
      %select_n3A_91 = arith.select %lt3A_87, %sub3A_90, %bitcast_convert_type3A_84 : vector<16xi1>, vector<16xi32>
      %get3A_92 = arith.index_cast %scan3A_8 : i32 to index
      %get3A_93 = arith.constant 128 : index
      %get3A_94 = tpu.vector_load %arg4[%get3A_92, %get3A_93] {strides = array<i32>} : memref<8x256xf32, #tpu.memory_space<vmem>>, vector<16xf32>,
      %bitcast_convert_type3A_95 = tpu.bitcast %get3A_94 : vector<16xf32> -> vector<16xi32>
      %lt3A_96 = arith.constant 0 : i32
      %lt3A_97 = vector.broadcast %lt3A_96 : i32 to vector<16xi32>
      %lt3A_98 = arith.cmpi slt, %bitcast_convert_type3A_95, %lt3A_97 : vector<16xi32>
      %sub3A_99 = arith.constant -2147483648 : i32
      %sub3A_100 = vector.broadcast %sub3A_99 : i32 to vector<16xi32>
      %sub3A_101 = arith.subi %sub3A_100, %bitcast_convert_type3A_95 : vector<16xi32>
      %select_n3A_102 = arith.select %lt3A_98, %sub3A_101, %bitcast_convert_type3A_95 : vector<16xi1>, vector<16xi32>
      %get3A_103 = arith.index_cast %scan3A_8 : i32 to index
      %get3A_104 = arith.constant 144 : index
      %get3A_105 = tpu.vector_load %arg4[%get3A_103, %get3A_104] {strides = array<i32>} : memref<8x256xf32, #tpu.memory_space<vmem>>, vector<16xf32>,
      %bitcast_convert_type3A_106 = tpu.bitcast %get3A_105 : vector<16xf32> -> vector<16xi32>
      %lt3A_107 = arith.constant 0 : i32
      %lt3A_108 = vector.broadcast %lt3A_107 : i32 to vector<16xi32>
      %lt3A_109 = arith.cmpi slt, %bitcast_convert_type3A_106, %lt3A_108 : vector<16xi32>
      %sub3A_110 = arith.constant -2147483648 : i32
      %sub3A_111 = vector.broadcast %sub3A_110 : i32 to vector<16xi32>
      %sub3A_112 = arith.subi %sub3A_111, %bitcast_convert_type3A_106 : vector<16xi32>
      %select_n3A_113 = arith.select %lt3A_109, %sub3A_112, %bitcast_convert_type3A_106 : vector<16xi1>, vector<16xi32>
      %get3A_114 = arith.index_cast %scan3A_8 : i32 to index
      %get3A_115 = arith.constant 160 : index
      %get3A_116 = tpu.vector_load %arg4[%get3A_114, %get3A_115] {strides = array<i32>} : memref<8x256xf32, #tpu.memory_space<vmem>>, vector<16xf32>,
      %bitcast_convert_type3A_117 = tpu.bitcast %get3A_116 : vector<16xf32> -> vector<16xi32>
      %lt3A_118 = arith.constant 0 : i32
      %lt3A_119 = vector.broadcast %lt3A_118 : i32 to vector<16xi32>
      %lt3A_120 = arith.cmpi slt, %bitcast_convert_type3A_117, %lt3A_119 : vector<16xi32>
      %sub3A_121 = arith.constant -2147483648 : i32
      %sub3A_122 = vector.broadcast %sub3A_121 : i32 to vector<16xi32>
      %sub3A_123 = arith.subi %sub3A_122, %bitcast_convert_type3A_117 : vector<16xi32>
      %select_n3A_124 = arith.select %lt3A_120, %sub3A_123, %bitcast_convert_type3A_117 : vector<16xi1>, vector<16xi32>
      %get3A_125 = arith.index_cast %scan3A_8 : i32 to index
      %get3A_126 = arith.constant 176 : index
      %get3A_127 = tpu.vector_load %arg4[%get3A_125, %get3A_126] {strides = array<i32>} : memref<8x256xf32, #tpu.memory_space<vmem>>, vector<16xf32>,
      %bitcast_convert_type3A_128 = tpu.bitcast %get3A_127 : vector<16xf32> -> vector<16xi32>
      %lt3A_129 = arith.constant 0 : i32
      %lt3A_130 = vector.broadcast %lt3A_129 : i32 to vector<16xi32>
      %lt3A_131 = arith.cmpi slt, %bitcast_convert_type3A_128, %lt3A_130 : vector<16xi32>
      %sub3A_132 = arith.constant -2147483648 : i32
      %sub3A_133 = vector.broadcast %sub3A_132 : i32 to vector<16xi32>
      %sub3A_134 = arith.subi %sub3A_133, %bitcast_convert_type3A_128 : vector<16xi32>
      %select_n3A_135 = arith.select %lt3A_131, %sub3A_134, %bitcast_convert_type3A_128 : vector<16xi1>, vector<16xi32>
      %get3A_136 = arith.index_cast %scan3A_8 : i32 to index
      %get3A_137 = arith.constant 192 : index
      %get3A_138 = tpu.vector_load %arg4[%get3A_136, %get3A_137] {strides = array<i32>} : memref<8x256xf32, #tpu.memory_space<vmem>>, vector<16xf32>,
      %bitcast_convert_type3A_139 = tpu.bitcast %get3A_138 : vector<16xf32> -> vector<16xi32>
      %lt3A_140 = arith.constant 0 : i32
      %lt3A_141 = vector.broadcast %lt3A_140 : i32 to vector<16xi32>
      %lt3A_142 = arith.cmpi slt, %bitcast_convert_type3A_139, %lt3A_141 : vector<16xi32>
      %sub3A_143 = arith.constant -2147483648 : i32
      %sub3A_144 = vector.broadcast %sub3A_143 : i32 to vector<16xi32>
      %sub3A_145 = arith.subi %sub3A_144, %bitcast_convert_type3A_139 : vector<16xi32>
      %select_n3A_146 = arith.select %lt3A_142, %sub3A_145, %bitcast_convert_type3A_139 : vector<16xi1>, vector<16xi32>
      %get3A_147 = arith.index_cast %scan3A_8 : i32 to index
      %get3A_148 = arith.constant 208 : index
      %get3A_149 = tpu.vector_load %arg4[%get3A_147, %get3A_148] {strides = array<i32>} : memref<8x256xf32, #tpu.memory_space<vmem>>, vector<16xf32>,
      %bitcast_convert_type3A_150 = tpu.bitcast %get3A_149 : vector<16xf32> -> vector<16xi32>
      %lt3A_151 = arith.constant 0 : i32
      %lt3A_152 = vector.broadcast %lt3A_151 : i32 to vector<16xi32>
      %lt3A_153 = arith.cmpi slt, %bitcast_convert_type3A_150, %lt3A_152 : vector<16xi32>
      %sub3A_154 = arith.constant -2147483648 : i32
      %sub3A_155 = vector.broadcast %sub3A_154 : i32 to vector<16xi32>
      %sub3A_156 = arith.subi %sub3A_155, %bitcast_convert_type3A_150 : vector<16xi32>
      %select_n3A_157 = arith.select %lt3A_153, %sub3A_156, %bitcast_convert_type3A_150 : vector<16xi1>, vector<16xi32>
      %get3A_158 = arith.index_cast %scan3A_8 : i32 to index
      %get3A_159 = arith.constant 224 : index
      %get3A_160 = tpu.vector_load %arg4[%get3A_158, %get3A_159] {strides = array<i32>} : memref<8x256xf32, #tpu.memory_space<vmem>>, vector<16xf32>,
      %bitcast_convert_type3A_161 = tpu.bitcast %get3A_160 : vector<16xf32> -> vector<16xi32>
      %lt3A_162 = arith.constant 0 : i32
      %lt3A_163 = vector.broadcast %lt3A_162 : i32 to vector<16xi32>
      %lt3A_164 = arith.cmpi slt, %bitcast_convert_type3A_161, %lt3A_163 : vector<16xi32>
      %sub3A_165 = arith.constant -2147483648 : i32
      %sub3A_166 = vector.broadcast %sub3A_165 : i32 to vector<16xi32>
      %sub3A_167 = arith.subi %sub3A_166, %bitcast_convert_type3A_161 : vector<16xi32>
      %select_n3A_168 = arith.select %lt3A_164, %sub3A_167, %bitcast_convert_type3A_161 : vector<16xi1>, vector<16xi32>
      %get3A_169 = arith.index_cast %scan3A_8 : i32 to index
      %get3A_170 = arith.constant 240 : index
      %get3A_171 = tpu.vector_load %arg4[%get3A_169, %get3A_170] {strides = array<i32>} : memref<8x256xf32, #tpu.memory_space<vmem>>, vector<16xf32>,
      %bitcast_convert_type3A_172 = tpu.bitcast %get3A_171 : vector<16xf32> -> vector<16xi32>
      %lt3A_173 = arith.constant 0 : i32
      %lt3A_174 = vector.broadcast %lt3A_173 : i32 to vector<16xi32>
      %lt3A_175 = arith.cmpi slt, %bitcast_convert_type3A_172, %lt3A_174 : vector<16xi32>
      %sub3A_176 = arith.constant -2147483648 : i32
      %sub3A_177 = vector.broadcast %sub3A_176 : i32 to vector<16xi32>
      %sub3A_178 = arith.subi %sub3A_177, %bitcast_convert_type3A_172 : vector<16xi32>
      %select_n3A_179 = arith.select %lt3A_175, %sub3A_178, %bitcast_convert_type3A_172 : vector<16xi1>, vector<16xi32>
      %sort3A = arith.constant dense<true> : vector<16xi1>
      %sort3A_180, %sort3A_181, %sort3A_182 = tpu.sort %select_n3A, %select_n3A masked %sort3A : (vector<16xi32>, vector<16xi32>, vector<16xi1>) -> (vector<16xi1>, vector<16xi32>, vector<16xi32>)
      %sort3A_183 = arith.constant dense<true> : vector<16xi1>
      %sort3A_184, %sort3A_185, %sort3A_186 = tpu.sort %select_n3A_25, %select_n3A_25 masked %sort3A_183 : (vector<16xi32>, vector<16xi32>, vector<16xi1>) -> (vector<16xi1>, vector<16xi32>, vector<16xi32>)
      %sort3A_187 = arith.constant dense<true> : vector<16xi1>
      %sort3A_188, %sort3A_189, %sort3A_190 = tpu.sort %select_n3A_36, %select_n3A_36 masked %sort3A_187 : (vector<16xi32>, vector<16xi32>, vector<16xi1>) -> (vector<16xi1>, vector<16xi32>, vector<16xi32>)
      %sort3A_191 = arith.constant dense<true> : vector<16xi1>
      %sort3A_192, %sort3A_193, %sort3A_194 = tpu.sort %select_n3A_47, %select_n3A_47 masked %sort3A_191 : (vector<16xi32>, vector<16xi32>, vector<16xi1>) -> (vector<16xi1>, vector<16xi32>, vector<16xi32>)
      %sort3A_195 = arith.constant dense<true> : vector<16xi1>
      %sort3A_196, %sort3A_197, %sort3A_198 = tpu.sort %select_n3A_58, %select_n3A_58 masked %sort3A_195 : (vector<16xi32>, vector<16xi32>, vector<16xi1>) -> (vector<16xi1>, vector<16xi32>, vector<16xi32>)
      %sort3A_199 = arith.constant dense<true> : vector<16xi1>
      %sort3A_200, %sort3A_201, %sort3A_202 = tpu.sort %select_n3A_69, %select_n3A_69 masked %sort3A_199 : (vector<16xi32>, vector<16xi32>, vector<16xi1>) -> (vector<16xi1>, vector<16xi32>, vector<16xi32>)
      %sort3A_203 = arith.constant dense<true> : vector<16xi1>
      %sort3A_204, %sort3A_205, %sort3A_206 = tpu.sort %select_n3A_80, %select_n3A_80 masked %sort3A_203 : (vector<16xi32>, vector<16xi32>, vector<16xi1>) -> (vector<16xi1>, vector<16xi32>, vector<16xi32>)
      %sort3A_207 = arith.constant dense<true> : vector<16xi1>
      %sort3A_208, %sort3A_209, %sort3A_210 = tpu.sort %select_n3A_91, %select_n3A_91 masked %sort3A_207 : (vector<16xi32>, vector<16xi32>, vector<16xi1>) -> (vector<16xi1>, vector<16xi32>, vector<16xi32>)
      %sort3A_211 = arith.constant dense<true> : vector<16xi1>
      %sort3A_212, %sort3A_213, %sort3A_214 = tpu.sort %select_n3A_102, %select_n3A_102 masked %sort3A_211 : (vector<16xi32>, vector<16xi32>, vector<16xi1>) -> (vector<16xi1>, vector<16xi32>, vector<16xi32>)
      %sort3A_215 = arith.constant dense<true> : vector<16xi1>
      %sort3A_216, %sort3A_217, %sort3A_218 = tpu.sort %select_n3A_113, %select_n3A_113 masked %sort3A_215 : (vector<16xi32>, vector<16xi32>, vector<16xi1>) -> (vector<16xi1>, vector<16xi32>, vector<16xi32>)
      %sort3A_219 = arith.constant dense<true> : vector<16xi1>
      %sort3A_220, %sort3A_221, %sort3A_222 = tpu.sort %select_n3A_124, %select_n3A_124 masked %sort3A_219 : (vector<16xi32>, vector<16xi32>, vector<16xi1>) -> (vector<16xi1>, vector<16xi32>, vector<16xi32>)
      %sort3A_223 = arith.constant dense<true> : vector<16xi1>
      %sort3A_224, %sort3A_225, %sort3A_226 = tpu.sort %select_n3A_135, %select_n3A_135 masked %sort3A_223 : (vector<16xi32>, vector<16xi32>, vector<16xi1>) -> (vector<16xi1>, vector<16xi32>, vector<16xi32>)
      %sort3A_227 = arith.constant dense<true> : vector<16xi1>
      %sort3A_228, %sort3A_229, %sort3A_230 = tpu.sort %select_n3A_146, %select_n3A_146 masked %sort3A_227 : (vector<16xi32>, vector<16xi32>, vector<16xi1>) -> (vector<16xi1>, vector<16xi32>, vector<16xi32>)
      %sort3A_231 = arith.constant dense<true> : vector<16xi1>
      %sort3A_232, %sort3A_233, %sort3A_234 = tpu.sort %select_n3A_157, %select_n3A_157 masked %sort3A_231 : (vector<16xi32>, vector<16xi32>, vector<16xi1>) -> (vector<16xi1>, vector<16xi32>, vector<16xi32>)
      %sort3A_235 = arith.constant dense<true> : vector<16xi1>
      %sort3A_236, %sort3A_237, %sort3A_238 = tpu.sort %select_n3A_168, %select_n3A_168 masked %sort3A_235 : (vector<16xi32>, vector<16xi32>, vector<16xi1>) -> (vector<16xi1>, vector<16xi32>, vector<16xi32>)
      %sort3A_239 = arith.constant dense<true> : vector<16xi1>
      %sort3A_240, %sort3A_241, %sort3A_242 = tpu.sort %select_n3A_179, %select_n3A_179 masked %sort3A_239 : (vector<16xi32>, vector<16xi32>, vector<16xi1>) -> (vector<16xi1>, vector<16xi32>, vector<16xi32>)
      %rev3A = arith.constant 15 : i32
      %rev3A_243 = vector.broadcast %rev3A : i32 to vector<16xi32>
      %rev3A_244 = tpu.iota {dimensions = array<i32: 0>} : vector<16xi32>
      %rev3A_245 = arith.subi %rev3A_243, %rev3A_244 : vector<16xi32>
      %rev3A_246 = tpu.dynamic_gather %sort3A_185[%rev3A_245] in [0] : vector<16xi32>, vector<16xi32> -> vector<16xi32>
      %min3A = arith.minsi %sort3A_181, %rev3A_246 : vector<16xi32>
      %sort3A_247 = arith.constant dense<true> : vector<16xi1>
      %sort3A_248, %sort3A_249, %sort3A_250 = tpu.sort %min3A, %min3A masked %sort3A_247 : (vector<16xi32>, vector<16xi32>, vector<16xi1>) -> (vector<16xi1>, vector<16xi32>, vector<16xi32>)
      %max3A = arith.maxsi %sort3A_181, %rev3A_246 : vector<16xi32>
      %sort3A_251 = arith.constant dense<true> : vector<16xi1>
      %sort3A_252, %sort3A_253, %sort3A_254 = tpu.sort %max3A, %max3A masked %sort3A_251 : (vector<16xi32>, vector<16xi32>, vector<16xi1>) -> (vector<16xi1>, vector<16xi32>, vector<16xi32>)
      %rev3A_255 = arith.constant 15 : i32
      %rev3A_256 = vector.broadcast %rev3A_255 : i32 to vector<16xi32>
      %rev3A_257 = tpu.iota {dimensions = array<i32: 0>} : vector<16xi32>
      %rev3A_258 = arith.subi %rev3A_256, %rev3A_257 : vector<16xi32>
      %rev3A_259 = tpu.dynamic_gather %sort3A_193[%rev3A_258] in [0] : vector<16xi32>, vector<16xi32> -> vector<16xi32>
      %min3A_260 = arith.minsi %sort3A_189, %rev3A_259 : vector<16xi32>
      %sort3A_261 = arith.constant dense<true> : vector<16xi1>
      %sort3A_262, %sort3A_263, %sort3A_264 = tpu.sort %min3A_260, %min3A_260 masked %sort3A_261 : (vector<16xi32>, vector<16xi32>, vector<16xi1>) -> (vector<16xi1>, vector<16xi32>, vector<16xi32>)
      %max3A_265 = arith.maxsi %sort3A_189, %rev3A_259 : vector<16xi32>
      %sort3A_266 = arith.constant dense<true> : vector<16xi1>
      %sort3A_267, %sort3A_268, %sort3A_269 = tpu.sort %max3A_265, %max3A_265 masked %sort3A_266 : (vector<16xi32>, vector<16xi32>, vector<16xi1>) -> (vector<16xi1>, vector<16xi32>, vector<16xi32>)
      %rev3A_270 = arith.constant 15 : i32
      %rev3A_271 = vector.broadcast %rev3A_270 : i32 to vector<16xi32>
      %rev3A_272 = tpu.iota {dimensions = array<i32: 0>} : vector<16xi32>
      %rev3A_273 = arith.subi %rev3A_271, %rev3A_272 : vector<16xi32>
      %rev3A_274 = tpu.dynamic_gather %sort3A_201[%rev3A_273] in [0] : vector<16xi32>, vector<16xi32> -> vector<16xi32>
      %min3A_275 = arith.minsi %sort3A_197, %rev3A_274 : vector<16xi32>
      %sort3A_276 = arith.constant dense<true> : vector<16xi1>
      %sort3A_277, %sort3A_278, %sort3A_279 = tpu.sort %min3A_275, %min3A_275 masked %sort3A_276 : (vector<16xi32>, vector<16xi32>, vector<16xi1>) -> (vector<16xi1>, vector<16xi32>, vector<16xi32>)
      %max3A_280 = arith.maxsi %sort3A_197, %rev3A_274 : vector<16xi32>
      %sort3A_281 = arith.constant dense<true> : vector<16xi1>
      %sort3A_282, %sort3A_283, %sort3A_284 = tpu.sort %max3A_280, %max3A_280 masked %sort3A_281 : (vector<16xi32>, vector<16xi32>, vector<16xi1>) -> (vector<16xi1>, vector<16xi32>, vector<16xi32>)
      %rev3A_285 = arith.constant 15 : i32
      %rev3A_286 = vector.broadcast %rev3A_285 : i32 to vector<16xi32>
      %rev3A_287 = tpu.iota {dimensions = array<i32: 0>} : vector<16xi32>
      %rev3A_288 = arith.subi %rev3A_286, %rev3A_287 : vector<16xi32>
      %rev3A_289 = tpu.dynamic_gather %sort3A_209[%rev3A_288] in [0] : vector<16xi32>, vector<16xi32> -> vector<16xi32>
      %min3A_290 = arith.minsi %sort3A_205, %rev3A_289 : vector<16xi32>
      %sort3A_291 = arith.constant dense<true> : vector<16xi1>
      %sort3A_292, %sort3A_293, %sort3A_294 = tpu.sort %min3A_290, %min3A_290 masked %sort3A_291 : (vector<16xi32>, vector<16xi32>, vector<16xi1>) -> (vector<16xi1>, vector<16xi32>, vector<16xi32>)
      %max3A_295 = arith.maxsi %sort3A_205, %rev3A_289 : vector<16xi32>
      %sort3A_296 = arith.constant dense<true> : vector<16xi1>
      %sort3A_297, %sort3A_298, %sort3A_299 = tpu.sort %max3A_295, %max3A_295 masked %sort3A_296 : (vector<16xi32>, vector<16xi32>, vector<16xi1>) -> (vector<16xi1>, vector<16xi32>, vector<16xi32>)
      %rev3A_300 = arith.constant 15 : i32
      %rev3A_301 = vector.broadcast %rev3A_300 : i32 to vector<16xi32>
      %rev3A_302 = tpu.iota {dimensions = array<i32: 0>} : vector<16xi32>
      %rev3A_303 = arith.subi %rev3A_301, %rev3A_302 : vector<16xi32>
      %rev3A_304 = tpu.dynamic_gather %sort3A_217[%rev3A_303] in [0] : vector<16xi32>, vector<16xi32> -> vector<16xi32>
      %min3A_305 = arith.minsi %sort3A_213, %rev3A_304 : vector<16xi32>
      %sort3A_306 = arith.constant dense<true> : vector<16xi1>
      %sort3A_307, %sort3A_308, %sort3A_309 = tpu.sort %min3A_305, %min3A_305 masked %sort3A_306 : (vector<16xi32>, vector<16xi32>, vector<16xi1>) -> (vector<16xi1>, vector<16xi32>, vector<16xi32>)
      %max3A_310 = arith.maxsi %sort3A_213, %rev3A_304 : vector<16xi32>
      %sort3A_311 = arith.constant dense<true> : vector<16xi1>
      %sort3A_312, %sort3A_313, %sort3A_314 = tpu.sort %max3A_310, %max3A_310 masked %sort3A_311 : (vector<16xi32>, vector<16xi32>, vector<16xi1>) -> (vector<16xi1>, vector<16xi32>, vector<16xi32>)
      %rev3A_315 = arith.constant 15 : i32
      %rev3A_316 = vector.broadcast %rev3A_315 : i32 to vector<16xi32>
      %rev3A_317 = tpu.iota {dimensions = array<i32: 0>} : vector<16xi32>
      %rev3A_318 = arith.subi %rev3A_316, %rev3A_317 : vector<16xi32>
      %rev3A_319 = tpu.dynamic_gather %sort3A_225[%rev3A_318] in [0] : vector<16xi32>, vector<16xi32> -> vector<16xi32>
      %min3A_320 = arith.minsi %sort3A_221, %rev3A_319 : vector<16xi32>
      %sort3A_321 = arith.constant dense<true> : vector<16xi1>
      %sort3A_322, %sort3A_323, %sort3A_324 = tpu.sort %min3A_320, %min3A_320 masked %sort3A_321 : (vector<16xi32>, vector<16xi32>, vector<16xi1>) -> (vector<16xi1>, vector<16xi32>, vector<16xi32>)
      %max3A_325 = arith.maxsi %sort3A_221, %rev3A_319 : vector<16xi32>
      %sort3A_326 = arith.constant dense<true> : vector<16xi1>
      %sort3A_327, %sort3A_328, %sort3A_329 = tpu.sort %max3A_325, %max3A_325 masked %sort3A_326 : (vector<16xi32>, vector<16xi32>, vector<16xi1>) -> (vector<16xi1>, vector<16xi32>, vector<16xi32>)
      %rev3A_330 = arith.constant 15 : i32
      %rev3A_331 = vector.broadcast %rev3A_330 : i32 to vector<16xi32>
      %rev3A_332 = tpu.iota {dimensions = array<i32: 0>} : vector<16xi32>
      %rev3A_333 = arith.subi %rev3A_331, %rev3A_332 : vector<16xi32>
      %rev3A_334 = tpu.dynamic_gather %sort3A_233[%rev3A_333] in [0] : vector<16xi32>, vector<16xi32> -> vector<16xi32>
      %min3A_335 = arith.minsi %sort3A_229, %rev3A_334 : vector<16xi32>
      %sort3A_336 = arith.constant dense<true> : vector<16xi1>
      %sort3A_337, %sort3A_338, %sort3A_339 = tpu.sort %min3A_335, %min3A_335 masked %sort3A_336 : (vector<16xi32>, vector<16xi32>, vector<16xi1>) -> (vector<16xi1>, vector<16xi32>, vector<16xi32>)
      %max3A_340 = arith.maxsi %sort3A_229, %rev3A_334 : vector<16xi32>
      %sort3A_341 = arith.constant dense<true> : vector<16xi1>
      %sort3A_342, %sort3A_343, %sort3A_344 = tpu.sort %max3A_340, %max3A_340 masked %sort3A_341 : (vector<16xi32>, vector<16xi32>, vector<16xi1>) -> (vector<16xi1>, vector<16xi32>, vector<16xi32>)
      %rev3A_345 = arith.constant 15 : i32
      %rev3A_346 = vector.broadcast %rev3A_345 : i32 to vector<16xi32>
      %rev3A_347 = tpu.iota {dimensions = array<i32: 0>} : vector<16xi32>
      %rev3A_348 = arith.subi %rev3A_346, %rev3A_347 : vector<16xi32>
      %rev3A_349 = tpu.dynamic_gather %sort3A_241[%rev3A_348] in [0] : vector<16xi32>, vector<16xi32> -> vector<16xi32>
      %min3A_350 = arith.minsi %sort3A_237, %rev3A_349 : vector<16xi32>
      %sort3A_351 = arith.constant dense<true> : vector<16xi1>
      %sort3A_352, %sort3A_353, %sort3A_354 = tpu.sort %min3A_350, %min3A_350 masked %sort3A_351 : (vector<16xi32>, vector<16xi32>, vector<16xi1>) -> (vector<16xi1>, vector<16xi32>, vector<16xi32>)
      %max3A_355 = arith.maxsi %sort3A_237, %rev3A_349 : vector<16xi32>
      %sort3A_356 = arith.constant dense<true> : vector<16xi1>
      %sort3A_357, %sort3A_358, %sort3A_359 = tpu.sort %max3A_355, %max3A_355 masked %sort3A_356 : (vector<16xi32>, vector<16xi32>, vector<16xi1>) -> (vector<16xi1>, vector<16xi32>, vector<16xi32>)
      %rev3A_360 = arith.constant 15 : i32
      %rev3A_361 = vector.broadcast %rev3A_360 : i32 to vector<16xi32>
      %rev3A_362 = tpu.iota {dimensions = array<i32: 0>} : vector<16xi32>
      %rev3A_363 = arith.subi %rev3A_361, %rev3A_362 : vector<16xi32>
      %rev3A_364 = tpu.dynamic_gather %sort3A_268[%rev3A_363] in [0] : vector<16xi32>, vector<16xi32> -> vector<16xi32>
      %max3A_365 = arith.maxsi %sort3A_249, %rev3A_364 : vector<16xi32>
      %rev3A_366 = arith.constant 15 : i32
      %rev3A_367 = vector.broadcast %rev3A_366 : i32 to vector<16xi32>
      %rev3A_368 = tpu.iota {dimensions = array<i32: 0>} : vector<16xi32>
      %rev3A_369 = arith.subi %rev3A_367, %rev3A_368 : vector<16xi32>
      %rev3A_370 = tpu.dynamic_gather %sort3A_263[%rev3A_369] in [0] : vector<16xi32>, vector<16xi32> -> vector<16xi32>
      %max3A_371 = arith.maxsi %sort3A_253, %rev3A_370 : vector<16xi32>
      %sort3A_372 = arith.constant dense<true> : vector<16xi1>
      %sort3A_373, %sort3A_374, %sort3A_375 = tpu.sort %max3A_365, %max3A_365 masked %sort3A_372 : (vector<16xi32>, vector<16xi32>, vector<16xi1>) -> (vector<16xi1>, vector<16xi32>, vector<16xi32>)
      %sort3A_376 = arith.constant dense<true> : vector<16xi1>
      %sort3A_377, %sort3A_378, %sort3A_379 = tpu.sort %max3A_371, %max3A_371 masked %sort3A_376 : (vector<16xi32>, vector<16xi32>, vector<16xi1>) -> (vector<16xi1>, vector<16xi32>, vector<16xi32>)
      %rev3A_380 = arith.constant 15 : i32
      %rev3A_381 = vector.broadcast %rev3A_380 : i32 to vector<16xi32>
      %rev3A_382 = tpu.iota {dimensions = array<i32: 0>} : vector<16xi32>
      %rev3A_383 = arith.subi %rev3A_381, %rev3A_382 : vector<16xi32>
      %rev3A_384 = tpu.dynamic_gather %sort3A_378[%rev3A_383] in [0] : vector<16xi32>, vector<16xi32> -> vector<16xi32>
      %min3A_385 = arith.minsi %sort3A_374, %rev3A_384 : vector<16xi32>
      %sort3A_386 = arith.constant dense<true> : vector<16xi1>
      %sort3A_387, %sort3A_388, %sort3A_389 = tpu.sort %min3A_385, %min3A_385 masked %sort3A_386 : (vector<16xi32>, vector<16xi32>, vector<16xi1>) -> (vector<16xi1>, vector<16xi32>, vector<16xi32>)
      %max3A_390 = arith.maxsi %sort3A_374, %rev3A_384 : vector<16xi32>
      %sort3A_391 = arith.constant dense<true> : vector<16xi1>
      %sort3A_392, %sort3A_393, %sort3A_394 = tpu.sort %max3A_390, %max3A_390 masked %sort3A_391 : (vector<16xi32>, vector<16xi32>, vector<16xi1>) -> (vector<16xi1>, vector<16xi32>, vector<16xi32>)
      %rev3A_395 = arith.constant 15 : i32
      %rev3A_396 = vector.broadcast %rev3A_395 : i32 to vector<16xi32>
      %rev3A_397 = tpu.iota {dimensions = array<i32: 0>} : vector<16xi32>
      %rev3A_398 = arith.subi %rev3A_396, %rev3A_397 : vector<16xi32>
      %rev3A_399 = tpu.dynamic_gather %sort3A_298[%rev3A_398] in [0] : vector<16xi32>, vector<16xi32> -> vector<16xi32>
      %max3A_400 = arith.maxsi %sort3A_278, %rev3A_399 : vector<16xi32>
      %rev3A_401 = arith.constant 15 : i32
      %rev3A_402 = vector.broadcast %rev3A_401 : i32 to vector<16xi32>
      %rev3A_403 = tpu.iota {dimensions = array<i32: 0>} : vector<16xi32>
      %rev3A_404 = arith.subi %rev3A_402, %rev3A_403 : vector<16xi32>
      %rev3A_405 = tpu.dynamic_gather %sort3A_293[%rev3A_404] in [0] : vector<16xi32>, vector<16xi32> -> vector<16xi32>
      %max3A_406 = arith.maxsi %sort3A_283, %rev3A_405 : vector<16xi32>
      %sort3A_407 = arith.constant dense<true> : vector<16xi1>
      %sort3A_408, %sort3A_409, %sort3A_410 = tpu.sort %max3A_400, %max3A_400 masked %sort3A_407 : (vector<16xi32>, vector<16xi32>, vector<16xi1>) -> (vector<16xi1>, vector<16xi32>, vector<16xi32>)
      %sort3A_411 = arith.constant dense<true> : vector<16xi1>
      %sort3A_412, %sort3A_413, %sort3A_414 = tpu.sort %max3A_406, %max3A_406 masked %sort3A_411 : (vector<16xi32>, vector<16xi32>, vector<16xi1>) -> (vector<16xi1>, vector<16xi32>, vector<16xi32>)
      %rev3A_415 = arith.constant 15 : i32
      %rev3A_416 = vector.broadcast %rev3A_415 : i32 to vector<16xi32>
      %rev3A_417 = tpu.iota {dimensions = array<i32: 0>} : vector<16xi32>
      %rev3A_418 = arith.subi %rev3A_416, %rev3A_417 : vector<16xi32>
      %rev3A_419 = tpu.dynamic_gather %sort3A_413[%rev3A_418] in [0] : vector<16xi32>, vector<16xi32> -> vector<16xi32>
      %min3A_420 = arith.minsi %sort3A_409, %rev3A_419 : vector<16xi32>
      %sort3A_421 = arith.constant dense<true> : vector<16xi1>
      %sort3A_422, %sort3A_423, %sort3A_424 = tpu.sort %min3A_420, %min3A_420 masked %sort3A_421 : (vector<16xi32>, vector<16xi32>, vector<16xi1>) -> (vector<16xi1>, vector<16xi32>, vector<16xi32>)
      %max3A_425 = arith.maxsi %sort3A_409, %rev3A_419 : vector<16xi32>
      %sort3A_426 = arith.constant dense<true> : vector<16xi1>
      %sort3A_427, %sort3A_428, %sort3A_429 = tpu.sort %max3A_425, %max3A_425 masked %sort3A_426 : (vector<16xi32>, vector<16xi32>, vector<16xi1>) -> (vector<16xi1>, vector<16xi32>, vector<16xi32>)
      %rev3A_430 = arith.constant 15 : i32
      %rev3A_431 = vector.broadcast %rev3A_430 : i32 to vector<16xi32>
      %rev3A_432 = tpu.iota {dimensions = array<i32: 0>} : vector<16xi32>
      %rev3A_433 = arith.subi %rev3A_431, %rev3A_432 : vector<16xi32>
      %rev3A_434 = tpu.dynamic_gather %sort3A_328[%rev3A_433] in [0] : vector<16xi32>, vector<16xi32> -> vector<16xi32>
      %max3A_435 = arith.maxsi %sort3A_308, %rev3A_434 : vector<16xi32>
      %rev3A_436 = arith.constant 15 : i32
      %rev3A_437 = vector.broadcast %rev3A_436 : i32 to vector<16xi32>
      %rev3A_438 = tpu.iota {dimensions = array<i32: 0>} : vector<16xi32>
      %rev3A_439 = arith.subi %rev3A_437, %rev3A_438 : vector<16xi32>
      %rev3A_440 = tpu.dynamic_gather %sort3A_323[%rev3A_439] in [0] : vector<16xi32>, vector<16xi32> -> vector<16xi32>
      %max3A_441 = arith.maxsi %sort3A_313, %rev3A_440 : vector<16xi32>
      %sort3A_442 = arith.constant dense<true> : vector<16xi1>
      %sort3A_443, %sort3A_444, %sort3A_445 = tpu.sort %max3A_435, %max3A_435 masked %sort3A_442 : (vector<16xi32>, vector<16xi32>, vector<16xi1>) -> (vector<16xi1>, vector<16xi32>, vector<16xi32>)
      %sort3A_446 = arith.constant dense<true> : vector<16xi1>
      %sort3A_447, %sort3A_448, %sort3A_449 = tpu.sort %max3A_441, %max3A_441 masked %sort3A_446 : (vector<16xi32>, vector<16xi32>, vector<16xi1>) -> (vector<16xi1>, vector<16xi32>, vector<16xi32>)
      %rev3A_450 = arith.constant 15 : i32
      %rev3A_451 = vector.broadcast %rev3A_450 : i32 to vector<16xi32>
      %rev3A_452 = tpu.iota {dimensions = array<i32: 0>} : vector<16xi32>
      %rev3A_453 = arith.subi %rev3A_451, %rev3A_452 : vector<16xi32>
      %rev3A_454 = tpu.dynamic_gather %sort3A_448[%rev3A_453] in [0] : vector<16xi32>, vector<16xi32> -> vector<16xi32>
      %min3A_455 = arith.minsi %sort3A_444, %rev3A_454 : vector<16xi32>
      %sort3A_456 = arith.constant dense<true> : vector<16xi1>
      %sort3A_457, %sort3A_458, %sort3A_459 = tpu.sort %min3A_455, %min3A_455 masked %sort3A_456 : (vector<16xi32>, vector<16xi32>, vector<16xi1>) -> (vector<16xi1>, vector<16xi32>, vector<16xi32>)
      %max3A_460 = arith.maxsi %sort3A_444, %rev3A_454 : vector<16xi32>
      %sort3A_461 = arith.constant dense<true> : vector<16xi1>
      %sort3A_462, %sort3A_463, %sort3A_464 = tpu.sort %max3A_460, %max3A_460 masked %sort3A_461 : (vector<16xi32>, vector<16xi32>, vector<16xi1>) -> (vector<16xi1>, vector<16xi32>, vector<16xi32>)
      %rev3A_465 = arith.constant 15 : i32
      %rev3A_466 = vector.broadcast %rev3A_465 : i32 to vector<16xi32>
      %rev3A_467 = tpu.iota {dimensions = array<i32: 0>} : vector<16xi32>
      %rev3A_468 = arith.subi %rev3A_466, %rev3A_467 : vector<16xi32>
      %rev3A_469 = tpu.dynamic_gather %sort3A_358[%rev3A_468] in [0] : vector<16xi32>, vector<16xi32> -> vector<16xi32>
      %max3A_470 = arith.maxsi %sort3A_338, %rev3A_469 : vector<16xi32>
      %rev3A_471 = arith.constant 15 : i32
      %rev3A_472 = vector.broadcast %rev3A_471 : i32 to vector<16xi32>
      %rev3A_473 = tpu.iota {dimensions = array<i32: 0>} : vector<16xi32>
      %rev3A_474 = arith.subi %rev3A_472, %rev3A_473 : vector<16xi32>
      %rev3A_475 = tpu.dynamic_gather %sort3A_353[%rev3A_474] in [0] : vector<16xi32>, vector<16xi32> -> vector<16xi32>
      %max3A_476 = arith.maxsi %sort3A_343, %rev3A_475 : vector<16xi32>
      %sort3A_477 = arith.constant dense<true> : vector<16xi1>
      %sort3A_478, %sort3A_479, %sort3A_480 = tpu.sort %max3A_470, %max3A_470 masked %sort3A_477 : (vector<16xi32>, vector<16xi32>, vector<16xi1>) -> (vector<16xi1>, vector<16xi32>, vector<16xi32>)
      %sort3A_481 = arith.constant dense<true> : vector<16xi1>
      %sort3A_482, %sort3A_483, %sort3A_484 = tpu.sort %max3A_476, %max3A_476 masked %sort3A_481 : (vector<16xi32>, vector<16xi32>, vector<16xi1>) -> (vector<16xi1>, vector<16xi32>, vector<16xi32>)
      %rev3A_485 = arith.constant 15 : i32
      %rev3A_486 = vector.broadcast %rev3A_485 : i32 to vector<16xi32>
      %rev3A_487 = tpu.iota {dimensions = array<i32: 0>} : vector<16xi32>
      %rev3A_488 = arith.subi %rev3A_486, %rev3A_487 : vector<16xi32>
      %rev3A_489 = tpu.dynamic_gather %sort3A_483[%rev3A_488] in [0] : vector<16xi32>, vector<16xi32> -> vector<16xi32>
      %min3A_490 = arith.minsi %sort3A_479, %rev3A_489 : vector<16xi32>
      %sort3A_491 = arith.constant dense<true> : vector<16xi1>
      %sort3A_492, %sort3A_493, %sort3A_494 = tpu.sort %min3A_490, %min3A_490 masked %sort3A_491 : (vector<16xi32>, vector<16xi32>, vector<16xi1>) -> (vector<16xi1>, vector<16xi32>, vector<16xi32>)
      %max3A_495 = arith.maxsi %sort3A_479, %rev3A_489 : vector<16xi32>
      %sort3A_496 = arith.constant dense<true> : vector<16xi1>
      %sort3A_497, %sort3A_498, %sort3A_499 = tpu.sort %max3A_495, %max3A_495 masked %sort3A_496 : (vector<16xi32>, vector<16xi32>, vector<16xi1>) -> (vector<16xi1>, vector<16xi32>, vector<16xi32>)
      %rev3A_500 = arith.constant 15 : i32
      %rev3A_501 = vector.broadcast %rev3A_500 : i32 to vector<16xi32>
      %rev3A_502 = tpu.iota {dimensions = array<i32: 0>} : vector<16xi32>
      %rev3A_503 = arith.subi %rev3A_501, %rev3A_502 : vector<16xi32>
      %rev3A_504 = tpu.dynamic_gather %sort3A_428[%rev3A_503] in [0] : vector<16xi32>, vector<16xi32> -> vector<16xi32>
      %max3A_505 = arith.maxsi %sort3A_388, %rev3A_504 : vector<16xi32>
      %rev3A_506 = arith.constant 15 : i32
      %rev3A_507 = vector.broadcast %rev3A_506 : i32 to vector<16xi32>
      %rev3A_508 = tpu.iota {dimensions = array<i32: 0>} : vector<16xi32>
      %rev3A_509 = arith.subi %rev3A_507, %rev3A_508 : vector<16xi32>
      %rev3A_510 = tpu.dynamic_gather %sort3A_423[%rev3A_509] in [0] : vector<16xi32>, vector<16xi32> -> vector<16xi32>
      %max3A_511 = arith.maxsi %sort3A_393, %rev3A_510 : vector<16xi32>
      %sort3A_512 = arith.constant dense<true> : vector<16xi1>
      %sort3A_513, %sort3A_514, %sort3A_515 = tpu.sort %max3A_505, %max3A_505 masked %sort3A_512 : (vector<16xi32>, vector<16xi32>, vector<16xi1>) -> (vector<16xi1>, vector<16xi32>, vector<16xi32>)
      %sort3A_516 = arith.constant dense<true> : vector<16xi1>
      %sort3A_517, %sort3A_518, %sort3A_519 = tpu.sort %max3A_511, %max3A_511 masked %sort3A_516 : (vector<16xi32>, vector<16xi32>, vector<16xi1>) -> (vector<16xi1>, vector<16xi32>, vector<16xi32>)
      %rev3A_520 = arith.constant 15 : i32
      %rev3A_521 = vector.broadcast %rev3A_520 : i32 to vector<16xi32>
      %rev3A_522 = tpu.iota {dimensions = array<i32: 0>} : vector<16xi32>
      %rev3A_523 = arith.subi %rev3A_521, %rev3A_522 : vector<16xi32>
      %rev3A_524 = tpu.dynamic_gather %sort3A_518[%rev3A_523] in [0] : vector<16xi32>, vector<16xi32> -> vector<16xi32>
      %min3A_525 = arith.minsi %sort3A_514, %rev3A_524 : vector<16xi32>
      %sort3A_526 = arith.constant dense<true> : vector<16xi1>
      %sort3A_527, %sort3A_528, %sort3A_529 = tpu.sort %min3A_525, %min3A_525 masked %sort3A_526 : (vector<16xi32>, vector<16xi32>, vector<16xi1>) -> (vector<16xi1>, vector<16xi32>, vector<16xi32>)
      %max3A_530 = arith.maxsi %sort3A_514, %rev3A_524 : vector<16xi32>
      %sort3A_531 = arith.constant dense<true> : vector<16xi1>
      %sort3A_532, %sort3A_533, %sort3A_534 = tpu.sort %max3A_530, %max3A_530 masked %sort3A_531 : (vector<16xi32>, vector<16xi32>, vector<16xi1>) -> (vector<16xi1>, vector<16xi32>, vector<16xi32>)
      %rev3A_535 = arith.constant 15 : i32
      %rev3A_536 = vector.broadcast %rev3A_535 : i32 to vector<16xi32>
      %rev3A_537 = tpu.iota {dimensions = array<i32: 0>} : vector<16xi32>
      %rev3A_538 = arith.subi %rev3A_536, %rev3A_537 : vector<16xi32>
      %rev3A_539 = tpu.dynamic_gather %sort3A_498[%rev3A_538] in [0] : vector<16xi32>, vector<16xi32> -> vector<16xi32>
      %max3A_540 = arith.maxsi %sort3A_458, %rev3A_539 : vector<16xi32>
      %rev3A_541 = arith.constant 15 : i32
      %rev3A_542 = vector.broadcast %rev3A_541 : i32 to vector<16xi32>
      %rev3A_543 = tpu.iota {dimensions = array<i32: 0>} : vector<16xi32>
      %rev3A_544 = arith.subi %rev3A_542, %rev3A_543 : vector<16xi32>
      %rev3A_545 = tpu.dynamic_gather %sort3A_493[%rev3A_544] in [0] : vector<16xi32>, vector<16xi32> -> vector<16xi32>
      %max3A_546 = arith.maxsi %sort3A_463, %rev3A_545 : vector<16xi32>
      %sort3A_547 = arith.constant dense<true> : vector<16xi1>
      %sort3A_548, %sort3A_549, %sort3A_550 = tpu.sort %max3A_540, %max3A_540 masked %sort3A_547 : (vector<16xi32>, vector<16xi32>, vector<16xi1>) -> (vector<16xi1>, vector<16xi32>, vector<16xi32>)
      %sort3A_551 = arith.constant dense<true> : vector<16xi1>
      %sort3A_552, %sort3A_553, %sort3A_554 = tpu.sort %max3A_546, %max3A_546 masked %sort3A_551 : (vector<16xi32>, vector<16xi32>, vector<16xi1>) -> (vector<16xi1>, vector<16xi32>, vector<16xi32>)
      %rev3A_555 = arith.constant 15 : i32
      %rev3A_556 = vector.broadcast %rev3A_555 : i32 to vector<16xi32>
      %rev3A_557 = tpu.iota {dimensions = array<i32: 0>} : vector<16xi32>
      %rev3A_558 = arith.subi %rev3A_556, %rev3A_557 : vector<16xi32>
      %rev3A_559 = tpu.dynamic_gather %sort3A_553[%rev3A_558] in [0] : vector<16xi32>, vector<16xi32> -> vector<16xi32>
      %min3A_560 = arith.minsi %sort3A_549, %rev3A_559 : vector<16xi32>
      %sort3A_561 = arith.constant dense<true> : vector<16xi1>
      %sort3A_562, %sort3A_563, %sort3A_564 = tpu.sort %min3A_560, %min3A_560 masked %sort3A_561 : (vector<16xi32>, vector<16xi32>, vector<16xi1>) -> (vector<16xi1>, vector<16xi32>, vector<16xi32>)
      %max3A_565 = arith.maxsi %sort3A_549, %rev3A_559 : vector<16xi32>
      %sort3A_566 = arith.constant dense<true> : vector<16xi1>
      %sort3A_567, %sort3A_568, %sort3A_569 = tpu.sort %max3A_565, %max3A_565 masked %sort3A_566 : (vector<16xi32>, vector<16xi32>, vector<16xi1>) -> (vector<16xi1>, vector<16xi32>, vector<16xi32>)
      %rev3A_570 = arith.constant 15 : i32
      %rev3A_571 = vector.broadcast %rev3A_570 : i32 to vector<16xi32>
      %rev3A_572 = tpu.iota {dimensions = array<i32: 0>} : vector<16xi32>
      %rev3A_573 = arith.subi %rev3A_571, %rev3A_572 : vector<16xi32>
      %rev3A_574 = tpu.dynamic_gather %sort3A_568[%rev3A_573] in [0] : vector<16xi32>, vector<16xi32> -> vector<16xi32>
      %max3A_575 = arith.maxsi %sort3A_528, %rev3A_574 : vector<16xi32>
      %rev3A_576 = arith.constant 15 : i32
      %rev3A_577 = vector.broadcast %rev3A_576 : i32 to vector<16xi32>
      %rev3A_578 = tpu.iota {dimensions = array<i32: 0>} : vector<16xi32>
      %rev3A_579 = arith.subi %rev3A_577, %rev3A_578 : vector<16xi32>
      %rev3A_580 = tpu.dynamic_gather %sort3A_563[%rev3A_579] in [0] : vector<16xi32>, vector<16xi32> -> vector<16xi32>
      %max3A_581 = arith.maxsi %sort3A_533, %rev3A_580 : vector<16xi32>
      %sort3A_582 = arith.constant dense<true> : vector<16xi1>
      %sort3A_583, %sort3A_584, %sort3A_585 = tpu.sort %max3A_575, %max3A_575 masked %sort3A_582 : (vector<16xi32>, vector<16xi32>, vector<16xi1>) -> (vector<16xi1>, vector<16xi32>, vector<16xi32>)
      %sort3A_586 = arith.constant dense<true> : vector<16xi1>
      %sort3A_587, %sort3A_588, %sort3A_589 = tpu.sort %max3A_581, %max3A_581 masked %sort3A_586 : (vector<16xi32>, vector<16xi32>, vector<16xi1>) -> (vector<16xi1>, vector<16xi32>, vector<16xi32>)
      %rev3A_590 = arith.constant 15 : i32
      %rev3A_591 = vector.broadcast %rev3A_590 : i32 to vector<16xi32>
      %rev3A_592 = tpu.iota {dimensions = array<i32: 0>} : vector<16xi32>
      %rev3A_593 = arith.subi %rev3A_591, %rev3A_592 : vector<16xi32>
      %rev3A_594 = tpu.dynamic_gather %sort3A_588[%rev3A_593] in [0] : vector<16xi32>, vector<16xi32> -> vector<16xi32>
      %min3A_595 = arith.minsi %sort3A_584, %rev3A_594 : vector<16xi32>
      %sort3A_596 = arith.constant dense<true> : vector<16xi1>
      %sort3A_597, %sort3A_598, %sort3A_599 = tpu.sort %min3A_595, %min3A_595 masked %sort3A_596 : (vector<16xi32>, vector<16xi32>, vector<16xi1>) -> (vector<16xi1>, vector<16xi32>, vector<16xi32>)
      %max3A_600 = arith.maxsi %sort3A_584, %rev3A_594 : vector<16xi32>
      %sort3A_601 = arith.constant dense<true> : vector<16xi1>
      %sort3A_602, %sort3A_603, %sort3A_604 = tpu.sort %max3A_600, %max3A_600 masked %sort3A_601 : (vector<16xi32>, vector<16xi32>, vector<16xi1>) -> (vector<16xi1>, vector<16xi32>, vector<16xi32>)
      %iota3A = tpu.iota {dimensions = array<i32: 0>} : vector<16xi32>
      %broadcast_in_dim3A = arith.constant -1069547520 : i32
      %broadcast_in_dim3A_605 = vector.broadcast %broadcast_in_dim3A : i32 to vector<16xi32>
      %eq3A = arith.constant 2 : i32
      %eq3A_606 = vector.broadcast %eq3A : i32 to vector<16xi32>
      %eq3A_607 = arith.cmpi eq, %iota3A, %eq3A_606 : vector<16xi32>
      %select_n3A_608 = arith.select %eq3A_607, %sort3A_598, %broadcast_in_dim3A_605 : vector<16xi1>, vector<16xi32>
      %reduce_max3A = arith.constant true
      %reduce_max3A_609 = vector.broadcast %reduce_max3A : i1 to vector<16xi1>
      %reduce_max3A_610 = arith.constant -2147483648 : i32
      %reduce_max3A_611 = vector.broadcast %reduce_max3A_610 : i32 to vector<16xi32>
      %reduce_max3A_612 = arith.xori %select_n3A_608, %reduce_max3A_611 : vector<16xi32>
      %reduce_max3A_613 = tpu.scan <max>, %reduce_max3A_612 masked %reduce_max3A_609 : vector<16xi32>, vector<16xi1> -> vector<16xi32>
      %reduce_max3A_614 = arith.xori %reduce_max3A_613, %reduce_max3A_611 : vector<16xi32>
      %reduce_max3A_615 = vector.extract %reduce_max3A_614[15] : i32 from vector<16xi32>
      %broadcast_in_dim3A_616 = vector.broadcast %reduce_max3A_615 : i32 to vector<16xi32>
      %broadcast_in_dim3A_617 = arith.constant 30 : i32
      %broadcast_in_dim3A_618 = vector.broadcast %broadcast_in_dim3A_617 : i32 to vector<16xi32>
      %gt3A = arith.cmpi sgt, %select_n3A, %broadcast_in_dim3A_616 : vector<16xi32>
      %all_reduce_population_count3A = tpu.all_reduce %gt3A {dim = 0 : i64, kind = #tpu.reduction_kind<sum>} : vector<16xi1> -> vector<16xi32>
      %gt3A_619 = arith.cmpi sgt, %select_n3A_25, %broadcast_in_dim3A_616 : vector<16xi32>
      %all_reduce_population_count3A_620 = tpu.all_reduce %gt3A_619 {dim = 0 : i64, kind = #tpu.reduction_kind<sum>} : vector<16xi1> -> vector<16xi32>
      %add3A_621 = arith.addi %all_reduce_population_count3A, %all_reduce_population_count3A_620 : vector<16xi32>
      %gt3A_622 = arith.cmpi sgt, %select_n3A_36, %broadcast_in_dim3A_616 : vector<16xi32>
      %all_reduce_population_count3A_623 = tpu.all_reduce %gt3A_622 {dim = 0 : i64, kind = #tpu.reduction_kind<sum>} : vector<16xi1> -> vector<16xi32>
      %add3A_624 = arith.addi %add3A_621, %all_reduce_population_count3A_623 : vector<16xi32>
      %gt3A_625 = arith.cmpi sgt, %select_n3A_47, %broadcast_in_dim3A_616 : vector<16xi32>
      %all_reduce_population_count3A_626 = tpu.all_reduce %gt3A_625 {dim = 0 : i64, kind = #tpu.reduction_kind<sum>} : vector<16xi1> -> vector<16xi32>
      %add3A_627 = arith.addi %add3A_624, %all_reduce_population_count3A_626 : vector<16xi32>
      %gt3A_628 = arith.cmpi sgt, %select_n3A_58, %broadcast_in_dim3A_616 : vector<16xi32>
      %all_reduce_population_count3A_629 = tpu.all_reduce %gt3A_628 {dim = 0 : i64, kind = #tpu.reduction_kind<sum>} : vector<16xi1> -> vector<16xi32>
      %add3A_630 = arith.addi %add3A_627, %all_reduce_population_count3A_629 : vector<16xi32>
      %gt3A_631 = arith.cmpi sgt, %select_n3A_69, %broadcast_in_dim3A_616 : vector<16xi32>
      %all_reduce_population_count3A_632 = tpu.all_reduce %gt3A_631 {dim = 0 : i64, kind = #tpu.reduction_kind<sum>} : vector<16xi1> -> vector<16xi32>
      %add3A_633 = arith.addi %add3A_630, %all_reduce_population_count3A_632 : vector<16xi32>
      %gt3A_634 = arith.cmpi sgt, %select_n3A_80, %broadcast_in_dim3A_616 : vector<16xi32>
      %all_reduce_population_count3A_635 = tpu.all_reduce %gt3A_634 {dim = 0 : i64, kind = #tpu.reduction_kind<sum>} : vector<16xi1> -> vector<16xi32>
      %add3A_636 = arith.addi %add3A_633, %all_reduce_population_count3A_635 : vector<16xi32>
      %gt3A_637 = arith.cmpi sgt, %select_n3A_91, %broadcast_in_dim3A_616 : vector<16xi32>
      %all_reduce_population_count3A_638 = tpu.all_reduce %gt3A_637 {dim = 0 : i64, kind = #tpu.reduction_kind<sum>} : vector<16xi1> -> vector<16xi32>
      %add3A_639 = arith.addi %add3A_636, %all_reduce_population_count3A_638 : vector<16xi32>
      %gt3A_640 = arith.cmpi sgt, %select_n3A_102, %broadcast_in_dim3A_616 : vector<16xi32>
      %all_reduce_population_count3A_641 = tpu.all_reduce %gt3A_640 {dim = 0 : i64, kind = #tpu.reduction_kind<sum>} : vector<16xi1> -> vector<16xi32>
      %add3A_642 = arith.addi %add3A_639, %all_reduce_population_count3A_641 : vector<16xi32>
      %gt3A_643 = arith.cmpi sgt, %select_n3A_113, %broadcast_in_dim3A_616 : vector<16xi32>
      %all_reduce_population_count3A_644 = tpu.all_reduce %gt3A_643 {dim = 0 : i64, kind = #tpu.reduction_kind<sum>} : vector<16xi1> -> vector<16xi32>
      %add3A_645 = arith.addi %add3A_642, %all_reduce_population_count3A_644 : vector<16xi32>
      %gt3A_646 = arith.cmpi sgt, %select_n3A_124, %broadcast_in_dim3A_616 : vector<16xi32>
      %all_reduce_population_count3A_647 = tpu.all_reduce %gt3A_646 {dim = 0 : i64, kind = #tpu.reduction_kind<sum>} : vector<16xi1> -> vector<16xi32>
      %add3A_648 = arith.addi %add3A_645, %all_reduce_population_count3A_647 : vector<16xi32>
      %gt3A_649 = arith.cmpi sgt, %select_n3A_135, %broadcast_in_dim3A_616 : vector<16xi32>
      %all_reduce_population_count3A_650 = tpu.all_reduce %gt3A_649 {dim = 0 : i64, kind = #tpu.reduction_kind<sum>} : vector<16xi1> -> vector<16xi32>
      %add3A_651 = arith.addi %add3A_648, %all_reduce_population_count3A_650 : vector<16xi32>
      %gt3A_652 = arith.cmpi sgt, %select_n3A_146, %broadcast_in_dim3A_616 : vector<16xi32>
      %all_reduce_population_count3A_653 = tpu.all_reduce %gt3A_652 {dim = 0 : i64, kind = #tpu.reduction_kind<sum>} : vector<16xi1> -> vector<16xi32>
      %add3A_654 = arith.addi %add3A_651, %all_reduce_population_count3A_653 : vector<16xi32>
      %gt3A_655 = arith.cmpi sgt, %select_n3A_157, %broadcast_in_dim3A_616 : vector<16xi32>
      %all_reduce_population_count3A_656 = tpu.all_reduce %gt3A_655 {dim = 0 : i64, kind = #tpu.reduction_kind<sum>} : vector<16xi1> -> vector<16xi32>
      %add3A_657 = arith.addi %add3A_654, %all_reduce_population_count3A_656 : vector<16xi32>
      %gt3A_658 = arith.cmpi sgt, %select_n3A_168, %broadcast_in_dim3A_616 : vector<16xi32>
      %all_reduce_population_count3A_659 = tpu.all_reduce %gt3A_658 {dim = 0 : i64, kind = #tpu.reduction_kind<sum>} : vector<16xi1> -> vector<16xi32>
      %add3A_660 = arith.addi %add3A_657, %all_reduce_population_count3A_659 : vector<16xi32>
      %gt3A_661 = arith.cmpi sgt, %select_n3A_179, %broadcast_in_dim3A_616 : vector<16xi32>
      %all_reduce_population_count3A_662 = tpu.all_reduce %gt3A_661 {dim = 0 : i64, kind = #tpu.reduction_kind<sum>} : vector<16xi1> -> vector<16xi32>
      %add3A_663 = arith.addi %add3A_660, %all_reduce_population_count3A_662 : vector<16xi32>
      %sub3A_664 = arith.subi %broadcast_in_dim3A_618, %add3A_663 : vector<16xi32>
      %broadcast_in_dim3A_665 = arith.constant 0 : i32
      %broadcast_in_dim3A_666 = vector.broadcast %broadcast_in_dim3A_665 : i32 to vector<16xi32>
      %gt3A_667 = arith.cmpi sgt, %select_n3A, %broadcast_in_dim3A_616 : vector<16xi32>
      %eq3A_668 = arith.cmpi eq, %select_n3A, %broadcast_in_dim3A_616 : vector<16xi32>
      %jit3A = arith.constant 1 : i32
      %jit3A_669 = arith.constant 0 : i32
      %broadcast_in_dim3A_670 = vector.broadcast %jit3A : i32 to vector<16xi32>
      %broadcast_in_dim3A_671 = vector.broadcast %jit3A_669 : i32 to vector<16xi32>
      %select_n3A_672 = arith.select %eq3A_668, %broadcast_in_dim3A_670, %broadcast_in_dim3A_671 : vector<16xi1>, vector<16xi32>
      %broadcast_in_dim3A_673 = arith.constant true
      %broadcast_in_dim3A_674 = vector.broadcast %broadcast_in_dim3A_673 : i1 to vector<16xi1>
      %masked_cumsum3A = tpu.scan <sum>, %select_n3A_672 masked %broadcast_in_dim3A_674 : vector<16xi32>, vector<16xi1> -> vector<16xi32>
      %add3A_675 = arith.addi %broadcast_in_dim3A_666, %masked_cumsum3A : vector<16xi32>
      %le3A = arith.cmpi sle, %add3A_675, %sub3A_664 : vector<16xi32>
      %and3A = arith.andi %eq3A_668, %le3A : vector<16xi1>
      %all_reduce_population_count3A_676 = tpu.all_reduce %eq3A_668 {dim = 0 : i64, kind = #tpu.reduction_kind<sum>} : vector<16xi1> -> vector<16xi32>
      %add3A_677 = arith.addi %broadcast_in_dim3A_666, %all_reduce_population_count3A_676 : vector<16xi32>
      %or3A = arith.ori %gt3A_667, %and3A : vector<16xi1>
      %jit3A_678 = arith.constant 1.000000e+00 : f32
      %jit3A_679 = arith.constant 0.000000e+00 : f32
      %broadcast_in_dim3A_680 = vector.broadcast %jit3A_678 : f32 to vector<16xf32>
      %broadcast_in_dim3A_681 = vector.broadcast %jit3A_679 : f32 to vector<16xf32>
      %select_n3A_682 = arith.select %or3A, %broadcast_in_dim3A_680, %broadcast_in_dim3A_681 : vector<16xi1>, vector<16xf32>
      %gt3A_683 = arith.cmpi sgt, %select_n3A_25, %broadcast_in_dim3A_616 : vector<16xi32>
      %eq3A_684 = arith.cmpi eq, %select_n3A_25, %broadcast_in_dim3A_616 : vector<16xi32>
      %jit3A_685 = arith.constant 1 : i32
      %jit3A_686 = arith.constant 0 : i32
      %broadcast_in_dim3A_687 = vector.broadcast %jit3A_685 : i32 to vector<16xi32>
      %broadcast_in_dim3A_688 = vector.broadcast %jit3A_686 : i32 to vector<16xi32>
      %select_n3A_689 = arith.select %eq3A_684, %broadcast_in_dim3A_687, %broadcast_in_dim3A_688 : vector<16xi1>, vector<16xi32>
      %broadcast_in_dim3A_690 = arith.constant true
      %broadcast_in_dim3A_691 = vector.broadcast %broadcast_in_dim3A_690 : i1 to vector<16xi1>
      %masked_cumsum3A_692 = tpu.scan <sum>, %select_n3A_689 masked %broadcast_in_dim3A_691 : vector<16xi32>, vector<16xi1> -> vector<16xi32>
      %add3A_693 = arith.addi %add3A_677, %masked_cumsum3A_692 : vector<16xi32>
      %le3A_694 = arith.cmpi sle, %add3A_693, %sub3A_664 : vector<16xi32>
      %and3A_695 = arith.andi %eq3A_684, %le3A_694 : vector<16xi1>
      %all_reduce_population_count3A_696 = tpu.all_reduce %eq3A_684 {dim = 0 : i64, kind = #tpu.reduction_kind<sum>} : vector<16xi1> -> vector<16xi32>
      %add3A_697 = arith.addi %add3A_677, %all_reduce_population_count3A_696 : vector<16xi32>
      %or3A_698 = arith.ori %gt3A_683, %and3A_695 : vector<16xi1>
      %jit3A_699 = arith.constant 1.000000e+00 : f32
      %jit3A_700 = arith.constant 0.000000e+00 : f32
      %broadcast_in_dim3A_701 = vector.broadcast %jit3A_699 : f32 to vector<16xf32>
      %broadcast_in_dim3A_702 = vector.broadcast %jit3A_700 : f32 to vector<16xf32>
      %select_n3A_703 = arith.select %or3A_698, %broadcast_in_dim3A_701, %broadcast_in_dim3A_702 : vector<16xi1>, vector<16xf32>
      %gt3A_704 = arith.cmpi sgt, %select_n3A_36, %broadcast_in_dim3A_616 : vector<16xi32>
      %eq3A_705 = arith.cmpi eq, %select_n3A_36, %broadcast_in_dim3A_616 : vector<16xi32>
      %jit3A_706 = arith.constant 1 : i32
      %jit3A_707 = arith.constant 0 : i32
      %broadcast_in_dim3A_708 = vector.broadcast %jit3A_706 : i32 to vector<16xi32>
      %broadcast_in_dim3A_709 = vector.broadcast %jit3A_707 : i32 to vector<16xi32>
      %select_n3A_710 = arith.select %eq3A_705, %broadcast_in_dim3A_708, %broadcast_in_dim3A_709 : vector<16xi1>, vector<16xi32>
      %broadcast_in_dim3A_711 = arith.constant true
      %broadcast_in_dim3A_712 = vector.broadcast %broadcast_in_dim3A_711 : i1 to vector<16xi1>
      %masked_cumsum3A_713 = tpu.scan <sum>, %select_n3A_710 masked %broadcast_in_dim3A_712 : vector<16xi32>, vector<16xi1> -> vector<16xi32>
      %add3A_714 = arith.addi %add3A_697, %masked_cumsum3A_713 : vector<16xi32>
      %le3A_715 = arith.cmpi sle, %add3A_714, %sub3A_664 : vector<16xi32>
      %and3A_716 = arith.andi %eq3A_705, %le3A_715 : vector<16xi1>
      %all_reduce_population_count3A_717 = tpu.all_reduce %eq3A_705 {dim = 0 : i64, kind = #tpu.reduction_kind<sum>} : vector<16xi1> -> vector<16xi32>
      %add3A_718 = arith.addi %add3A_697, %all_reduce_population_count3A_717 : vector<16xi32>
      %or3A_719 = arith.ori %gt3A_704, %and3A_716 : vector<16xi1>
      %jit3A_720 = arith.constant 1.000000e+00 : f32
      %jit3A_721 = arith.constant 0.000000e+00 : f32
      %broadcast_in_dim3A_722 = vector.broadcast %jit3A_720 : f32 to vector<16xf32>
      %broadcast_in_dim3A_723 = vector.broadcast %jit3A_721 : f32 to vector<16xf32>
      %select_n3A_724 = arith.select %or3A_719, %broadcast_in_dim3A_722, %broadcast_in_dim3A_723 : vector<16xi1>, vector<16xf32>
      %gt3A_725 = arith.cmpi sgt, %select_n3A_47, %broadcast_in_dim3A_616 : vector<16xi32>
      %eq3A_726 = arith.cmpi eq, %select_n3A_47, %broadcast_in_dim3A_616 : vector<16xi32>
      %jit3A_727 = arith.constant 1 : i32
      %jit3A_728 = arith.constant 0 : i32
      %broadcast_in_dim3A_729 = vector.broadcast %jit3A_727 : i32 to vector<16xi32>
      %broadcast_in_dim3A_730 = vector.broadcast %jit3A_728 : i32 to vector<16xi32>
      %select_n3A_731 = arith.select %eq3A_726, %broadcast_in_dim3A_729, %broadcast_in_dim3A_730 : vector<16xi1>, vector<16xi32>
      %broadcast_in_dim3A_732 = arith.constant true
      %broadcast_in_dim3A_733 = vector.broadcast %broadcast_in_dim3A_732 : i1 to vector<16xi1>
      %masked_cumsum3A_734 = tpu.scan <sum>, %select_n3A_731 masked %broadcast_in_dim3A_733 : vector<16xi32>, vector<16xi1> -> vector<16xi32>
      %add3A_735 = arith.addi %add3A_718, %masked_cumsum3A_734 : vector<16xi32>
      %le3A_736 = arith.cmpi sle, %add3A_735, %sub3A_664 : vector<16xi32>
      %and3A_737 = arith.andi %eq3A_726, %le3A_736 : vector<16xi1>
      %all_reduce_population_count3A_738 = tpu.all_reduce %eq3A_726 {dim = 0 : i64, kind = #tpu.reduction_kind<sum>} : vector<16xi1> -> vector<16xi32>
      %add3A_739 = arith.addi %add3A_718, %all_reduce_population_count3A_738 : vector<16xi32>
      %or3A_740 = arith.ori %gt3A_725, %and3A_737 : vector<16xi1>
      %jit3A_741 = arith.constant 1.000000e+00 : f32
      %jit3A_742 = arith.constant 0.000000e+00 : f32
      %broadcast_in_dim3A_743 = vector.broadcast %jit3A_741 : f32 to vector<16xf32>
      %broadcast_in_dim3A_744 = vector.broadcast %jit3A_742 : f32 to vector<16xf32>
      %select_n3A_745 = arith.select %or3A_740, %broadcast_in_dim3A_743, %broadcast_in_dim3A_744 : vector<16xi1>, vector<16xf32>
      %gt3A_746 = arith.cmpi sgt, %select_n3A_58, %broadcast_in_dim3A_616 : vector<16xi32>
      %eq3A_747 = arith.cmpi eq, %select_n3A_58, %broadcast_in_dim3A_616 : vector<16xi32>
      %jit3A_748 = arith.constant 1 : i32
      %jit3A_749 = arith.constant 0 : i32
      %broadcast_in_dim3A_750 = vector.broadcast %jit3A_748 : i32 to vector<16xi32>
      %broadcast_in_dim3A_751 = vector.broadcast %jit3A_749 : i32 to vector<16xi32>
      %select_n3A_752 = arith.select %eq3A_747, %broadcast_in_dim3A_750, %broadcast_in_dim3A_751 : vector<16xi1>, vector<16xi32>
      %broadcast_in_dim3A_753 = arith.constant true
      %broadcast_in_dim3A_754 = vector.broadcast %broadcast_in_dim3A_753 : i1 to vector<16xi1>
      %masked_cumsum3A_755 = tpu.scan <sum>, %select_n3A_752 masked %broadcast_in_dim3A_754 : vector<16xi32>, vector<16xi1> -> vector<16xi32>
      %add3A_756 = arith.addi %add3A_739, %masked_cumsum3A_755 : vector<16xi32>
      %le3A_757 = arith.cmpi sle, %add3A_756, %sub3A_664 : vector<16xi32>
      %and3A_758 = arith.andi %eq3A_747, %le3A_757 : vector<16xi1>
      %all_reduce_population_count3A_759 = tpu.all_reduce %eq3A_747 {dim = 0 : i64, kind = #tpu.reduction_kind<sum>} : vector<16xi1> -> vector<16xi32>
      %add3A_760 = arith.addi %add3A_739, %all_reduce_population_count3A_759 : vector<16xi32>
      %or3A_761 = arith.ori %gt3A_746, %and3A_758 : vector<16xi1>
      %jit3A_762 = arith.constant 1.000000e+00 : f32
      %jit3A_763 = arith.constant 0.000000e+00 : f32
      %broadcast_in_dim3A_764 = vector.broadcast %jit3A_762 : f32 to vector<16xf32>
      %broadcast_in_dim3A_765 = vector.broadcast %jit3A_763 : f32 to vector<16xf32>
      %select_n3A_766 = arith.select %or3A_761, %broadcast_in_dim3A_764, %broadcast_in_dim3A_765 : vector<16xi1>, vector<16xf32>
      %gt3A_767 = arith.cmpi sgt, %select_n3A_69, %broadcast_in_dim3A_616 : vector<16xi32>
      %eq3A_768 = arith.cmpi eq, %select_n3A_69, %broadcast_in_dim3A_616 : vector<16xi32>
      %jit3A_769 = arith.constant 1 : i32
      %jit3A_770 = arith.constant 0 : i32
      %broadcast_in_dim3A_771 = vector.broadcast %jit3A_769 : i32 to vector<16xi32>
      %broadcast_in_dim3A_772 = vector.broadcast %jit3A_770 : i32 to vector<16xi32>
      %select_n3A_773 = arith.select %eq3A_768, %broadcast_in_dim3A_771, %broadcast_in_dim3A_772 : vector<16xi1>, vector<16xi32>
      %broadcast_in_dim3A_774 = arith.constant true
      %broadcast_in_dim3A_775 = vector.broadcast %broadcast_in_dim3A_774 : i1 to vector<16xi1>
      %masked_cumsum3A_776 = tpu.scan <sum>, %select_n3A_773 masked %broadcast_in_dim3A_775 : vector<16xi32>, vector<16xi1> -> vector<16xi32>
      %add3A_777 = arith.addi %add3A_760, %masked_cumsum3A_776 : vector<16xi32>
      %le3A_778 = arith.cmpi sle, %add3A_777, %sub3A_664 : vector<16xi32>
      %and3A_779 = arith.andi %eq3A_768, %le3A_778 : vector<16xi1>
      %all_reduce_population_count3A_780 = tpu.all_reduce %eq3A_768 {dim = 0 : i64, kind = #tpu.reduction_kind<sum>} : vector<16xi1> -> vector<16xi32>
      %add3A_781 = arith.addi %add3A_760, %all_reduce_population_count3A_780 : vector<16xi32>
      %or3A_782 = arith.ori %gt3A_767, %and3A_779 : vector<16xi1>
      %jit3A_783 = arith.constant 1.000000e+00 : f32
      %jit3A_784 = arith.constant 0.000000e+00 : f32
      %broadcast_in_dim3A_785 = vector.broadcast %jit3A_783 : f32 to vector<16xf32>
      %broadcast_in_dim3A_786 = vector.broadcast %jit3A_784 : f32 to vector<16xf32>
      %select_n3A_787 = arith.select %or3A_782, %broadcast_in_dim3A_785, %broadcast_in_dim3A_786 : vector<16xi1>, vector<16xf32>
      %gt3A_788 = arith.cmpi sgt, %select_n3A_80, %broadcast_in_dim3A_616 : vector<16xi32>
      %eq3A_789 = arith.cmpi eq, %select_n3A_80, %broadcast_in_dim3A_616 : vector<16xi32>
      %jit3A_790 = arith.constant 1 : i32
      %jit3A_791 = arith.constant 0 : i32
      %broadcast_in_dim3A_792 = vector.broadcast %jit3A_790 : i32 to vector<16xi32>
      %broadcast_in_dim3A_793 = vector.broadcast %jit3A_791 : i32 to vector<16xi32>
      %select_n3A_794 = arith.select %eq3A_789, %broadcast_in_dim3A_792, %broadcast_in_dim3A_793 : vector<16xi1>, vector<16xi32>
      %broadcast_in_dim3A_795 = arith.constant true
      %broadcast_in_dim3A_796 = vector.broadcast %broadcast_in_dim3A_795 : i1 to vector<16xi1>
      %masked_cumsum3A_797 = tpu.scan <sum>, %select_n3A_794 masked %broadcast_in_dim3A_796 : vector<16xi32>, vector<16xi1> -> vector<16xi32>
      %add3A_798 = arith.addi %add3A_781, %masked_cumsum3A_797 : vector<16xi32>
      %le3A_799 = arith.cmpi sle, %add3A_798, %sub3A_664 : vector<16xi32>
      %and3A_800 = arith.andi %eq3A_789, %le3A_799 : vector<16xi1>
      %all_reduce_population_count3A_801 = tpu.all_reduce %eq3A_789 {dim = 0 : i64, kind = #tpu.reduction_kind<sum>} : vector<16xi1> -> vector<16xi32>
      %add3A_802 = arith.addi %add3A_781, %all_reduce_population_count3A_801 : vector<16xi32>
      %or3A_803 = arith.ori %gt3A_788, %and3A_800 : vector<16xi1>
      %jit3A_804 = arith.constant 1.000000e+00 : f32
      %jit3A_805 = arith.constant 0.000000e+00 : f32
      %broadcast_in_dim3A_806 = vector.broadcast %jit3A_804 : f32 to vector<16xf32>
      %broadcast_in_dim3A_807 = vector.broadcast %jit3A_805 : f32 to vector<16xf32>
      %select_n3A_808 = arith.select %or3A_803, %broadcast_in_dim3A_806, %broadcast_in_dim3A_807 : vector<16xi1>, vector<16xf32>
      %gt3A_809 = arith.cmpi sgt, %select_n3A_91, %broadcast_in_dim3A_616 : vector<16xi32>
      %eq3A_810 = arith.cmpi eq, %select_n3A_91, %broadcast_in_dim3A_616 : vector<16xi32>
      %jit3A_811 = arith.constant 1 : i32
      %jit3A_812 = arith.constant 0 : i32
      %broadcast_in_dim3A_813 = vector.broadcast %jit3A_811 : i32 to vector<16xi32>
      %broadcast_in_dim3A_814 = vector.broadcast %jit3A_812 : i32 to vector<16xi32>
      %select_n3A_815 = arith.select %eq3A_810, %broadcast_in_dim3A_813, %broadcast_in_dim3A_814 : vector<16xi1>, vector<16xi32>
      %broadcast_in_dim3A_816 = arith.constant true
      %broadcast_in_dim3A_817 = vector.broadcast %broadcast_in_dim3A_816 : i1 to vector<16xi1>
      %masked_cumsum3A_818 = tpu.scan <sum>, %select_n3A_815 masked %broadcast_in_dim3A_817 : vector<16xi32>, vector<16xi1> -> vector<16xi32>
      %add3A_819 = arith.addi %add3A_802, %masked_cumsum3A_818 : vector<16xi32>
      %le3A_820 = arith.cmpi sle, %add3A_819, %sub3A_664 : vector<16xi32>
      %and3A_821 = arith.andi %eq3A_810, %le3A_820 : vector<16xi1>
      %all_reduce_population_count3A_822 = tpu.all_reduce %eq3A_810 {dim = 0 : i64, kind = #tpu.reduction_kind<sum>} : vector<16xi1> -> vector<16xi32>
      %add3A_823 = arith.addi %add3A_802, %all_reduce_population_count3A_822 : vector<16xi32>
      %or3A_824 = arith.ori %gt3A_809, %and3A_821 : vector<16xi1>
      %jit3A_825 = arith.constant 1.000000e+00 : f32
      %jit3A_826 = arith.constant 0.000000e+00 : f32
      %broadcast_in_dim3A_827 = vector.broadcast %jit3A_825 : f32 to vector<16xf32>
      %broadcast_in_dim3A_828 = vector.broadcast %jit3A_826 : f32 to vector<16xf32>
      %select_n3A_829 = arith.select %or3A_824, %broadcast_in_dim3A_827, %broadcast_in_dim3A_828 : vector<16xi1>, vector<16xf32>
      %gt3A_830 = arith.cmpi sgt, %select_n3A_102, %broadcast_in_dim3A_616 : vector<16xi32>
      %eq3A_831 = arith.cmpi eq, %select_n3A_102, %broadcast_in_dim3A_616 : vector<16xi32>
      %jit3A_832 = arith.constant 1 : i32
      %jit3A_833 = arith.constant 0 : i32
      %broadcast_in_dim3A_834 = vector.broadcast %jit3A_832 : i32 to vector<16xi32>
      %broadcast_in_dim3A_835 = vector.broadcast %jit3A_833 : i32 to vector<16xi32>
      %select_n3A_836 = arith.select %eq3A_831, %broadcast_in_dim3A_834, %broadcast_in_dim3A_835 : vector<16xi1>, vector<16xi32>
      %broadcast_in_dim3A_837 = arith.constant true
      %broadcast_in_dim3A_838 = vector.broadcast %broadcast_in_dim3A_837 : i1 to vector<16xi1>
      %masked_cumsum3A_839 = tpu.scan <sum>, %select_n3A_836 masked %broadcast_in_dim3A_838 : vector<16xi32>, vector<16xi1> -> vector<16xi32>
      %add3A_840 = arith.addi %add3A_823, %masked_cumsum3A_839 : vector<16xi32>
      %le3A_841 = arith.cmpi sle, %add3A_840, %sub3A_664 : vector<16xi32>
      %and3A_842 = arith.andi %eq3A_831, %le3A_841 : vector<16xi1>
      %all_reduce_population_count3A_843 = tpu.all_reduce %eq3A_831 {dim = 0 : i64, kind = #tpu.reduction_kind<sum>} : vector<16xi1> -> vector<16xi32>
      %add3A_844 = arith.addi %add3A_823, %all_reduce_population_count3A_843 : vector<16xi32>
      %or3A_845 = arith.ori %gt3A_830, %and3A_842 : vector<16xi1>
      %jit3A_846 = arith.constant 1.000000e+00 : f32
      %jit3A_847 = arith.constant 0.000000e+00 : f32
      %broadcast_in_dim3A_848 = vector.broadcast %jit3A_846 : f32 to vector<16xf32>
      %broadcast_in_dim3A_849 = vector.broadcast %jit3A_847 : f32 to vector<16xf32>
      %select_n3A_850 = arith.select %or3A_845, %broadcast_in_dim3A_848, %broadcast_in_dim3A_849 : vector<16xi1>, vector<16xf32>
      %gt3A_851 = arith.cmpi sgt, %select_n3A_113, %broadcast_in_dim3A_616 : vector<16xi32>
      %eq3A_852 = arith.cmpi eq, %select_n3A_113, %broadcast_in_dim3A_616 : vector<16xi32>
      %jit3A_853 = arith.constant 1 : i32
      %jit3A_854 = arith.constant 0 : i32
      %broadcast_in_dim3A_855 = vector.broadcast %jit3A_853 : i32 to vector<16xi32>
      %broadcast_in_dim3A_856 = vector.broadcast %jit3A_854 : i32 to vector<16xi32>
      %select_n3A_857 = arith.select %eq3A_852, %broadcast_in_dim3A_855, %broadcast_in_dim3A_856 : vector<16xi1>, vector<16xi32>
      %broadcast_in_dim3A_858 = arith.constant true
      %broadcast_in_dim3A_859 = vector.broadcast %broadcast_in_dim3A_858 : i1 to vector<16xi1>
      %masked_cumsum3A_860 = tpu.scan <sum>, %select_n3A_857 masked %broadcast_in_dim3A_859 : vector<16xi32>, vector<16xi1> -> vector<16xi32>
      %add3A_861 = arith.addi %add3A_844, %masked_cumsum3A_860 : vector<16xi32>
      %le3A_862 = arith.cmpi sle, %add3A_861, %sub3A_664 : vector<16xi32>
      %and3A_863 = arith.andi %eq3A_852, %le3A_862 : vector<16xi1>
      %all_reduce_population_count3A_864 = tpu.all_reduce %eq3A_852 {dim = 0 : i64, kind = #tpu.reduction_kind<sum>} : vector<16xi1> -> vector<16xi32>
      %add3A_865 = arith.addi %add3A_844, %all_reduce_population_count3A_864 : vector<16xi32>
      %or3A_866 = arith.ori %gt3A_851, %and3A_863 : vector<16xi1>
      %jit3A_867 = arith.constant 1.000000e+00 : f32
      %jit3A_868 = arith.constant 0.000000e+00 : f32
      %broadcast_in_dim3A_869 = vector.broadcast %jit3A_867 : f32 to vector<16xf32>
      %broadcast_in_dim3A_870 = vector.broadcast %jit3A_868 : f32 to vector<16xf32>
      %select_n3A_871 = arith.select %or3A_866, %broadcast_in_dim3A_869, %broadcast_in_dim3A_870 : vector<16xi1>, vector<16xf32>
      %gt3A_872 = arith.cmpi sgt, %select_n3A_124, %broadcast_in_dim3A_616 : vector<16xi32>
      %eq3A_873 = arith.cmpi eq, %select_n3A_124, %broadcast_in_dim3A_616 : vector<16xi32>
      %jit3A_874 = arith.constant 1 : i32
      %jit3A_875 = arith.constant 0 : i32
      %broadcast_in_dim3A_876 = vector.broadcast %jit3A_874 : i32 to vector<16xi32>
      %broadcast_in_dim3A_877 = vector.broadcast %jit3A_875 : i32 to vector<16xi32>
      %select_n3A_878 = arith.select %eq3A_873, %broadcast_in_dim3A_876, %broadcast_in_dim3A_877 : vector<16xi1>, vector<16xi32>
      %broadcast_in_dim3A_879 = arith.constant true
      %broadcast_in_dim3A_880 = vector.broadcast %broadcast_in_dim3A_879 : i1 to vector<16xi1>
      %masked_cumsum3A_881 = tpu.scan <sum>, %select_n3A_878 masked %broadcast_in_dim3A_880 : vector<16xi32>, vector<16xi1> -> vector<16xi32>
      %add3A_882 = arith.addi %add3A_865, %masked_cumsum3A_881 : vector<16xi32>
      %le3A_883 = arith.cmpi sle, %add3A_882, %sub3A_664 : vector<16xi32>
      %and3A_884 = arith.andi %eq3A_873, %le3A_883 : vector<16xi1>
      %all_reduce_population_count3A_885 = tpu.all_reduce %eq3A_873 {dim = 0 : i64, kind = #tpu.reduction_kind<sum>} : vector<16xi1> -> vector<16xi32>
      %add3A_886 = arith.addi %add3A_865, %all_reduce_population_count3A_885 : vector<16xi32>
      %or3A_887 = arith.ori %gt3A_872, %and3A_884 : vector<16xi1>
      %jit3A_888 = arith.constant 1.000000e+00 : f32
      %jit3A_889 = arith.constant 0.000000e+00 : f32
      %broadcast_in_dim3A_890 = vector.broadcast %jit3A_888 : f32 to vector<16xf32>
      %broadcast_in_dim3A_891 = vector.broadcast %jit3A_889 : f32 to vector<16xf32>
      %select_n3A_892 = arith.select %or3A_887, %broadcast_in_dim3A_890, %broadcast_in_dim3A_891 : vector<16xi1>, vector<16xf32>
      %gt3A_893 = arith.cmpi sgt, %select_n3A_135, %broadcast_in_dim3A_616 : vector<16xi32>
      %eq3A_894 = arith.cmpi eq, %select_n3A_135, %broadcast_in_dim3A_616 : vector<16xi32>
      %jit3A_895 = arith.constant 1 : i32
      %jit3A_896 = arith.constant 0 : i32
      %broadcast_in_dim3A_897 = vector.broadcast %jit3A_895 : i32 to vector<16xi32>
      %broadcast_in_dim3A_898 = vector.broadcast %jit3A_896 : i32 to vector<16xi32>
      %select_n3A_899 = arith.select %eq3A_894, %broadcast_in_dim3A_897, %broadcast_in_dim3A_898 : vector<16xi1>, vector<16xi32>
      %broadcast_in_dim3A_900 = arith.constant true
      %broadcast_in_dim3A_901 = vector.broadcast %broadcast_in_dim3A_900 : i1 to vector<16xi1>
      %masked_cumsum3A_902 = tpu.scan <sum>, %select_n3A_899 masked %broadcast_in_dim3A_901 : vector<16xi32>, vector<16xi1> -> vector<16xi32>
      %add3A_903 = arith.addi %add3A_886, %masked_cumsum3A_902 : vector<16xi32>
      %le3A_904 = arith.cmpi sle, %add3A_903, %sub3A_664 : vector<16xi32>
      %and3A_905 = arith.andi %eq3A_894, %le3A_904 : vector<16xi1>
      %all_reduce_population_count3A_906 = tpu.all_reduce %eq3A_894 {dim = 0 : i64, kind = #tpu.reduction_kind<sum>} : vector<16xi1> -> vector<16xi32>
      %add3A_907 = arith.addi %add3A_886, %all_reduce_population_count3A_906 : vector<16xi32>
      %or3A_908 = arith.ori %gt3A_893, %and3A_905 : vector<16xi1>
      %jit3A_909 = arith.constant 1.000000e+00 : f32
      %jit3A_910 = arith.constant 0.000000e+00 : f32
      %broadcast_in_dim3A_911 = vector.broadcast %jit3A_909 : f32 to vector<16xf32>
      %broadcast_in_dim3A_912 = vector.broadcast %jit3A_910 : f32 to vector<16xf32>
      %select_n3A_913 = arith.select %or3A_908, %broadcast_in_dim3A_911, %broadcast_in_dim3A_912 : vector<16xi1>, vector<16xf32>
      %gt3A_914 = arith.cmpi sgt, %select_n3A_146, %broadcast_in_dim3A_616 : vector<16xi32>
      %eq3A_915 = arith.cmpi eq, %select_n3A_146, %broadcast_in_dim3A_616 : vector<16xi32>
      %jit3A_916 = arith.constant 1 : i32
      %jit3A_917 = arith.constant 0 : i32
      %broadcast_in_dim3A_918 = vector.broadcast %jit3A_916 : i32 to vector<16xi32>
      %broadcast_in_dim3A_919 = vector.broadcast %jit3A_917 : i32 to vector<16xi32>
      %select_n3A_920 = arith.select %eq3A_915, %broadcast_in_dim3A_918, %broadcast_in_dim3A_919 : vector<16xi1>, vector<16xi32>
      %broadcast_in_dim3A_921 = arith.constant true
      %broadcast_in_dim3A_922 = vector.broadcast %broadcast_in_dim3A_921 : i1 to vector<16xi1>
      %masked_cumsum3A_923 = tpu.scan <sum>, %select_n3A_920 masked %broadcast_in_dim3A_922 : vector<16xi32>, vector<16xi1> -> vector<16xi32>
      %add3A_924 = arith.addi %add3A_907, %masked_cumsum3A_923 : vector<16xi32>
      %le3A_925 = arith.cmpi sle, %add3A_924, %sub3A_664 : vector<16xi32>
      %and3A_926 = arith.andi %eq3A_915, %le3A_925 : vector<16xi1>
      %all_reduce_population_count3A_927 = tpu.all_reduce %eq3A_915 {dim = 0 : i64, kind = #tpu.reduction_kind<sum>} : vector<16xi1> -> vector<16xi32>
      %add3A_928 = arith.addi %add3A_907, %all_reduce_population_count3A_927 : vector<16xi32>
      %or3A_929 = arith.ori %gt3A_914, %and3A_926 : vector<16xi1>
      %jit3A_930 = arith.constant 1.000000e+00 : f32
      %jit3A_931 = arith.constant 0.000000e+00 : f32
      %broadcast_in_dim3A_932 = vector.broadcast %jit3A_930 : f32 to vector<16xf32>
      %broadcast_in_dim3A_933 = vector.broadcast %jit3A_931 : f32 to vector<16xf32>
      %select_n3A_934 = arith.select %or3A_929, %broadcast_in_dim3A_932, %broadcast_in_dim3A_933 : vector<16xi1>, vector<16xf32>
      %gt3A_935 = arith.cmpi sgt, %select_n3A_157, %broadcast_in_dim3A_616 : vector<16xi32>
      %eq3A_936 = arith.cmpi eq, %select_n3A_157, %broadcast_in_dim3A_616 : vector<16xi32>
      %jit3A_937 = arith.constant 1 : i32
      %jit3A_938 = arith.constant 0 : i32
      %broadcast_in_dim3A_939 = vector.broadcast %jit3A_937 : i32 to vector<16xi32>
      %broadcast_in_dim3A_940 = vector.broadcast %jit3A_938 : i32 to vector<16xi32>
      %select_n3A_941 = arith.select %eq3A_936, %broadcast_in_dim3A_939, %broadcast_in_dim3A_940 : vector<16xi1>, vector<16xi32>
      %broadcast_in_dim3A_942 = arith.constant true
      %broadcast_in_dim3A_943 = vector.broadcast %broadcast_in_dim3A_942 : i1 to vector<16xi1>
      %masked_cumsum3A_944 = tpu.scan <sum>, %select_n3A_941 masked %broadcast_in_dim3A_943 : vector<16xi32>, vector<16xi1> -> vector<16xi32>
      %add3A_945 = arith.addi %add3A_928, %masked_cumsum3A_944 : vector<16xi32>
      %le3A_946 = arith.cmpi sle, %add3A_945, %sub3A_664 : vector<16xi32>
      %and3A_947 = arith.andi %eq3A_936, %le3A_946 : vector<16xi1>
      %all_reduce_population_count3A_948 = tpu.all_reduce %eq3A_936 {dim = 0 : i64, kind = #tpu.reduction_kind<sum>} : vector<16xi1> -> vector<16xi32>
      %add3A_949 = arith.addi %add3A_928, %all_reduce_population_count3A_948 : vector<16xi32>
      %or3A_950 = arith.ori %gt3A_935, %and3A_947 : vector<16xi1>
      %jit3A_951 = arith.constant 1.000000e+00 : f32
      %jit3A_952 = arith.constant 0.000000e+00 : f32
      %broadcast_in_dim3A_953 = vector.broadcast %jit3A_951 : f32 to vector<16xf32>
      %broadcast_in_dim3A_954 = vector.broadcast %jit3A_952 : f32 to vector<16xf32>
      %select_n3A_955 = arith.select %or3A_950, %broadcast_in_dim3A_953, %broadcast_in_dim3A_954 : vector<16xi1>, vector<16xf32>
      %gt3A_956 = arith.cmpi sgt, %select_n3A_168, %broadcast_in_dim3A_616 : vector<16xi32>
      %eq3A_957 = arith.cmpi eq, %select_n3A_168, %broadcast_in_dim3A_616 : vector<16xi32>
      %jit3A_958 = arith.constant 1 : i32
      %jit3A_959 = arith.constant 0 : i32
      %broadcast_in_dim3A_960 = vector.broadcast %jit3A_958 : i32 to vector<16xi32>
      %broadcast_in_dim3A_961 = vector.broadcast %jit3A_959 : i32 to vector<16xi32>
      %select_n3A_962 = arith.select %eq3A_957, %broadcast_in_dim3A_960, %broadcast_in_dim3A_961 : vector<16xi1>, vector<16xi32>
      %broadcast_in_dim3A_963 = arith.constant true
      %broadcast_in_dim3A_964 = vector.broadcast %broadcast_in_dim3A_963 : i1 to vector<16xi1>
      %masked_cumsum3A_965 = tpu.scan <sum>, %select_n3A_962 masked %broadcast_in_dim3A_964 : vector<16xi32>, vector<16xi1> -> vector<16xi32>
      %add3A_966 = arith.addi %add3A_949, %masked_cumsum3A_965 : vector<16xi32>
      %le3A_967 = arith.cmpi sle, %add3A_966, %sub3A_664 : vector<16xi32>
      %and3A_968 = arith.andi %eq3A_957, %le3A_967 : vector<16xi1>
      %all_reduce_population_count3A_969 = tpu.all_reduce %eq3A_957 {dim = 0 : i64, kind = #tpu.reduction_kind<sum>} : vector<16xi1> -> vector<16xi32>
      %add3A_970 = arith.addi %add3A_949, %all_reduce_population_count3A_969 : vector<16xi32>
      %or3A_971 = arith.ori %gt3A_956, %and3A_968 : vector<16xi1>
      %jit3A_972 = arith.constant 1.000000e+00 : f32
      %jit3A_973 = arith.constant 0.000000e+00 : f32
      %broadcast_in_dim3A_974 = vector.broadcast %jit3A_972 : f32 to vector<16xf32>
      %broadcast_in_dim3A_975 = vector.broadcast %jit3A_973 : f32 to vector<16xf32>
      %select_n3A_976 = arith.select %or3A_971, %broadcast_in_dim3A_974, %broadcast_in_dim3A_975 : vector<16xi1>, vector<16xf32>
      %gt3A_977 = arith.cmpi sgt, %select_n3A_179, %broadcast_in_dim3A_616 : vector<16xi32>
      %eq3A_978 = arith.cmpi eq, %select_n3A_179, %broadcast_in_dim3A_616 : vector<16xi32>
      %jit3A_979 = arith.constant 1 : i32
      %jit3A_980 = arith.constant 0 : i32
      %broadcast_in_dim3A_981 = vector.broadcast %jit3A_979 : i32 to vector<16xi32>
      %broadcast_in_dim3A_982 = vector.broadcast %jit3A_980 : i32 to vector<16xi32>
      %select_n3A_983 = arith.select %eq3A_978, %broadcast_in_dim3A_981, %broadcast_in_dim3A_982 : vector<16xi1>, vector<16xi32>
      %broadcast_in_dim3A_984 = arith.constant true
      %broadcast_in_dim3A_985 = vector.broadcast %broadcast_in_dim3A_984 : i1 to vector<16xi1>
      %masked_cumsum3A_986 = tpu.scan <sum>, %select_n3A_983 masked %broadcast_in_dim3A_985 : vector<16xi32>, vector<16xi1> -> vector<16xi32>
      %add3A_987 = arith.addi %add3A_970, %masked_cumsum3A_986 : vector<16xi32>
      %le3A_988 = arith.cmpi sle, %add3A_987, %sub3A_664 : vector<16xi32>
      %and3A_989 = arith.andi %eq3A_978, %le3A_988 : vector<16xi1>
      %all_reduce_population_count3A_990 = tpu.all_reduce %eq3A_978 {dim = 0 : i64, kind = #tpu.reduction_kind<sum>} : vector<16xi1> -> vector<16xi32>
      %add3A_991 = arith.addi %add3A_970, %all_reduce_population_count3A_990 : vector<16xi32>
      %or3A_992 = arith.ori %gt3A_977, %and3A_989 : vector<16xi1>
      %jit3A_993 = arith.constant 1.000000e+00 : f32
      %jit3A_994 = arith.constant 0.000000e+00 : f32
      %broadcast_in_dim3A_995 = vector.broadcast %jit3A_993 : f32 to vector<16xf32>
      %broadcast_in_dim3A_996 = vector.broadcast %jit3A_994 : f32 to vector<16xf32>
      %select_n3A_997 = arith.select %or3A_992, %broadcast_in_dim3A_995, %broadcast_in_dim3A_996 : vector<16xi1>, vector<16xf32>
      %swap3A = arith.index_cast %scan3A_8 : i32 to index
      %swap3A_998 = arith.constant 0 : index
      %swap3A_999 = tpu.vector_load %arg5[%swap3A, %swap3A_998] {strides = array<i32>} : memref<8x256xf32, #tpu.memory_space<vmem>>, vector<16xf32>,
      tpu.vector_store %arg5[%swap3A, %swap3A_998], %select_n3A_682 {strides = array<i32>} : memref<8x256xf32, #tpu.memory_space<vmem>>, vector<16xf32>,
      %swap3A_1000 = arith.index_cast %scan3A_8 : i32 to index
      %swap3A_1001 = arith.constant 16 : index
      %swap3A_1002 = tpu.vector_load %arg5[%swap3A_1000, %swap3A_1001] {strides = array<i32>} : memref<8x256xf32, #tpu.memory_space<vmem>>, vector<16xf32>,
      tpu.vector_store %arg5[%swap3A_1000, %swap3A_1001], %select_n3A_703 {strides = array<i32>} : memref<8x256xf32, #tpu.memory_space<vmem>>, vector<16xf32>,
      %swap3A_1003 = arith.index_cast %scan3A_8 : i32 to index
      %swap3A_1004 = arith.constant 32 : index
      %swap3A_1005 = tpu.vector_load %arg5[%swap3A_1003, %swap3A_1004] {strides = array<i32>} : memref<8x256xf32, #tpu.memory_space<vmem>>, vector<16xf32>,
      tpu.vector_store %arg5[%swap3A_1003, %swap3A_1004], %select_n3A_724 {strides = array<i32>} : memref<8x256xf32, #tpu.memory_space<vmem>>, vector<16xf32>,
      %swap3A_1006 = arith.index_cast %scan3A_8 : i32 to index
      %swap3A_1007 = arith.constant 48 : index
      %swap3A_1008 = tpu.vector_load %arg5[%swap3A_1006, %swap3A_1007] {strides = array<i32>} : memref<8x256xf32, #tpu.memory_space<vmem>>, vector<16xf32>,
      tpu.vector_store %arg5[%swap3A_1006, %swap3A_1007], %select_n3A_745 {strides = array<i32>} : memref<8x256xf32, #tpu.memory_space<vmem>>, vector<16xf32>,
      %swap3A_1009 = arith.index_cast %scan3A_8 : i32 to index
      %swap3A_1010 = arith.constant 64 : index
      %swap3A_1011 = tpu.vector_load %arg5[%swap3A_1009, %swap3A_1010] {strides = array<i32>} : memref<8x256xf32, #tpu.memory_space<vmem>>, vector<16xf32>,
      tpu.vector_store %arg5[%swap3A_1009, %swap3A_1010], %select_n3A_766 {strides = array<i32>} : memref<8x256xf32, #tpu.memory_space<vmem>>, vector<16xf32>,
      %swap3A_1012 = arith.index_cast %scan3A_8 : i32 to index
      %swap3A_1013 = arith.constant 80 : index
      %swap3A_1014 = tpu.vector_load %arg5[%swap3A_1012, %swap3A_1013] {strides = array<i32>} : memref<8x256xf32, #tpu.memory_space<vmem>>, vector<16xf32>,
      tpu.vector_store %arg5[%swap3A_1012, %swap3A_1013], %select_n3A_787 {strides = array<i32>} : memref<8x256xf32, #tpu.memory_space<vmem>>, vector<16xf32>,
      %swap3A_1015 = arith.index_cast %scan3A_8 : i32 to index
      %swap3A_1016 = arith.constant 96 : index
      %swap3A_1017 = tpu.vector_load %arg5[%swap3A_1015, %swap3A_1016] {strides = array<i32>} : memref<8x256xf32, #tpu.memory_space<vmem>>, vector<16xf32>,
      tpu.vector_store %arg5[%swap3A_1015, %swap3A_1016], %select_n3A_808 {strides = array<i32>} : memref<8x256xf32, #tpu.memory_space<vmem>>, vector<16xf32>,
      %swap3A_1018 = arith.index_cast %scan3A_8 : i32 to index
      %swap3A_1019 = arith.constant 112 : index
      %swap3A_1020 = tpu.vector_load %arg5[%swap3A_1018, %swap3A_1019] {strides = array<i32>} : memref<8x256xf32, #tpu.memory_space<vmem>>, vector<16xf32>,
      tpu.vector_store %arg5[%swap3A_1018, %swap3A_1019], %select_n3A_829 {strides = array<i32>} : memref<8x256xf32, #tpu.memory_space<vmem>>, vector<16xf32>,
      %swap3A_1021 = arith.index_cast %scan3A_8 : i32 to index
      %swap3A_1022 = arith.constant 128 : index
      %swap3A_1023 = tpu.vector_load %arg5[%swap3A_1021, %swap3A_1022] {strides = array<i32>} : memref<8x256xf32, #tpu.memory_space<vmem>>, vector<16xf32>,
      tpu.vector_store %arg5[%swap3A_1021, %swap3A_1022], %select_n3A_850 {strides = array<i32>} : memref<8x256xf32, #tpu.memory_space<vmem>>, vector<16xf32>,
      %swap3A_1024 = arith.index_cast %scan3A_8 : i32 to index
      %swap3A_1025 = arith.constant 144 : index
      %swap3A_1026 = tpu.vector_load %arg5[%swap3A_1024, %swap3A_1025] {strides = array<i32>} : memref<8x256xf32, #tpu.memory_space<vmem>>, vector<16xf32>,
      tpu.vector_store %arg5[%swap3A_1024, %swap3A_1025], %select_n3A_871 {strides = array<i32>} : memref<8x256xf32, #tpu.memory_space<vmem>>, vector<16xf32>,
      %swap3A_1027 = arith.index_cast %scan3A_8 : i32 to index
      %swap3A_1028 = arith.constant 160 : index
      %swap3A_1029 = tpu.vector_load %arg5[%swap3A_1027, %swap3A_1028] {strides = array<i32>} : memref<8x256xf32, #tpu.memory_space<vmem>>, vector<16xf32>,
      tpu.vector_store %arg5[%swap3A_1027, %swap3A_1028], %select_n3A_892 {strides = array<i32>} : memref<8x256xf32, #tpu.memory_space<vmem>>, vector<16xf32>,
      %swap3A_1030 = arith.index_cast %scan3A_8 : i32 to index
      %swap3A_1031 = arith.constant 176 : index
      %swap3A_1032 = tpu.vector_load %arg5[%swap3A_1030, %swap3A_1031] {strides = array<i32>} : memref<8x256xf32, #tpu.memory_space<vmem>>, vector<16xf32>,
      tpu.vector_store %arg5[%swap3A_1030, %swap3A_1031], %select_n3A_913 {strides = array<i32>} : memref<8x256xf32, #tpu.memory_space<vmem>>, vector<16xf32>,
      %swap3A_1033 = arith.index_cast %scan3A_8 : i32 to index
      %swap3A_1034 = arith.constant 192 : index
      %swap3A_1035 = tpu.vector_load %arg5[%swap3A_1033, %swap3A_1034] {strides = array<i32>} : memref<8x256xf32, #tpu.memory_space<vmem>>, vector<16xf32>,
      tpu.vector_store %arg5[%swap3A_1033, %swap3A_1034], %select_n3A_934 {strides = array<i32>} : memref<8x256xf32, #tpu.memory_space<vmem>>, vector<16xf32>,
      %swap3A_1036 = arith.index_cast %scan3A_8 : i32 to index
      %swap3A_1037 = arith.constant 208 : index
      %swap3A_1038 = tpu.vector_load %arg5[%swap3A_1036, %swap3A_1037] {strides = array<i32>} : memref<8x256xf32, #tpu.memory_space<vmem>>, vector<16xf32>,
      tpu.vector_store %arg5[%swap3A_1036, %swap3A_1037], %select_n3A_955 {strides = array<i32>} : memref<8x256xf32, #tpu.memory_space<vmem>>, vector<16xf32>,
      %swap3A_1039 = arith.index_cast %scan3A_8 : i32 to index
      %swap3A_1040 = arith.constant 224 : index
      %swap3A_1041 = tpu.vector_load %arg5[%swap3A_1039, %swap3A_1040] {strides = array<i32>} : memref<8x256xf32, #tpu.memory_space<vmem>>, vector<16xf32>,
      tpu.vector_store %arg5[%swap3A_1039, %swap3A_1040], %select_n3A_976 {strides = array<i32>} : memref<8x256xf32, #tpu.memory_space<vmem>>, vector<16xf32>,
      %swap3A_1042 = arith.index_cast %scan3A_8 : i32 to index
      %swap3A_1043 = arith.constant 240 : index
      %swap3A_1044 = tpu.vector_load %arg5[%swap3A_1042, %swap3A_1043] {strides = array<i32>} : memref<8x256xf32, #tpu.memory_space<vmem>>, vector<16xf32>,
      tpu.vector_store %arg5[%swap3A_1042, %swap3A_1043], %select_n3A_997 {strides = array<i32>} : memref<8x256xf32, #tpu.memory_space<vmem>>, vector<16xf32>,
    }
    %scan3A_7 = arith.constant 8 : i32
    "tpu.region"() ({
      %run_scoped3A = tpu.sem_alloc : memref<!tpu.dma_semaphore, #tpu.memory_space<semaphore_mem>>
      %dma_start3A = arith.constant 0 : i32
      %dma_start3A_8 = tpu.memref_slice %arg3[%mul3A_2, %dma_start3A] : memref<256x256xf32, #tpu.memory_space<hbm>> -> memref<8x256xf32, #tpu.memory_space<hbm>>
      %dma_start3A_9 = arith.constant 0 : i32
      %dma_start3A_10 = tpu.memref_slice %arg3[%mul3A_2, %dma_start3A_9] : memref<256x256xf32, #tpu.memory_space<hbm>> -> memref<8x256xf32, #tpu.memory_space<hbm>>
      tpu.enqueue_dma source(%arg5 : memref<8x256xf32, #tpu.memory_space<vmem>>) target(%dma_start3A_10 : memref<8x256xf32, #tpu.memory_space<hbm>>) target_semaphore(%run_scoped3A : memref<!tpu.dma_semaphore, #tpu.memory_space<semaphore_mem>>)
      %dma_wait3A = arith.constant 0 : i32
      %dma_wait3A_11 = tpu.memref_slice %arg3[%mul3A_2, %dma_wait3A] : memref<256x256xf32, #tpu.memory_space<hbm>> -> memref<8x256xf32, #tpu.memory_space<hbm>>
      %dma_wait3A_12 = arith.constant 0 : i32
      %dma_wait3A_13 = tpu.memref_slice %arg3[%mul3A_2, %dma_wait3A_12] : memref<256x256xf32, #tpu.memory_space<hbm>> -> memref<8x256xf32, #tpu.memory_space<hbm>>
      tpu.wait_dma2 semaphore(%run_scoped3A : memref<!tpu.dma_semaphore, #tpu.memory_space<semaphore_mem>>) src(%arg5 : memref<8x256xf32, #tpu.memory_space<vmem>>) dst(%dma_wait3A_13 : memref<8x256xf32, #tpu.memory_space<hbm>>)
      tpu.yield
    }) : () -> ()
    return
  }
}

module attributes {stable_mosaic.version = 14 : i64} {
  func.func @_prep_body(%arg0: memref<2000x256xf32, #tpu.memory_space<vmem>>, %arg1: memref<8x96x256xf32, #tpu.memory_space<vmem>>, %arg2: memref<256x256xf32, #tpu.memory_space<vmem>>, %arg3: memref<8x96x256xf32, #tpu.memory_space<vmem>>, %arg4: memref<96x8x256xf32, #tpu.memory_space<vmem>>) attributes {dimension_semantics = [], scalar_prefetch = 0 : i64, scratch_operands = 0 : i64, tpu.core_type = #tpu.core_type<tc>} {
    %get3A = arith.constant 0 : index
    %get3A_0 = arith.constant 0 : index
    %get3A_1 = arith.constant 0 : index
    %get3A_2 = vector.load %arg1[%get3A, %get3A_0, %get3A_1] : memref<8x96x256xf32, #tpu.memory_space<vmem>>, vector<8x96x256xf32>
    %swap3A = arith.constant 0 : index
    %swap3A_3 = arith.constant 0 : index
    %swap3A_4 = arith.constant 0 : index
    %swap3A_5 = vector.load %arg3[%swap3A, %swap3A_3, %swap3A_4] : memref<8x96x256xf32, #tpu.memory_space<vmem>>, vector<8x96x256xf32>
    tpu.vector_store %arg3[%swap3A, %swap3A_3, %swap3A_4], %get3A_2 {strides = array<i32>} : memref<8x96x256xf32, #tpu.memory_space<vmem>>, vector<8x96x256xf32>,
    %get3A_6 = arith.constant 0 : index
    %get3A_7 = arith.constant 0 : index
    %get3A_8 = arith.constant 0 : index
    %get3A_9 = vector.load %arg1[%get3A_6, %get3A_7, %get3A_8] : memref<8x96x256xf32, #tpu.memory_space<vmem>>, vector<8x96x256xf32>
    %transpose3A = tpu.transpose %get3A_9, [1, 0, 2] : vector<8x96x256xf32> -> vector<96x8x256xf32>
    %swap3A_10 = arith.constant 0 : index
    %swap3A_11 = arith.constant 0 : index
    %swap3A_12 = arith.constant 0 : index
    %swap3A_13 = vector.load %arg4[%swap3A_10, %swap3A_11, %swap3A_12] : memref<96x8x256xf32, #tpu.memory_space<vmem>>, vector<96x8x256xf32>
    tpu.vector_store %arg4[%swap3A_10, %swap3A_11, %swap3A_12], %transpose3A {strides = array<i32>} : memref<96x8x256xf32, #tpu.memory_space<vmem>>, vector<96x8x256xf32>,
    %get3A_14 = arith.constant 0 : index
    %get3A_15 = arith.constant 0 : index
    %get3A_16 = vector.load %arg0[%get3A_14, %get3A_15] : memref<2000x256xf32, #tpu.memory_space<vmem>>, vector<2000x256xf32>
    %reduce_min3A = arith.constant dense<0x7F800000> : vector<256xf32>
    %reduce_min3A_17 = vector.multi_reduction <minimumf>, %get3A_16, %reduce_min3A [0] : vector<2000x256xf32> to vector<256xf32>
    %broadcast_in_dim3A = vector.shape_cast %reduce_min3A_17 : vector<256xf32> to vector<1x256xf32>
    %reduce_max3A = arith.constant dense<0xFF800000> : vector<256xf32>
    %reduce_max3A_18 = vector.multi_reduction <maximumf>, %get3A_16, %reduce_max3A [0] : vector<2000x256xf32> to vector<256xf32>
    %broadcast_in_dim3A_19 = vector.shape_cast %reduce_max3A_18 : vector<256xf32> to vector<1x256xf32>
    %sub3A = vector.broadcast %broadcast_in_dim3A : vector<1x256xf32> to vector<2000x256xf32>
    %sub3A_20 = arith.subf %get3A_16, %sub3A : vector<2000x256xf32>
    %sub3A_21 = arith.subf %broadcast_in_dim3A_19, %broadcast_in_dim3A : vector<1x256xf32>
    %add3A = arith.constant 9.99999993E-9 : f32
    %add3A_22 = vector.broadcast %add3A : f32 to vector<1x256xf32>
    %add3A_23 = arith.addf %sub3A_21, %add3A_22 : vector<1x256xf32>
    %div3A = vector.broadcast %add3A_23 : vector<1x256xf32> to vector<2000x256xf32>
    %div3A_24 = arith.divf %sub3A_20, %div3A : vector<2000x256xf32>
    %transpose3A_25 = tpu.transpose %div3A_24, [1, 0] : vector<2000x256xf32> -> vector<256x2000xf32>
    %dot_general3A = arith.constant dense<0.000000e+00> : vector<256x256xf32>
    %dot_general3A_26 = tpu.matmul %transpose3A_25, %div3A_24, %dot_general3A {dimension_numbers = #tpu.dot_dimension_numbers<[1], [0], [0], [1], [0, 0, 1, 1], [], []>, transpose_lhs_hint = false} : vector<256x2000xf32>, vector<2000x256xf32>, vector<256x256xf32> -> vector<256x256xf32>
    %mul3A = arith.mulf %transpose3A_25, %transpose3A_25 : vector<256x2000xf32>
    %reduce_sum3A = arith.constant dense<0.000000e+00> : vector<256xf32>
    %reduce_sum3A_27 = vector.multi_reduction <add>, %mul3A, %reduce_sum3A [1] : vector<256x2000xf32> to vector<256xf32>
    %broadcast_in_dim3A_28 = vector.shape_cast %reduce_sum3A_27 : vector<256xf32> to vector<256x1xf32>
    %sqrt3A = math.sqrt %broadcast_in_dim3A_28 : vector<256x1xf32>
    %transpose3A_29 = tpu.transpose %sqrt3A, [1, 0] : vector<256x1xf32> -> vector<1x256xf32>
    %mul3A_30 = vector.broadcast %sqrt3A : vector<256x1xf32> to vector<256x256xf32>
    %mul3A_31 = vector.broadcast %transpose3A_29 : vector<1x256xf32> to vector<256x256xf32>
    %mul3A_32 = arith.mulf %mul3A_30, %mul3A_31 : vector<256x256xf32>
    %add3A_33 = arith.constant 9.99999993E-9 : f32
    %add3A_34 = vector.broadcast %add3A_33 : f32 to vector<256x256xf32>
    %add3A_35 = arith.addf %mul3A_32, %add3A_34 : vector<256x256xf32>
    %div3A_36 = arith.divf %dot_general3A_26, %add3A_35 : vector<256x256xf32>
    %iota3A = tpu.iota {dimensions = array<i32: 0>} : vector<256x256xi32>
    %iota3A_37 = tpu.iota {dimensions = array<i32: 1>} : vector<256x256xi32>
    %eq3A = arith.cmpi eq, %iota3A, %iota3A_37 : vector<256x256xi32>
    %jit3A = arith.constant 1.000000e+00 : f32
    %jit3A_38 = arith.constant 0.000000e+00 : f32
    %broadcast_in_dim3A_39 = vector.broadcast %jit3A : f32 to vector<256x256xf32>
    %broadcast_in_dim3A_40 = vector.broadcast %jit3A_38 : f32 to vector<256x256xf32>
    %select_n3A = arith.select %eq3A, %broadcast_in_dim3A_39, %broadcast_in_dim3A_40 : vector<256x256xi1>, vector<256x256xf32>
    %sub3A_41 = arith.subf %div3A_36, %select_n3A : vector<256x256xf32>
    %swap3A_42 = arith.constant 0 : index
    %swap3A_43 = arith.constant 0 : index
    %swap3A_44 = vector.load %arg2[%swap3A_42, %swap3A_43] : memref<256x256xf32, #tpu.memory_space<vmem>>, vector<256x256xf32>
    tpu.vector_store %arg2[%swap3A_42, %swap3A_43], %sub3A_41 {strides = array<i32>} : memref<256x256xf32, #tpu.memory_space<vmem>>, vector<256x256xf32>,
    return
  }
}

module attributes {stable_mosaic.version = 14 : i64} {
  func.func @_lap_kron_body(%arg0: i32, %arg1: memref<256x256xf32, #tpu.memory_space<vmem>>, %arg2: memref<256x2048xf32, #tpu.memory_space<vmem>>, %arg3: memref<256x256xf32, #tpu.memory_space<vmem>>, %arg4: memref<256x256xf32, #tpu.memory_space<vmem>>) attributes {dimension_semantics = [#tpu.dimension_semantics<arbitrary>], iteration_bounds = array<i64: 8>, scalar_prefetch = 0 : i64, scratch_operands = 0 : i64, tpu.core_type = #tpu.core_type<tc>, window_params = [{pipeline_mode = #tpu.pipeline_mode<synchronous>, transform_indices = @transform_0, window_bounds = array<i64: 256, 256>}, {transform_indices = @transform_1, window_bounds = array<i64: 256, 2048>}, {pipeline_mode = #tpu.pipeline_mode<synchronous>, transform_indices = @transform_2, window_bounds = array<i64: 256, 256>}, {pipeline_mode = #tpu.pipeline_mode<synchronous>, transform_indices = @transform_3, window_bounds = array<i64: 256, 256>}]} {
    %eq3A = arith.constant 0 : i32
    %eq3A_0 = arith.cmpi eq, %arg0, %eq3A : i32
    %convert_element_type3A = arith.extui %eq3A_0 : i1 to i32
    %cond3A = arith.constant 0 : i32
    %cond3A_1 = arith.cmpi ne, %convert_element_type3A, %cond3A : i32
    scf.if %cond3A_1 {
      %get3A_86 = arith.constant 0 : index
      %get3A_87 = arith.constant 0 : index
      %get3A_88 = vector.load %arg1[%get3A_86, %get3A_87] : memref<256x256xf32, #tpu.memory_space<vmem>>, vector<256x256xf32>
      %transpose3A = tpu.transpose %get3A_88, [1, 0] : vector<256x256xf32> -> vector<256x256xf32>
      %max3A = arith.maximumf %get3A_88, %transpose3A : vector<256x256xf32>
      %iota3A = tpu.iota {dimensions = array<i32: 0>} : vector<256x256xi32>
      %iota3A_89 = tpu.iota {dimensions = array<i32: 1>} : vector<256x256xi32>
      %eq3A_90 = arith.cmpi eq, %iota3A, %iota3A_89 : vector<256x256xi32>
      %jit3A = arith.constant 1.000000e+00 : f32
      %jit3A_91 = arith.constant 0.000000e+00 : f32
      %broadcast_in_dim3A_92 = vector.broadcast %jit3A : f32 to vector<256x256xf32>
      %broadcast_in_dim3A_93 = vector.broadcast %jit3A_91 : f32 to vector<256x256xf32>
      %select_n3A_94 = arith.select %eq3A_90, %broadcast_in_dim3A_92, %broadcast_in_dim3A_93 : vector<256x256xi1>, vector<256x256xf32>
      %max3A_95 = arith.maximumf %max3A, %select_n3A_94 : vector<256x256xf32>
      %swap3A_96 = arith.constant 0 : index
      %swap3A_97 = arith.constant 0 : index
      %swap3A_98 = vector.load %arg3[%swap3A_96, %swap3A_97] : memref<256x256xf32, #tpu.memory_space<vmem>>, vector<256x256xf32>
      tpu.vector_store %arg3[%swap3A_96, %swap3A_97], %max3A_95 {strides = array<i32>} : memref<256x256xf32, #tpu.memory_space<vmem>>, vector<256x256xf32>,
      %reduce_sum3A = arith.constant dense<0.000000e+00> : vector<256xf32>
      %reduce_sum3A_99 = vector.multi_reduction <add>, %max3A_95, %reduce_sum3A [1] : vector<256x256xf32> to vector<256xf32>
      %broadcast_in_dim3A_100 = vector.shape_cast %reduce_sum3A_99 : vector<256xf32> to vector<256x1xf32>
      %gt3A = arith.constant 0.000000e+00 : f32
      %gt3A_101 = vector.broadcast %gt3A : f32 to vector<256x1xf32>
      %gt3A_102 = arith.cmpf ogt, %broadcast_in_dim3A_100, %gt3A_101 : vector<256x1xf32>
      %rsqrt3A = math.rsqrt %broadcast_in_dim3A_100 : vector<256x1xf32>
      %jit3A_103 = arith.constant 0.000000e+00 : f32
      %broadcast_in_dim3A_104 = vector.broadcast %jit3A_103 : f32 to vector<256x1xf32>
      %select_n3A_105 = arith.select %gt3A_102, %rsqrt3A, %broadcast_in_dim3A_104 : vector<256x1xi1>, vector<256x1xf32>
      %transpose3A_106 = tpu.transpose %select_n3A_105, [1, 0] : vector<256x1xf32> -> vector<1x256xf32>
      %mul3A = vector.broadcast %select_n3A_105 : vector<256x1xf32> to vector<256x256xf32>
      %mul3A_107 = arith.mulf %mul3A, %max3A_95 : vector<256x256xf32>
      %mul3A_108 = vector.broadcast %transpose3A_106 : vector<1x256xf32> to vector<256x256xf32>
      %mul3A_109 = arith.mulf %mul3A_107, %mul3A_108 : vector<256x256xf32>
      %sub3A = arith.subf %select_n3A_94, %mul3A_109 : vector<256x256xf32>
      %swap3A_110 = arith.constant 0 : index
      %swap3A_111 = arith.constant 0 : index
      %swap3A_112 = vector.load %arg4[%swap3A_110, %swap3A_111] : memref<256x256xf32, #tpu.memory_space<vmem>>, vector<256x256xf32>
      tpu.vector_store %arg4[%swap3A_110, %swap3A_111], %sub3A {strides = array<i32>} : memref<256x256xf32, #tpu.memory_space<vmem>>, vector<256x256xf32>,
    } else {
    }
    %eq3A_2 = arith.constant 0 : i32
    %eq3A_3 = arith.cmpi eq, %arg0, %eq3A_2 : i32
    %get3A = arith.constant 0 : index
    %get3A_4 = arith.constant 0 : index
    %get3A_5 = vector.load %arg4[%get3A, %get3A_4] : memref<256x256xf32, #tpu.memory_space<vmem>>, vector<256x256xf32>
    %broadcast_in_dim3A = arith.constant 0.000000e+00 : f32
    %broadcast_in_dim3A_6 = vector.broadcast %broadcast_in_dim3A : f32 to vector<256x256xf32>
    %select_n3A = arith.select %eq3A_3, %get3A_5, %broadcast_in_dim3A_6 : vector<256x256xf32>
    %swap3A = arith.constant 0 : index
    %swap3A_7 = arith.constant 0 : index
    %swap3A_8 = vector.load %arg2[%swap3A, %swap3A_7] : memref<256x2048xf32, #tpu.memory_space<vmem>>, vector<256x256xf32>
    tpu.vector_store %arg2[%swap3A, %swap3A_7], %select_n3A {strides = array<i32>} : memref<256x2048xf32, #tpu.memory_space<vmem>>, vector<256x256xf32>,
    %eq3A_9 = arith.constant 1 : i32
    %eq3A_10 = arith.cmpi eq, %arg0, %eq3A_9 : i32
    %get3A_11 = arith.constant 0 : index
    %get3A_12 = arith.constant 0 : index
    %get3A_13 = vector.load %arg4[%get3A_11, %get3A_12] : memref<256x256xf32, #tpu.memory_space<vmem>>, vector<256x256xf32>
    %broadcast_in_dim3A_14 = arith.constant 0.000000e+00 : f32
    %broadcast_in_dim3A_15 = vector.broadcast %broadcast_in_dim3A_14 : f32 to vector<256x256xf32>
    %select_n3A_16 = arith.select %eq3A_10, %get3A_13, %broadcast_in_dim3A_15 : vector<256x256xf32>
    %swap3A_17 = arith.constant 0 : index
    %swap3A_18 = arith.constant 256 : index
    %swap3A_19 = vector.load %arg2[%swap3A_17, %swap3A_18] : memref<256x2048xf32, #tpu.memory_space<vmem>>, vector<256x256xf32>
    tpu.vector_store %arg2[%swap3A_17, %swap3A_18], %select_n3A_16 {strides = array<i32>} : memref<256x2048xf32, #tpu.memory_space<vmem>>, vector<256x256xf32>,
    %eq3A_20 = arith.constant 2 : i32
    %eq3A_21 = arith.cmpi eq, %arg0, %eq3A_20 : i32
    %get3A_22 = arith.constant 0 : index
    %get3A_23 = arith.constant 0 : index
    %get3A_24 = vector.load %arg4[%get3A_22, %get3A_23] : memref<256x256xf32, #tpu.memory_space<vmem>>, vector<256x256xf32>
    %broadcast_in_dim3A_25 = arith.constant 0.000000e+00 : f32
    %broadcast_in_dim3A_26 = vector.broadcast %broadcast_in_dim3A_25 : f32 to vector<256x256xf32>
    %select_n3A_27 = arith.select %eq3A_21, %get3A_24, %broadcast_in_dim3A_26 : vector<256x256xf32>
    %swap3A_28 = arith.constant 0 : index
    %swap3A_29 = arith.constant 512 : index
    %swap3A_30 = vector.load %arg2[%swap3A_28, %swap3A_29] : memref<256x2048xf32, #tpu.memory_space<vmem>>, vector<256x256xf32>
    tpu.vector_store %arg2[%swap3A_28, %swap3A_29], %select_n3A_27 {strides = array<i32>} : memref<256x2048xf32, #tpu.memory_space<vmem>>, vector<256x256xf32>,
    %eq3A_31 = arith.constant 3 : i32
    %eq3A_32 = arith.cmpi eq, %arg0, %eq3A_31 : i32
    %get3A_33 = arith.constant 0 : index
    %get3A_34 = arith.constant 0 : index
    %get3A_35 = vector.load %arg4[%get3A_33, %get3A_34] : memref<256x256xf32, #tpu.memory_space<vmem>>, vector<256x256xf32>
    %broadcast_in_dim3A_36 = arith.constant 0.000000e+00 : f32
    %broadcast_in_dim3A_37 = vector.broadcast %broadcast_in_dim3A_36 : f32 to vector<256x256xf32>
    %select_n3A_38 = arith.select %eq3A_32, %get3A_35, %broadcast_in_dim3A_37 : vector<256x256xf32>
    %swap3A_39 = arith.constant 0 : index
    %swap3A_40 = arith.constant 768 : index
    %swap3A_41 = vector.load %arg2[%swap3A_39, %swap3A_40] : memref<256x2048xf32, #tpu.memory_space<vmem>>, vector<256x256xf32>
    tpu.vector_store %arg2[%swap3A_39, %swap3A_40], %select_n3A_38 {strides = array<i32>} : memref<256x2048xf32, #tpu.memory_space<vmem>>, vector<256x256xf32>,
    %eq3A_42 = arith.constant 4 : i32
    %eq3A_43 = arith.cmpi eq, %arg0, %eq3A_42 : i32
    %get3A_44 = arith.constant 0 : index
    %get3A_45 = arith.constant 0 : index
    %get3A_46 = vector.load %arg4[%get3A_44, %get3A_45] : memref<256x256xf32, #tpu.memory_space<vmem>>, vector<256x256xf32>
    %broadcast_in_dim3A_47 = arith.constant 0.000000e+00 : f32
    %broadcast_in_dim3A_48 = vector.broadcast %broadcast_in_dim3A_47 : f32 to vector<256x256xf32>
    %select_n3A_49 = arith.select %eq3A_43, %get3A_46, %broadcast_in_dim3A_48 : vector<256x256xf32>
    %swap3A_50 = arith.constant 0 : index
    %swap3A_51 = arith.constant 1024 : index
    %swap3A_52 = vector.load %arg2[%swap3A_50, %swap3A_51] : memref<256x2048xf32, #tpu.memory_space<vmem>>, vector<256x256xf32>
    tpu.vector_store %arg2[%swap3A_50, %swap3A_51], %select_n3A_49 {strides = array<i32>} : memref<256x2048xf32, #tpu.memory_space<vmem>>, vector<256x256xf32>,
    %eq3A_53 = arith.constant 5 : i32
    %eq3A_54 = arith.cmpi eq, %arg0, %eq3A_53 : i32
    %get3A_55 = arith.constant 0 : index
    %get3A_56 = arith.constant 0 : index
    %get3A_57 = vector.load %arg4[%get3A_55, %get3A_56] : memref<256x256xf32, #tpu.memory_space<vmem>>, vector<256x256xf32>
    %broadcast_in_dim3A_58 = arith.constant 0.000000e+00 : f32
    %broadcast_in_dim3A_59 = vector.broadcast %broadcast_in_dim3A_58 : f32 to vector<256x256xf32>
    %select_n3A_60 = arith.select %eq3A_54, %get3A_57, %broadcast_in_dim3A_59 : vector<256x256xf32>
    %swap3A_61 = arith.constant 0 : index
    %swap3A_62 = arith.constant 1280 : index
    %swap3A_63 = vector.load %arg2[%swap3A_61, %swap3A_62] : memref<256x2048xf32, #tpu.memory_space<vmem>>, vector<256x256xf32>
    tpu.vector_store %arg2[%swap3A_61, %swap3A_62], %select_n3A_60 {strides = array<i32>} : memref<256x2048xf32, #tpu.memory_space<vmem>>, vector<256x256xf32>,
    %eq3A_64 = arith.constant 6 : i32
    %eq3A_65 = arith.cmpi eq, %arg0, %eq3A_64 : i32
    %get3A_66 = arith.constant 0 : index
    %get3A_67 = arith.constant 0 : index
    %get3A_68 = vector.load %arg4[%get3A_66, %get3A_67] : memref<256x256xf32, #tpu.memory_space<vmem>>, vector<256x256xf32>
    %broadcast_in_dim3A_69 = arith.constant 0.000000e+00 : f32
    %broadcast_in_dim3A_70 = vector.broadcast %broadcast_in_dim3A_69 : f32 to vector<256x256xf32>
    %select_n3A_71 = arith.select %eq3A_65, %get3A_68, %broadcast_in_dim3A_70 : vector<256x256xf32>
    %swap3A_72 = arith.constant 0 : index
    %swap3A_73 = arith.constant 1536 : index
    %swap3A_74 = vector.load %arg2[%swap3A_72, %swap3A_73] : memref<256x2048xf32, #tpu.memory_space<vmem>>, vector<256x256xf32>
    tpu.vector_store %arg2[%swap3A_72, %swap3A_73], %select_n3A_71 {strides = array<i32>} : memref<256x2048xf32, #tpu.memory_space<vmem>>, vector<256x256xf32>,
    %eq3A_75 = arith.constant 7 : i32
    %eq3A_76 = arith.cmpi eq, %arg0, %eq3A_75 : i32
    %get3A_77 = arith.constant 0 : index
    %get3A_78 = arith.constant 0 : index
    %get3A_79 = vector.load %arg4[%get3A_77, %get3A_78] : memref<256x256xf32, #tpu.memory_space<vmem>>, vector<256x256xf32>
    %broadcast_in_dim3A_80 = arith.constant 0.000000e+00 : f32
    %broadcast_in_dim3A_81 = vector.broadcast %broadcast_in_dim3A_80 : f32 to vector<256x256xf32>
    %select_n3A_82 = arith.select %eq3A_76, %get3A_79, %broadcast_in_dim3A_81 : vector<256x256xf32>
    %swap3A_83 = arith.constant 0 : index
    %swap3A_84 = arith.constant 1792 : index
    %swap3A_85 = vector.load %arg2[%swap3A_83, %swap3A_84] : memref<256x2048xf32, #tpu.memory_space<vmem>>, vector<256x256xf32>
    tpu.vector_store %arg2[%swap3A_83, %swap3A_84], %select_n3A_82 {strides = array<i32>} : memref<256x2048xf32, #tpu.memory_space<vmem>>, vector<256x256xf32>,
    return
  }
  func.func @transform_0(%arg0: i32) -> (i32, i32) {
    %c0_i32 = arith.constant 0 : i32
    %c0_i32_0 = arith.constant 0 : i32
    %c0_i32_1 = arith.constant 0 : i32
    return %c0_i32, %c0_i32_0 : i32, i32
  }
  func.func @transform_1(%arg0: i32) -> (i32, i32) {
    %c0_i32 = arith.constant 0 : i32
    %c0_i32_0 = arith.constant 0 : i32
    return %arg0, %c0_i32 : i32, i32
  }
  func.func @transform_2(%arg0: i32) -> (i32, i32) {
    %c0_i32 = arith.constant 0 : i32
    %c0_i32_0 = arith.constant 0 : i32
    %c0_i32_1 = arith.constant 0 : i32
    return %c0_i32, %c0_i32_0 : i32, i32
  }
  func.func @transform_3(%arg0: i32) -> (i32, i32) {
    %c0_i32 = arith.constant 0 : i32
    %c0_i32_0 = arith.constant 0 : i32
    %c0_i32_1 = arith.constant 0 : i32
    return %c0_i32, %c0_i32_0 : i32, i32
  }
}

</mosaic_0001>

<sc_bundles>
// kernel: kernel.5.cloned.1.call-start
scs
__scs_entry_jumppad:
0x0: {  	(pc) =	sbr.rel $0x88, $3  }
0x1: {  	(tag) =	ssettag $0x0;
	lr =	simm.s32 $0x1  }
0x2: {  	[smem:$0x3F9F] =	sst lr;
	_ =	strace $0xD0000000  }
0x3: {  	_ = 	snop  }
0x4: {  	_ = 	snop  }
0x5: {  	_ = 	snop  }
0x6: {  	_ = 	snop  }
0x7: {  	_ = 	snop  }
__scs_overlays_trampoline_lowered:
0x8: {  	[smem:$0x3FAE] =	sst s0  }
0x9: {  	[smem:$0x3FAF] =	sst s1  }
0xa: {  	[smem:$0x3FB0] =	sst s2  }
0xb: {  	[smem:$0x3FB1] =	sst s3  }
0xc: {  	[smem:$0x3FB2] =	sst s4  }
0xd: {  	[smem:$0x3FB3] =	sst s5  }
0xe: {  	[smem:$0x3FB4] =	sst s6  }
0xf: {  	[smem:$0x3FB5] =	sst s7  }
0x10: {  	[smem:$0x3FB6] =	sst s8  }
0x11: {  	[smem:$0x3FB7] =	sst s9;
	s0 =	simm.s32 @!p0 $0x0  }
0x12: {  	s1 =	sld [smem:$0x3F9D];
	s0 =	simm.s32 @p0 $0x1  }
0x13: {  	[smem:$0x3FB8] =	sst s0;
	s0 =	simm.s32 @!p1 $0x0  }
0x14: {  	s2 =	sld [smem:$0x3F9C];
	s0 =	simm.s32 @p1 $0x1  }
0x15: {  	[smem:$0x3FB9] =	sst s0;
	s0 =	simm.s32 @!p2 $0x0  }
0x16: {  	s3 =	sld [smem:$0x3FDB];
	s0 =	simm.s32 @p2 $0x1  }
0x17: {  	s4 =	simm.s32 $0x1BF5;
	[smem:$0x3FBB] =	sst s0  }
0x18: {  	s0 =	sld [smem:$0x3F9E];
	_ =	swait.ge [sflag:s4], $0x0  }
0x19: {  	s7 =	sld [smem:$0x3F9F]  }
0x1a: {  	s8 =	sadd.s32 $0xFFFFE003, lr  }
0x1b: {  	s9 =	sadd.s32 $0xFFFFFEF7, lr;
	s5 =	simm.s32 $0xFFFFFFFF;
	p2 =	slt.u32 s8, $0xFFFFF086  }
0x1c: {  	p1 =	slt.u32 s9, $0xF7A;
	s5 =	simm.s32 @!p2 $0x0  }
0x1d: {  	s5 =	simm.s32 @p1 $0x1;
	p0 =	seq.s32 s7, s2  }
0x1e: {  	s7 =	smul.u32 @!p0 $0xF7A, s2;
	p2 =	seq.s32 @!p0 s5, $0x0  }
0x1f: {  	s9 =	smul.u32 $0xF7A, s1;
	s8 =	simm.s32 @!p0 $0x1BF5;
	p2 =	por !p2, p0  }
0x20: {  	[sflag:s8] =	ssyncset.s32 @!p0 $0xFFFFF086;
	s6 =	sadd.s32 @!p0 s3, s7;
	s7 =	simm.s32 @!p0 $0x108  }
0x21: {  	s3 =	sadd.s32 s3, s9;
	s6 =	sadd.s32 @!p0 $0x88, s6;
	s7 =	simm.s32 @p2 $0x1082  }
0x22: {  	[simem:s7], [sflag:s8] =	dma.local @!p0 [hbm:s6], $0xF7A  }
0x23: {  	s9 =	sor.u32 $0xD0000000, s2;
	s6 =	simm.s32 $0x108;
	_ =	swait.ge @!p0 [sflag:s8], $0x0  }
0x24: {  	s3 =	sadd.s32 $0x88, s3;
	s6 =	simm.s32 @!p1 $0x1082;
	[sflag:s4] =	ssyncset.s32 $0xFFFFF086  }
0x25: {  	[simem:s6], [sflag:s4] =	dma.local [hbm:s3], $0xF7A  }
0x26: {  	[smem:$0x3F9F] =	sst s1;
	(tag) =	ssettag s2;
	_ =	strace s9  }
0x27: {  	s1 =	sld [smem:$0x3FAF]  }
0x28: {  	s2 =	sld [smem:$0x3FB0]  }
0x29: {  	s4 =	sld [smem:$0x3FB2]  }
0x2a: {  	p0 =	seq.s32 s5, $0x0;
	s5 =	sld [smem:$0x3FB3]  }
0x2b: {  	s6 =	sld [smem:$0x3FB4]  }
0x2c: {  	s7 =	sld [smem:$0x3FB5]  }
0x2d: {  	s3 =	simm.s32 $0x108;
	s8 =	sld [smem:$0x3FB6]  }
0x2e: {  	s3 =	simm.s32 @!p0 $0x1082;
	s9 =	sld [smem:$0x3FB7]  }
0x2f: {  	lr =	sadd.s32 s0, s3;
	s0 =	sld [smem:$0x3FAE]  }
0x30: {  	s3 =	sld [smem:$0x3FB1]  }
0x31: {  	[smem:$0x3FBA] =	sst s10  }
0x32: {  	s10 =	sld [smem:$0x3FB8];
	_ =	sdelay $0x3  }
0x33: {  	p0 =	seq.s32 s10, $0x1;
	s10 =	sld [smem:$0x3FBA];
	_ =	sdelay $0x3  }
0x34: {  	[smem:$0x3FBA] =	sst s10  }
0x35: {  	s10 =	sld [smem:$0x3FB9];
	_ =	sdelay $0x3  }
0x36: {  	p1 =	seq.s32 s10, $0x1;
	s10 =	sld [smem:$0x3FBA];
	_ =	sdelay $0x3  }
0x37: {  	[smem:$0x3FBA] =	sst s10  }
0x38: {  	s10 =	sld [smem:$0x3FBB]  }
0x39: {  	_ = 	snop;
	(pc) =	sbr.ind lr, $3  }
0x3a: {  	_ = 	snop  }
0x3b: {  	_ = 	snop  }
0x3c: {  	p2 =	seq.s32 s10, $0x1;
	s10 =	sld [smem:$0x3FBA]  }
0x3d: {  	_ =	shalt  }
0x3e: {  	_ =	shalt  }
0x3f: {  	_ =	shalt  }
0x40: {  	_ =	shalt  }
0x41: {  	_ =	shalt  }
0x42: {  	_ =	shalt  }
0x43: {  	_ =	shalt  }
0x44: {  	_ =	shalt  }
0x45: {  	_ =	shalt  }
0x46: {  	_ =	shalt  }
0x47: {  	_ =	shalt  }
0x48: {  	_ =	shalt  }
0x49: {  	_ =	shalt  }
0x4a: {  	_ =	shalt  }
0x4b: {  	_ =	shalt  }
0x4c: {  	_ =	shalt  }
0x4d: {  	_ =	shalt  }
0x4e: {  	_ =	shalt  }
0x4f: {  	_ =	shalt  }
0x50: {  	_ =	shalt  }
0x51: {  	_ =	shalt  }
0x52: {  	_ =	shalt  }
0x53: {  	_ =	shalt  }
0x54: {  	_ =	shalt  }
0x55: {  	_ =	shalt  }
0x56: {  	_ =	shalt  }
0x57: {  	_ =	shalt  }
0x58: {  	_ =	shalt  }
0x59: {  	_ =	shalt  }
0x5a: {  	_ =	shalt  }
0x5b: {  	_ =	shalt  }
0x5c: {  	_ =	shalt  }
0x5d: {  	_ =	shalt  }
0x5e: {  	_ =	shalt  }
0x5f: {  	_ =	shalt  }
0x60: {  	_ =	shalt  }
0x61: {  	_ =	shalt  }
0x62: {  	_ =	shalt  }
0x63: {  	_ =	shalt  }
0x64: {  	_ =	shalt  }
0x65: {  	_ =	shalt  }
0x66: {  	_ =	shalt  }
0x67: {  	_ =	shalt  }
0x68: {  	_ =	shalt  }
0x69: {  	_ =	shalt  }
0x6a: {  	_ =	shalt  }
0x6b: {  	_ =	shalt  }
0x6c: {  	_ =	shalt  }
0x6d: {  	_ =	shalt  }
0x6e: {  	_ =	shalt  }
0x6f: {  	_ =	shalt  }
0x70: {  	_ =	shalt  }
0x71: {  	_ =	shalt  }
0x72: {  	_ =	shalt  }
0x73: {  	_ =	shalt  }
0x74: {  	_ =	shalt  }
0x75: {  	_ =	shalt  }
0x76: {  	_ =	shalt  }
0x77: {  	_ =	shalt  }
0x78: {  	_ =	shalt  }
0x79: {  	_ =	shalt  }
0x7a: {  	_ =	shalt  }
0x7b: {  	_ =	shalt  }
0x7c: {  	_ =	shalt  }
0x7d: {  	_ =	shalt  }
0x7e: {  	_ =	shalt  }
0x7f: {  	_ =	shalt  }
0x80: {  	_ =	shalt  }
0x81: {  	_ =	shalt  }
0x82: {  	_ =	shalt  }
0x83: {  	_ =	shalt  }
0x84: {  	_ =	shalt  }
0x85: {  	_ =	shalt  }
0x86: {  	_ =	shalt  }
0x87: {  	_ =	shalt  }
.Lfunc_end0:
.L_simem_size_0:
called_computation_lowered:
.L_overlay_start_0:
0x88: {  	s2 =	sld [smem:$0x3FD9]  }
0x89: {  	s3 =	sld [smem:$0x3FFE];
	_ =	sdelay $0x1  }
0x8a: {  	s1 =	srdreg.scid  }
0x8b: {  	s0 =	sand.u32 $0x1, s1  }
0x8c: {  	s15 =	sshll.u32 s0, $0xA;
	s2 =	sadd.s32 s3, s2  }
0x8d: {  	s2 =	sadd.s32 s2, s15  }
0x8e: {  	[smem:$0x3FC6] =	sst s2  }
0x8f: {  	_ = 	snop  }
0x90: {  	s2 =	sld [smem:$0x3FD0];
	_ =	sdelay $0x2  }
0x91: {  	s16 =	simm.s32 $0xA;
	s4 =	simm.s32 $0x10  }
0x92: {  	[smem:s4], [sflag:s16] =	dma.local [hbm:s2], $0x1  }
0x93: {  	_ =	swait.eq [sflag:s16], $0x1  }
0x94: {  	[sflag:s16] =	ssyncset.done $0x0  }
0x95: {  	s17 =	sld [smem:$0x11];
	[sflag:s16] =	ssyncadd.s32 $0xFFFFFFFF  }
0x96: {  	s18 =	sld [smem:$0x13];
	(tm) =	ssettm $0x1  }
0x97: {  	s19 =	sld [smem:$0x3FFB];
	_ =	sdelay $0x3  }
0x98: {  	_ =	strace s19  }
0x99: {  	s4 =	sld [smem:$0x3FFC];
	_ =	sdelay $0x3  }
0x9a: {  	_ =	strace s4  }
0x9b: {  	s4 =	sld [smem:$0x3FFD];
	_ =	sdelay $0x3  }
0x9c: {  	_ =	strace s4  }
0x9d: {  	_ =	strace $0x8FFFFFFF  }
0x9e: {  	s20 =	sld [smem:$0x3FDB];
	_ =	sdelay $0x1  }
0x9f: {  	s5 =	simm.s32 $_scs_section_size  }
0xa0: {  	s6 =	simm.s32 $_size__tile_overlayer_lowered;
	s7 =	simm.s32 $_tile_overlayer_lowered  }
0xa1: {  	s23 =	simm.s32 $0x1BFF;
	s22 =	sshll.u32 s7, $0x1;
	s4 =	sadd.s32 s5, s20  }
0xa2: {  	s8 =	simm.s32 $0x0;
	s21 =	sshll.u32 s6, $0x1;
	s6 =	sadd.s32 s22, s4  }
0xa3: {  	[timem:s8], [sflag:s23] =	dma.local [hbm:s6], s21  }
0xa4: {  	_ =	swait.ge [sflag:s23], s21  }
0xa5: {  	s5 =	ssub.s32 $0x0, s21;
	[sflag:s23] =	ssyncset.done $0x0  }
0xa6: {  	[sflag:s23] =	ssyncadd.s32 s5;
	_ =	sdelay $0x1  }
0xa7: {  	s24 =	simm.s32 $0x1B8B  }
0xa8: {  	_ =	swait.ge [sflag:s24], $0x1  }
0xa9: {  	[sflag:s24] =	ssyncset.done $0x0  }
0xaa: {  	s25 =	simm.s32 $0x1B8E;
	[sflag:s24] =	ssyncadd.s32 $0xFFFFFFFF  }
0xab: {  	s26 =	simm.s32 $execute0_lowered;
	[smem:$0x3FD2] =	sst s25  }
0xac: {  	s5 =	sshll.u32 s26, $0x1;
	_ =	strace $0x80000046;
	[dreg:$0x1] =	wrdreg $0xFFFFFFFF  }
0xad: {  	s28 =	simm.s32 $_size_execute0_lowered;
	s4 =	sadd.s32 s4, s5;
	[dreg:$0x0] =	wrdreg $0x0  }
0xae: {  	s5 =	sshll.u32 s28, $0x1;
	[dreg:$0x2] =	wrdreg s4  }
0xaf: {  	[dreg:$0x3] =	wrdreg s5  }
0xb0: {  	[dreg:$0x4] =	wrdreg $0xC0  }
0xb1: {  	_ =	task [dreg:s8], $0x5FFFF  }
0xb2: {  	[dreg:$0x1] =	wrdreg $0xFFFFFFFF  }
0xb3: {  	[dreg:$0x0] =	wrdreg $0x60  }
0xb4: {  	[dreg:$0x2] =	wrdreg s18  }
0xb5: {  	[dreg:$0x3] =	wrdreg s17  }
0xb6: {  	[dreg:$0x4] =	wrdreg $0x9  }
0xb7: {  	_ =	task.clear_ibuf [dreg:s8], $0x5FFFF;
	_ =	strace $0x90000046  }
0xb8: {  	s29 =	simm.s32 $0x9;
	_ =	strace $0x80000048  }
0xb9: {  	_ =	swait.ge [sflag:s29], $0x1  }
0xba: {  	[sflag:s29] =	ssyncadd.s32 $0xFFFFFFFF  }
0xbb: {  	_ =	strace $0x90000048  }
0xbc: {  	_ =	sfence  }
0xbd: {  	s30 =	sld [smem:$0x0];
	_ =	sdelay $0x2  }
0xbe: {  	s31 =	sshll.u32 s1, $0xD;
	s1 =	sshrl.u32 s1, $0x2  }
0xbf: {  	s3 =	sand.u32 $0x4000, s31;
	s1 =	sadd.s32 s1, s30  }
0xc0: {  	s0 =	sor.u32 s3, s0;
	s1 =	sshll.u32 s1, $0x11  }
0xc1: {  	s0 =	sor.u32 s1, s0  }
0xc2: {  	s0 =	sadd.s32 $0x8F2B, s0  }
0xc3: {  	[sflag:s0] =	ssyncadd.remote.s32 $0x1  }
0xc4: {  	_ =	sfence.sel $0xFFFF  }
0xc5: {  	[dreg:$0x0] =	wrdreg $0xFFFFFFFF;
	(pc) =	sbr.abs _section_cstart, $3  }
0xc6: {  	[dreg:$0x1] =	wrdreg $0xFFFFFFFF  }
0xc7: {  	_ =	task.clear_ibuf [dreg:s8], $0x2FFFF;
	_ =	strace $0x9FFFFFFF  }
0xc8: {  	(tm) =	ssettm $0x7FFFFFFF  }
0xc9: {  	_ =	shalt  }
tec
execute0_lowered:
.L_overlay_start_1:
0x0: {  	(tag) =	ssettag $0x1  }
0x1: {  	s3 =	rddreg [dreg:$0x0]  }
0x2: {  	s4 =	rddreg [dreg:$0x1];
	s1 =	srdreg.scid  }
0x3: {  	s0 =	rddreg [dreg:$0x2];
	s2 =	simm.s32 $0x0;
	s5 =	sand.u32 $0x1, s1  }
0x4: {  	[smem:$0x7FF] =	sst s2;
	s1 =	stileid.u32;
	s6 =	ssub.s32 $0x2, s5  }
0x5: {  	v0 =	vlaneseq.u32;
	s8 =	sshll.u32 s1, $0x9;
	s5 =	sshll.u32 s5, $0x8;
	_ =	strace $0x80000047  }
0x6: {  	v0 =	vmul.u32 $0xFFFFFFFF, v0;
	s7 =	sshrl.u32 s6, $0x1;
	s5 =	sor.u32 s5, s8;
	s8 =	simm.s32 $0x0  }
0x7: {  	s6 =	ssub.s32 s6, s7;
	s3 =	sadd.s32 s3, s5;
	s4 =	sadd.s32 s4, s5  }
0x8: {  	v0 =	vadd.s32 $0xF, v0;
	s7 =	simm.s32 $0x800;
	s5 =	smax.u32 s6, $0x1;
	s6 =	simm.s32 $0x1  }
.LBB2_1:
0x9: {  	[tilespmem:s2], [sflag:$0x1] =	stream.linear.gather [hbm4b:s3+s2], $0x800, $0x38;
	[tilespmem:$0x1000] =	vst v63  }
0xa: {  	_ =	swait.ge [sflag:s6], $0x800  }
0xb: {  	[sflag:s6] =	ssyncset.done $0x0  }
0xc: {  	s9 =	simm.s32 $0x0;
	[sflag:s6] =	ssyncadd.s32 $0xFFFFF800  }
0xd: {  	v1 =	vld [tilespmem:s9+$0x0]  }
0xe: {  	v2 =	vld [tilespmem:s9+$0x10]  }
0xf: {  	v3 =	vld [tilespmem:s9+$0x30]  }
0x10: {  	v4 =	vld [tilespmem:s9+$0x50]  }
0x11: {  	v8 =	vld [tilespmem:s9+$0x410]  }
0x12: {  	v9 =	vld [tilespmem:s9+$0x70];
	vm0 =	vlt.s32 v1, $0x0;
	v5 =	vsub.s32 $0x80000000, v1  }
0x13: {  	vm1 =	vlt.s32 v2, $0x0;
	v7 =	vsub.s32 $0x80000000, v2;
	v6 =	vsel vm0, v5, v1;
	v1 =	vld [tilespmem:s9+$0x430]  }
0x14: {  	v10 =	vld [tilespmem:s9+$0x20];
	vm0 =	vlt.s32 v3, $0x0;
	v5 =	vsub.s32 $0x80000000, v3;
	v7 =	vsel vm1, v7, v2;
	(xrf1) =	vsort.ascd.msk.u32 $0xffff, v6, v6  }
0x15: {  	v11 =	vld [tilespmem:s9+$0x470];
	vm1 =	vlt.s32 v4, $0x0;
	v2 =	vsub.s32 $0x80000000, v4;
	v5 =	vsel vm0, v5, v3;
	(xrf1) =	vsort.ascd.msk.u32 $0xffff, v7, v7  }
0x16: {  	v13 =	vld [tilespmem:s9+$0x60];
	vm0 =	vlt.s32 v8, $0x0;
	v3 =	vsel vm1, v2, v4;
	v2 =	vsub.s32 $0x80000000, v8;
	(xrf1) =	vsort.ascd.msk.u32 $0xffff, v5, v5  }
0x17: {  	v12 =	vsub.s32 $0x80000000, v9;
	vm1 =	vlt.s32 v9, $0x0;
	v2 =	vsel vm0, v2, v8;
	(xrf1) =	vsort.ascd.msk.u32 $0xffff, v3, v3  }
0x18: {  	v4 =	vld [tilespmem:s9+$0x420];
	v14 =	vsel vm1, v12, v9;
	vm0 =	vlt.s32 v1, $0x0;
	v8 =	vsub.s32 $0x80000000, v1;
	(xrf1) =	vsort.ascd.msk.u32 $0xffff, v2, v2  }
0x19: {  	vm1 =	vlt.s32 v10, $0x0;
	v9 =	vsub.s32 $0x80000000, v10;
	v1 =	vsel vm0, v8, v1;
	(xrf1) =	vsort.ascd.msk.u32 $0xffff, v14, v14  }
0x1a: {  	v15 =	vld [tilespmem:s9+$0x460];
	v12 =	vsel vm1, v9, v10;
	vm0 =	vlt.s32 v11, $0x0;
	v8 =	vsub.s32 $0x80000000, v11;
	(xrf1) =	vsort.ascd.msk.u32 $0xffff, v1, v1  }
0x1b: {  	vm1 =	vlt.s32 v13, $0x0;
	v10 =	vsub.s32 $0x80000000, v13;
	v9 =	vsel vm0, v8, v11;
	(xrf1) =	vsort.ascd.msk.u32 $0xffff, v12, v12  }
0x1c: {  	v11 =	vsel vm1, v10, v13;
	v10 =	vld [tilespmem:s9+$0x450];
	(xrf1) =	vsort.ascd.msk.u32 $0xffff, v9, v9  }
0x1d: {  	vm0 =	vlt.s32 v4, $0x0;
	v8 =	vsub.s32 $0x80000000, v4;
	v13 =	vld [tilespmem:s9+$0x40];
	(xrf1) =	vsort.ascd.msk.u32 $0xffff, v11, v11  }
0x1e: {  	v17 =	vld [tilespmem:s9+$0x440];
	v8 =	vsel vm0, v8, v4  }
0x1f: {  	vm1 =	vlt.s32 v15, $0x0;
	v4 =	vsub.s32 $0x80000000, v15;
	(xrf1) =	vsort.ascd.msk.u32 $0xffff, v8, v8  }
0x20: {  	v18 =	vld [tilespmem:s9+$0x400];
	v4 =	vsel vm1, v4, v15  }
0x21: {  	(xrf1) =	vsort.ascd.msk.u32 $0xffff, v4, v4;
	vm0 =	vlt.s32 v10, $0x0;
	v15 =	vsub.s32 $0x80000000, v10  }
0x22: {  	v16 =	vsel vm0, v15, v10;
	vm0 =	vlt.s32 v13, $0x0;
	v10 =	vsub.s32 $0x80000000, v13;
	v19, _, _ =	vpop (xrf1)  }
0x23: {  	v15 =	vsel vm0, v10, v13;
	vm0 =	vlt.s32 v17, $0x0;
	v10 =	vsub.s32 $0x80000000, v17;
	v20, _, _ =	vpop (xrf1)  }
0x24: {  	(xrf1) =	vsort.ascd.msk.u32 $0xffff, v16, v16;
	v10 =	vsel vm0, v10, v17;
	v17, _, _ =	vpop (xrf1)  }
0x25: {  	v13 =	vsub.s32 $0x80000000, v18;
	vm0 =	vlt.s32 v18, $0x0;
	(xrf1) =	vsort.ascd.msk.u32 $0xffff, v15, v15;
	v21, _, _ =	vpop (xrf1)  }
0x26: {  	v13 =	vsel vm0, v13, v18;
	(xrf1) =	vsort.ascd.msk.u32 $0xffff, v10, v10;
	v18 =	vperm.xlane v20, v0;
	v20, _, _ =	vpop (xrf1)  }
0x27: {  	v22, _, _ =	vpop (xrf1)  }
0x28: {  	vm0 =	vlt.s32 v19, v18;
	v23, _, _ =	vpop (xrf1)  }
0x29: {  	(xrf1) =	vsort.ascd.msk.u32 $0xffff, v13, v13;
	v17 =	vperm.xlane v17, v0;
	v24 =	vsel vm0, v19, v18;
	v25, _, _ =	vpop (xrf1)  }
0x2a: {  	v18 =	vsel vm0, v18, v19;
	v22 =	vperm.xlane v22, v0;
	(xrf1) =	vsort.ascd.msk.u32 $0xffff, v24, v24;
	v19, _, _ =	vpop (xrf1)  }
0x2b: {  	v23 =	vperm.xlane v23, v0;
	(xrf1) =	vsort.ascd.msk.u32 $0xffff, v18, v18;
	vm0 =	vlt.s32 v25, v17;
	v26, _, _ =	vpop (xrf1)  }
0x2c: {  	v60 =	vsel vm0, v17, v25;
	v17 =	vsel vm0, v25, v17;
	vm0 =	vlt.s32 v26, v22  }
0x2d: {  	v18, _, _ =	vpop (xrf1);
	(xrf1) =	vsort.ascd.msk.u32 $0xffff, v60, v60;
	v61 =	vsel vm0, v22, v26  }
0x2e: {  	vm1 =	vlt.s32 v18, v23;
	(xrf1) =	vsort.ascd.msk.u32 $0xffff, v17, v17;
	v17 =	vperm.xlane v19, v0  }
0x2f: {  	v62, _, _ =	vpop (xrf1);
	v19 =	vsel vm1, v23, v18;
	(xrf1) =	vsort.ascd.msk.u32 $0xffff, v61, v61  }
0x30: {  	v22 =	vsel vm0, v26, v22;
	(xrf1) =	vsort.ascd.msk.u32 $0xffff, v19, v19;
	vm0 =	vlt.s32 v62, v17  }
0x31: {  	(xrf1) =	vsort.ascd.msk.u32 $0xffff, v22, v22;
	v22 =	vsel vm0, v17, v62  }
0x32: {  	v21 =	vperm.xlane v21, v0;
	v18 =	vsel vm1, v18, v23;
	v19, _, _ =	vpop (xrf1)  }
0x33: {  	(xrf1) =	vsort.ascd.msk.u32 $0xffff, v18, v18;
	v18 =	vperm.xlane v19, v0;
	v19, _, _ =	vpop (xrf1)  }
0x34: {  	v17 =	vsel vm0, v62, v17;
	(xrf1) =	vsort.ascd.msk.u32 $0xffff, v22, v22;
	vm0 =	vlt.s32 v19, v21;
	v22, _, _ =	vpop (xrf1)  }
0x35: {  	(xrf1) =	vsort.ascd.msk.u32 $0xffff, v17, v17;
	v17 =	vsel vm0, v21, v19;
	vm1 =	vlt.s32 v22, v18  }
0x36: {  	v20 =	vperm.xlane v20, v0;
	v63 =	vsel vm1, v18, v22;
	(xrf1) =	vsort.ascd.msk.u32 $0xffff, v17, v17  }
0x37: {  	v23, _, _ =	vpop (xrf1);
	v17 =	vsel vm0, v19, v21;
	(xrf1) =	vsort.ascd.msk.u32 $0xffff, v63, v63  }
0x38: {  	vm0 =	vlt.s32 v23, v20;
	(xrf1) =	vsort.ascd.msk.u32 $0xffff, v17, v17;
	v17 =	vsel vm1, v22, v18  }
0x39: {  	v19 =	vsel vm0, v20, v23  }
0x3a: {  	v18, _, _ =	vpop (xrf1);
	(xrf1) =	vsort.ascd.msk.u32 $0xffff, v19, v19;
	v19 =	vsel vm0, v23, v20  }
0x3b: {  	(xrf1) =	vsort.ascd.msk.u32 $0xffff, v17, v17;
	v17, _, _ =	vpop (xrf1)  }
0x3c: {  	v20, _, _ =	vpop (xrf1)  }
0x3d: {  	(xrf1) =	vsort.ascd.msk.u32 $0xffff, v19, v19;
	v19, _, _ =	vpop (xrf1)  }
0x3e: {  	v21, _, _ =	vpop (xrf1)  }
0x3f: {  	v22, _, _ =	vpop (xrf1)  }
0x40: {  	v20 =	vperm.xlane v20, v0;
	v19 =	vperm.xlane v19, v0;
	v23, _, _ =	vpop (xrf1)  }
0x41: {  	v32, _, _ =	vpop (xrf1)  }
0x42: {  	vm0 =	vgt.s32 v18, v20;
	v23 =	vperm.xlane v23, v0;
	v33, _, _ =	vpop (xrf1)  }
0x43: {  	v18 =	vsel vm0, v18, v20;
	vm0 =	vgt.s32 v17, v19;
	v34, _, _ =	vpop (xrf1)  }
0x44: {  	v17 =	vsel vm0, v17, v19;
	(xrf1) =	vsort.ascd.msk.u32 $0xffff, v18, v18;
	v20 =	vperm.xlane v34, v0;
	v19, _, _ =	vpop (xrf1)  }
0x45: {  	v21 =	vperm.xlane v21, v0;
	(xrf1) =	vsort.ascd.msk.u32 $0xffff, v17, v17;
	vm0 =	vgt.s32 v19, v23;
	v35, _, _ =	vpop (xrf1)  }
0x46: {  	v18 =	vperm.xlane v32, v0;
	v19 =	vsel vm0, v19, v23;
	vm0 =	vgt.s32 v35, v20;
	v23, _, _ =	vpop (xrf1)  }
0x47: {  	vm1 =	vgt.s32 v23, v21;
	v20 =	vsel vm0, v35, v20;
	(xrf1) =	vsort.ascd.msk.u32 $0xffff, v19, v19  }
0x48: {  	v17 =	vperm.xlane v33, v0;
	v36, _, _ =	vpop (xrf1);
	v19 =	vsel vm1, v23, v21;
	(xrf1) =	vsort.ascd.msk.u32 $0xffff, v20, v20  }
0x49: {  	vm0 =	vgt.s32 v36, v18;
	v21, _, _ =	vpop (xrf1);
	(xrf1) =	vsort.ascd.msk.u32 $0xffff, v19, v19  }
0x4a: {  	v22 =	vperm.xlane v22, v0;
	v18 =	vsel vm0, v36, v18;
	vm0 =	vgt.s32 v21, v17  }
0x4b: {  	v17 =	vsel vm0, v21, v17;
	(xrf1) =	vsort.ascd.msk.u32 $0xffff, v18, v18;
	v19, _, _ =	vpop (xrf1)  }
0x4c: {  	(xrf1) =	vsort.ascd.msk.u32 $0xffff, v17, v17;
	vm0 =	vgt.s32 v19, v22  }
0x4d: {  	v17 =	vsel vm0, v19, v22  }
0x4e: {  	(xrf1) =	vsort.ascd.msk.u32 $0xffff, v17, v17;
	_ =	sdelay $0x3  }
0x4f: {  	v17, _, _ =	vpop (xrf1)  }
0x50: {  	v18, _, _ =	vpop (xrf1)  }
0x51: {  	v18 =	vperm.xlane v18, v0  }
0x52: {  	v19, _, _ =	vpop (xrf1)  }
0x53: {  	vm0 =	vlt.s32 v17, v18;
	v19 =	vperm.xlane v19, v0;
	v20, _, _ =	vpop (xrf1)  }
0x54: {  	v21 =	vsel vm0, v17, v18;
	v17 =	vsel vm0, v18, v17;
	v22, _, _ =	vpop (xrf1)  }
0x55: {  	(xrf1) =	vsort.ascd.msk.u32 $0xffff, v21, v21;
	vm0 =	vlt.s32 v22, v19  }
0x56: {  	v20 =	vperm.xlane v20, v0;
	v18, _, _ =	vpop (xrf1);
	v21 =	vsel vm0, v19, v22;
	v19 =	vsel vm0, v22, v19  }
0x57: {  	(xrf1) =	vsort.ascd.msk.u32 $0xffff, v17, v17;
	v17, _, _ =	vpop (xrf1)  }
0x58: {  	v18 =	vperm.xlane v18, v0;
	vm0 =	vlt.s32 v17, v20;
	(xrf1) =	vsort.ascd.msk.u32 $0xffff, v21, v21  }
0x59: {  	v21 =	vsel vm0, v20, v17;
	(xrf1) =	vsort.ascd.msk.u32 $0xffff, v19, v19;
	v19, _, _ =	vpop (xrf1)  }
0x5a: {  	v17 =	vsel vm0, v17, v20;
	(xrf1) =	vsort.ascd.msk.u32 $0xffff, v21, v21;
	vm1 =	vlt.s32 v19, v18  }
0x5b: {  	(xrf1) =	vsort.ascd.msk.u32 $0xffff, v17, v17;
	v20 =	vsel vm1, v19, v18  }
0x5c: {  	v17 =	vsel vm1, v18, v19;
	(xrf1) =	vsort.ascd.msk.u32 $0xffff, v20, v20  }
0x5d: {  	(xrf1) =	vsort.ascd.msk.u32 $0xffff, v17, v17;
	_ =	sdelay $0x6  }
0x5e: {  	v17, _, _ =	vpop (xrf1)  }
0x5f: {  	v18, _, _ =	vpop (xrf1)  }
0x60: {  	v19, _, _ =	vpop (xrf1)  }
0x61: {  	v20, _, _ =	vpop (xrf1)  }
0x62: {  	v21, _, _ =	vpop (xrf1)  }
0x63: {  	v19 =	vperm.xlane v19, v0;
	v22, _, _ =	vpop (xrf1)  }
0x64: {  	v22 =	vperm.xlane v22, v0;
	v23, _, _ =	vpop (xrf1)  }
0x65: {  	s10 =	simm.s32 $0x80;
	v20 =	vperm.xlane v20, v0;
	vm0 =	vgt.s32 v17, v19;
	v37, _, _ =	vpop (xrf1)  }
0x66: {  	v41 =	vld [tilespmem:s10+$0x60];
	v21 =	vperm.xlane v21, v0;
	v17 =	vsel vm0, v17, v19;
	vm0 =	vgt.s32 v37, v22  }
0x67: {  	v28 =	vld [tilespmem:s10+$0x420];
	vm1 =	vgt.s32 v18, v20;
	(xrf1) =	vsort.ascd.msk.u32 $0xffff, v17, v17;
	v22 =	vsel vm0, v37, v22  }
0x68: {  	v19 =	vld [tilespmem:s10+$0x0];
	v18 =	vsel vm1, v18, v20;
	vm0 =	vgt.s32 v23, v21;
	(xrf1) =	vsort.ascd.msk.u32 $0xffff, v22, v22  }
0x69: {  	v17 =	vld [tilespmem:s10+$0x10];
	v20 =	vsel vm0, v23, v21;
	(xrf1) =	vsort.ascd.msk.u32 $0xffff, v18, v18  }
0x6a: {  	v18 =	vld [tilespmem:s10+$0x30];
	(xrf1) =	vsort.ascd.msk.u32 $0xffff, v20, v20  }
0x6b: {  	v20 =	vld [tilespmem:s10+$0x50]  }
0x6c: {  	v42 =	vsub.s32 $0x80000000, v41;
	v22 =	vld [tilespmem:s10+$0x410]  }
0x6d: {  	v39 =	vld [tilespmem:s10+$0x70];
	v43 =	vsub.s32 $0x80000000, v28;
	vm0 =	vlt.s32 v19, $0x0;
	v23 =	vsub.s32 $0x80000000, v19  }
0x6e: {  	vm1 =	vlt.s32 v17, $0x0;
	v38 =	vsub.s32 $0x80000000, v17;
	v30 =	vsel vm0, v23, v19;
	v19 =	vld [tilespmem:s10+$0x430]  }
0x6f: {  	v21 =	vld [tilespmem:s10+$0x20];
	v31 =	vsel vm1, v38, v17;
	(xrf1) =	vsort.ascd.msk.u32 $0xffff, v30, v30;
	vm0 =	vlt.s32 v18, $0x0;
	v23 =	vsub.s32 $0x80000000, v18  }
0x70: {  	(xrf1) =	vsort.ascd.msk.u32 $0xffff, v31, v31;
	vm1 =	vlt.s32 v20, $0x0;
	v17 =	vsub.s32 $0x80000000, v20;
	v29 =	vsel vm0, v23, v18;
	v18 =	vld [tilespmem:s10+$0x470]  }
0x71: {  	v34 =	vld [tilespmem:s10+$0x460];
	vm0 =	vlt.s32 v22, $0x0;
	v17 =	vsel vm1, v17, v20;
	v20 =	vsub.s32 $0x80000000, v22;
	(xrf1) =	vsort.ascd.msk.u32 $0xffff, v29, v29  }
0x72: {  	v23 =	vsub.s32 $0x80000000, v39;
	vm1 =	vlt.s32 v39, $0x0;
	v20 =	vsel vm0, v20, v22;
	(xrf1) =	vsort.ascd.msk.u32 $0xffff, v17, v17  }
0x73: {  	v27 =	vsel vm1, v23, v39;
	vm0 =	vlt.s32 v19, $0x0;
	v22 =	vsub.s32 $0x80000000, v19;
	(xrf1) =	vsort.ascd.msk.u32 $0xffff, v20, v20  }
0x74: {  	vm2 =	vlt.s32 v21, $0x0;
	v40 =	vsub.s32 $0x80000000, v21;
	v22 =	vsel vm0, v22, v19;
	(xrf1) =	vsort.ascd.msk.u32 $0xffff, v27, v27  }
0x75: {  	v33 =	vsel vm2, v40, v21;
	v21, _, _ =	vpop (xrf1);
	vm0 =	vlt.s32 v18, $0x0;
	v19 =	vsub.s32 $0x80000000, v18;
	(xrf1) =	vsort.ascd.msk.u32 $0xffff, v22, v22  }
0x76: {  	v45 =	vsub.s32 $0x80000000, v34;
	vm1 =	vlt.s32 v41, $0x0;
	v23 =	vsel vm0, v19, v18;
	(xrf1) =	vsort.ascd.msk.u32 $0xffff, v33, v33;
	v18, _, _ =	vpop (xrf1)  }
0x77: {  	vm2 =	vlt.s32 v28, $0x0;
	v32 =	vsel vm1, v42, v41;
	v19 =	vld [tilespmem:s10+$0x450];
	(xrf1) =	vsort.ascd.msk.u32 $0xffff, v23, v23;
	v18 =	vperm.xlane v18, v0;
	v44, _, _ =	vpop (xrf1)  }
0x78: {  	v36 =	vld [tilespmem:s10+$0x40];
	v26 =	vsel vm2, v43, v28;
	vm0 =	vlt.s32 v34, $0x0;
	(xrf1) =	vsort.ascd.msk.u32 $0xffff, v32, v32;
	v28 =	vperm.xlane v44, v0;
	v35, _, _ =	vpop (xrf1)  }
0x79: {  	v46 =	vld [tilespmem:s10+$0x440];
	v24 =	vsel vm0, v45, v34;
	(xrf1) =	vsort.ascd.msk.u32 $0xffff, v26, v26;
	vm0 =	vlt.s32 v35, v18  }
0x7a: {  	(xrf1) =	vsort.ascd.msk.u32 $0xffff, v24, v24;
	vm1 =	vlt.s32 v21, v28;
	v47 =	vsel vm0, v35, v18  }
0x7b: {  	v38 =	vsel vm1, v28, v21;
	(xrf1) =	vsort.ascd.msk.u32 $0xffff, v47, v47  }
0x7c: {  	v37 =	vld [tilespmem:s10+$0x400];
	vm2 =	vlt.s32 v19, $0x0;
	v18 =	vsel vm0, v18, v35;
	(xrf1) =	vsort.ascd.msk.u32 $0xffff, v38, v38  }
0x7d: {  	v48 =	vsub.s32 $0x80000000, v19;
	vm0 =	vlt.s32 v36, $0x0;
	(xrf1) =	vsort.ascd.msk.u32 $0xffff, v18, v18;
	v18 =	vsub.s32 $0x80000000, v36  }
0x7e: {  	v25 =	vsel vm2, v48, v19;
	v19, _, _ =	vpop (xrf1);
	v35 =	vsel vm0, v18, v36;
	v18 =	vsub.s32 $0x80000000, v46  }
0x7f: {  	v49, _, _ =	vpop (xrf1);
	(xrf1) =	vsort.ascd.msk.u32 $0xffff, v25, v25  }
0x80: {  	v21 =	vsel vm1, v21, v28;
	vm0 =	vlt.s32 v46, $0x0;
	v50, _, _ =	vpop (xrf1)  }
0x81: {  	vm1 =	vlt.s32 v37, $0x0;
	(xrf1) =	vsort.ascd.msk.u32 $0xffff, v21, v21;
	v21 =	vsub.s32 $0x80000000, v37;
	v52 =	vsel vm0, v18, v46;
	v18, _, _ =	vpop (xrf1)  }
0x82: {  	(xrf1) =	vsort.ascd.msk.u32 $0xffff, v35, v35;
	v34 =	vsel vm1, v21, v37;
	v21 =	vperm.xlane v49, v0;
	v53, _, _ =	vpop (xrf1)  }
0x83: {  	(xrf1) =	vsort.ascd.msk.u32 $0xffff, v52, v52;
	v54, _, _ =	vpop (xrf1)  }
0x84: {  	v36 =	vperm.xlane v50, v0;
	vm0 =	vlt.s32 v19, v21;
	v39, _, _ =	vpop (xrf1)  }
0x85: {  	(xrf1) =	vsort.ascd.msk.u32 $0xffff, v34, v34;
	v40 =	vsel vm0, v19, v21;
	v19 =	vsel vm0, v21, v19;
	v41, _, _ =	vpop (xrf1)  }
0x86: {  	v38 =	vperm.xlane v54, v0;
	(xrf1) =	vsort.ascd.msk.u32 $0xffff, v40, v40;
	vm0 =	vlt.s32 v41, v36;
	v21, _, _ =	vpop (xrf1)  }
0x87: {  	v39 =	vperm.xlane v39, v0;
	(xrf1) =	vsort.ascd.msk.u32 $0xffff, v19, v19;
	v55 =	vsel vm0, v36, v41;
	v42, _, _ =	vpop (xrf1)  }
0x88: {  	v19 =	vsel vm0, v41, v36;
	vm0 =	vlt.s32 v42, v38;
	v56, _, _ =	vpop (xrf1);
	(xrf1) =	vsort.ascd.msk.u32 $0xffff, v55, v55  }
0x89: {  	v57 =	vsel vm0, v38, v42;
	vm1 =	vlt.s32 v56, v39;
	v58, _, _ =	vpop (xrf1);
	(xrf1) =	vsort.ascd.msk.u32 $0xffff, v19, v19  }
0x8a: {  	v21 =	vperm.xlane v21, v0;
	v19 =	vsel vm1, v39, v56;
	(xrf1) =	vsort.ascd.msk.u32 $0xffff, v57, v57;
	v59, _, _ =	vpop (xrf1)  }
0x8b: {  	v38 =	vsel vm0, v42, v38;
	(xrf1) =	vsort.ascd.msk.u32 $0xffff, v19, v19;
	v19 =	vperm.xlane v59, v0;
	v60, _, _ =	vpop (xrf1)  }
0x8c: {  	vm2 =	vlt.s32 v58, v21;
	v36 =	vsel vm1, v56, v39;
	(xrf1) =	vsort.ascd.msk.u32 $0xffff, v38, v38;
	v62, _, _ =	vpop (xrf1)  }
0x8d: {  	v61 =	vsel vm2, v21, v58;
	v63, _, _ =	vpop (xrf1);
	(xrf1) =	vsort.ascd.msk.u32 $0xffff, v36, v36;
	vm0 =	vgt.s32 v60, v19  }
0x8e: {  	v45 =	vperm.xlane v62, v0;
	(xrf1) =	vsort.ascd.msk.u32 $0xffff, v61, v61;
	v19 =	vsel vm0, v60, v19  }
0x8f: {  	v18 =	vperm.xlane v18, v0;
	v39, _, _ =	vpop (xrf1)  }
0x90: {  	v21 =	vsel vm2, v58, v21;
	(xrf1) =	vsort.ascd.msk.u32 $0xffff, v19, v19;
	v47, _, _ =	vpop (xrf1);
	vm0 =	vgt.s32 v39, v45  }
0x91: {  	v46 =	vperm.xlane v63, v0;
	v19, _, _ =	vpop (xrf1);
	(xrf1) =	vsort.ascd.msk.u32 $0xffff, v21, v21;
	v21 =	vsel vm0, v39, v45  }
0x92: {  	v37 =	vperm.xlane v53, v0;
	vm1 =	vlt.s32 v47, v18  }
0x93: {  	v48 =	vsel vm1, v18, v47;
	vm0 =	vlt.s32 v19, v46;
	(xrf1) =	vsort.ascd.msk.u32 $0xffff, v21, v21  }
0x94: {  	v49 =	vsel vm0, v46, v19;
	v21, _, _ =	vpop (xrf1);
	(xrf1) =	vsort.ascd.msk.u32 $0xffff, v48, v48  }
0x95: {  	v18 =	vsel vm1, v47, v18;
	vm1 =	vlt.s32 v21, v37;
	(xrf1) =	vsort.ascd.msk.u32 $0xffff, v49, v49  }
0x96: {  	v51, _, _ =	vpop (xrf1);
	v50 =	vsel vm1, v37, v21;
	(xrf1) =	vsort.ascd.msk.u32 $0xffff, v18, v18  }
0x97: {  	v18 =	vsel vm0, v19, v46;
	v19, _, _ =	vpop (xrf1);
	(xrf1) =	vsort.ascd.msk.u32 $0xffff, v50, v50  }
0x98: {  	v53, _, _ =	vpop (xrf1);
	(xrf1) =	vsort.ascd.msk.u32 $0xffff, v18, v18;
	v18 =	vsel vm1, v21, v37  }
0x99: {  	v21, _, _ =	vpop (xrf1)  }
0x9a: {  	v54, _, _ =	vpop (xrf1)  }
0x9b: {  	(xrf1) =	vsort.ascd.msk.u32 $0xffff, v18, v18;
	v18, _, _ =	vpop (xrf1)  }
0x9c: {  	v55, _, _ =	vpop (xrf1)  }
0x9d: {  	v36 =	vperm.xlane v53, v0;
	v56, _, _ =	vpop (xrf1)  }
0x9e: {  	v21 =	vperm.xlane v21, v0;
	v57, _, _ =	vpop (xrf1)  }
0x9f: {  	vm0 =	vgt.s32 v51, v36;
	v58, _, _ =	vpop (xrf1)  }
0xa0: {  	v36 =	vsel vm0, v51, v36;
	vm0 =	vgt.s32 v19, v21;
	v43, _, _ =	vpop (xrf1);
	v42 =	vperm.xlane v58, v0  }
0xa1: {  	v19 =	vsel vm0, v19, v21;
	v38 =	vperm.xlane v55, v0;
	(xrf1) =	vsort.ascd.msk.u32 $0xffff, v36, v36;
	v60, _, _ =	vpop (xrf1)  }
0xa2: {  	(xrf1) =	vsort.ascd.msk.u32 $0xffff, v19, v19;
	v21, _, _ =	vpop (xrf1);
	vm0 =	vlt.s32 v60, v42  }
0xa3: {  	v59 =	vperm.xlane v43, v0;
	vm1 =	vgt.s32 v21, v38;
	v19 =	vsel vm0, v60, v42  }
0xa4: {  	v37 =	vperm.xlane v54, v0;
	v61, _, _ =	vpop (xrf1);
	v21 =	vsel vm1, v21, v38;
	(xrf1) =	vsort.ascd.msk.u32 $0xffff, v19, v19  }
0xa5: {  	v40 =	vperm.xlane v56, v0;
	vm0 =	vgt.s32 v61, v59;
	v62, _, _ =	vpop (xrf1);
	(xrf1) =	vsort.ascd.msk.u32 $0xffff, v21, v21  }
0xa6: {  	v41 =	vperm.xlane v57, v0;
	vm1 =	vgt.s32 v62, v37;
	v19 =	vsel vm0, v61, v59;
	v63, _, _ =	vpop (xrf1)  }
0xa7: {  	v21 =	vsel vm1, v62, v37;
	vm0 =	vgt.s32 v63, v40;
	v42, _, _ =	vpop (xrf1);
	(xrf1) =	vsort.ascd.msk.u32 $0xffff, v19, v19  }
0xa8: {  	v19 =	vsel vm0, v63, v40;
	vm0 =	vgt.s32 v42, v41;
	(xrf1) =	vsort.ascd.msk.u32 $0xffff, v21, v21  }
0xa9: {  	v18 =	vperm.xlane v18, v0;
	v21 =	vsel vm0, v42, v41;
	(xrf1) =	vsort.ascd.msk.u32 $0xffff, v19, v19  }
0xaa: {  	v43, _, _ =	vpop (xrf1);
	(xrf1) =	vsort.ascd.msk.u32 $0xffff, v21, v21  }
0xab: {  	vm0 =	vgt.s32 v43, v18  }
0xac: {  	v18 =	vsel vm0, v43, v18  }
0xad: {  	(xrf1) =	vsort.ascd.msk.u32 $0xffff, v18, v18;
	_ =	sdelay $0x2  }
0xae: {  	v18, _, _ =	vpop (xrf1)  }
0xaf: {  	v19, _, _ =	vpop (xrf1)  }
0xb0: {  	v19 =	vperm.xlane v19, v0;
	v21, _, _ =	vpop (xrf1)  }
0xb1: {  	vm0 =	vcmask $0x70C;
	v44, _, _ =	vpop (xrf1)  }
0xb2: {  	v21 =	vsel vm0, $0xC0400000, v21;
	vm0 =	vlt.s32 v18, v19;
	v36 =	vperm.xlane v44, v0  }
0xb3: {  	v45, _, _ =	vpop (xrf1);
	v21 =	vxor.u32 $0x80000000, v21;
	v46 =	vsel vm0, v18, v19;
	v18 =	vsel vm0, v19, v18  }
0xb4: {  	v47, _, _ =	vpop (xrf1);
	(xrf0) =	vmax.scan.msk.u32 $0xffff, v21  }
0xb5: {  	v37 =	vperm.xlane v45, v0;
	(xrf1) =	vsort.ascd.msk.u32 $0xffff, v46, v46;
	vm0 =	vlt.s32 v47, v36;
	v19, _, _ =	vpop (xrf1)  }
0xb6: {  	(xrf1) =	vsort.ascd.msk.u32 $0xffff, v18, v18;
	v21 =	vsel vm0, v36, v47;
	v18, _, _ =	vpop (xrf1)  }
0xb7: {  	v19 =	vperm.xlane v19, v0;
	v36 =	vsel vm0, v47, v36;
	vm0 =	vlt.s32 v18, v37  }
0xb8: {  	(xrf1) =	vsort.ascd.msk.u32 $0xffff, v21, v21;
	v21 =	vsel vm0, v37, v18;
	v18 =	vsel vm0, v18, v37  }
0xb9: {  	v48, _, _ =	vpop (xrf1);
	(xrf1) =	vsort.ascd.msk.u32 $0xffff, v36, v36  }
0xba: {  	vm1 =	vlt.s32 v48, v19;
	(xrf1) =	vsort.ascd.msk.u32 $0xffff, v21, v21  }
0xbb: {  	v21 =	vsel vm1, v48, v19;
	(xrf1) =	vsort.ascd.msk.u32 $0xffff, v18, v18;
	v18, _, _ =	vpop (xrf0)  }
0xbc: {  	v19 =	vsel vm1, v19, v48;
	(xrf1) =	vsort.ascd.msk.u32 $0xffff, v21, v21;
	(v2sf) =	vpush v18, $0xF  }
0xbd: {  	(xrf1) =	vsort.ascd.msk.u32 $0xffff, v19, v19;
	_ =	sdelay $0x6  }
0xbe: {  	v18, _, _ =	vpop (xrf1)  }
0xbf: {  	v19, _, _ =	vpop (xrf1)  }
0xc0: {  	v21, _, _ =	vpop (xrf1)  }
0xc1: {  	v49, _, _ =	vpop (xrf1)  }
0xc2: {  	v21 =	vperm.xlane v21, v0;
	v50, _, _ =	vpop (xrf1)  }
0xc3: {  	v36 =	vperm.xlane v49, v0;
	v51, _, _ =	vpop (xrf1)  }
0xc4: {  	v37 =	vperm.xlane v50, v0;
	vm0 =	vgt.s32 v18, v21;
	v38 =	vperm.xlane v51, v0;
	v53, _, _ =	vpop (xrf1)  }
0xc5: {  	v28 =	vimm.s32 $0x0;
	vm1 =	vgt.s32 v19, v36;
	v18 =	vsel vm0, v18, v21;
	v54, _, _ =	vpop (xrf1);
	s11 =	spop (v2sf)  }
0xc6: {  	vm2 =	vgt.s32 v53, v37;
	v19 =	vsel vm1, v19, v36;
	vm0 =	vgt.s32 v54, v38;
	s12 =	sxor.u32 $0x80000000, s11  }
0xc7: {  	v21 =	vsel vm2, v53, v37;
	v38 =	vsel vm0, v54, v38;
	vm5 =	vgt.s32 v9, s12  }
0xc8: {  	vm8 =	vgt.s32 v10, s12;
	vm10 =	vgt.s32 v16, s12;
	vm4 =	vgt.s32 v4, s12  }
0xc9: {  	vm6 =	vgt.s32 v8, s12;
	vm7 =	vgt.s32 v1, s12;
	vm3 =	veq.s32 v16, s12  }
0xca: {  	v16 =	vimm.s32 $0x0;
	vm1 =	vgt.s32 v2, s12;
	vm11 =	veq.s32 v14, s12  }
0xcb: {  	vm2 =	vgt.s32 v6, s12;
	vm0 =	veq.s32 v6, s12;
	v6 =	vimm.s32 $0x0  }
0xcc: {  	vm15 =	veq.s32 v13, s12;
	vm9 =	veq.s32 v2, s12;
	vm13 =	veq.s32 v8, s12  }
0xcd: {  	vm12 =	veq.s32 v1, s12;
	v1 =	vimm.s32 $0x0;
	vm14 =	veq.s32 v4, s12  }
0xce: {  	v4 =	vimm.s32 $0x0;
	v55 =	vmpcnt.ones.xlane vm4;
	v56 =	vmpcnt.ones.xlane vm8  }
0xcf: {  	v28 =	vsel vm8, $0xFFFFFFFF, v28;
	v57 =	vmpcnt.ones.xlane vm10;
	v58 =	vmpcnt.ones.xlane vm6  }
0xd0: {  	v16 =	vsel vm3, $0xFFFFFFFF, v16;
	v59 =	vmpcnt.ones.xlane vm7;
	v60 =	vmpcnt.ones.xlane vm1  }
0xd1: {  	v44 =	vmpcnt.ones.xlane vm11;
	v49 =	vmpcnt.ones.xlane vm2;
	vm8 =	vgt.s32 v12, s12;
	[tilespmem:$0x1FC80] =	vst v28  }
0xd2: {  	v6 =	vsel vm0, $0xFFFFFFFF, v6;
	v2 =	vmpcnt.ones.xlane vm9;
	v28 =	vimm.s32 $0x0;
	[tilespmem:$0x1FDA0] =	vst v16  }
0xd3: {  	v1 =	vsel vm12, $0xFFFFFFFF, v1;
	v4 =	vsel vm14, $0xFFFFFFFF, v4;
	[tilespmem:$0x1FAF0] =	vst v6;
	v28 =	vsel vm10, $0xFFFFFFFF, v28  }
0xd4: {  	v16 =	vimm.s32 $0x0;
	v61 =	vmpcnt.ones.xlane vm8;
	[tilespmem:$0x1FCA0] =	vst v28;
	v28 =	vimm.s32 $0x0  }
0xd5: {  	v6 =	vmpcnt.ones.xlane vm0;
	vm0 =	vgt.s32 v15, s12;
	[tilespmem:$0x1FAE0] =	vst v1;
	v28 =	vsel vm4, $0xFFFFFFFF, v28  }
0xd6: {  	v1 =	vmpcnt.ones.xlane vm12;
	v16 =	vsel vm1, $0xFFFFFFFF, v16;
	[tilespmem:$0x1FCC0] =	vst v28;
	v28 =	vimm.s32 $0x0  }
0xd7: {  	vm4 =	vgt.s32 v14, s12;
	v14 =	vimm.s32 $0x0;
	v28 =	vsel vm6, $0xFFFFFFFF, v28  }
0xd8: {  	vm1 =	vgt.s32 v3, s12;
	v14 =	vsel vm4, $0xFFFFFFFF, v14;
	[tilespmem:$0x1FCE0] =	vst v28;
	v28 =	vimm.s32 $0x0  }
0xd9: {  	vm10 =	vgt.s32 v7, s12;
	v62 =	vmpcnt.ones.xlane vm0;
	[tilespmem:$0x1FE20] =	vst v14;
	v28 =	vsel vm7, $0xFFFFFFFF, v28  }
0xda: {  	v14 =	vmpcnt.ones.xlane vm3;
	vm3 =	vgt.s32 v13, s12;
	[tilespmem:$0x1FD00] =	vst v28;
	v28 =	vimm.s32 $0x0  }
0xdb: {  	v47 =	vmpcnt.ones.xlane vm1;
	v50 =	vmpcnt.ones.xlane vm10;
	v28 =	vsel vm3, $0xFFFFFFFF, v28  }
0xdc: {  	v45 =	vmpcnt.ones.xlane vm4;
	vm6 =	vgt.s32 v11, s12;
	[tilespmem:$0x1FE40] =	vst v28;
	v28 =	vimm.s32 $0x0  }
0xdd: {  	v49 =	vadd.s32 v50, v49;
	vm4 =	veq.s32 v3, s12;
	v28 =	vsel vm6, $0xFFFFFFFF, v28  }
0xde: {  	v40 =	vadd.s32 v61, v49;
	v3 =	vmpcnt.ones.xlane vm4;
	[tilespmem:$0x1FE80] =	vst v28;
	v28 =	vimm.s32 $0x0  }
0xdf: {  	v46 =	vmpcnt.ones.xlane vm3;
	vm7 =	vgt.s32 v5, s12;
	v28 =	vsel vm1, $0xFFFFFFFF, v28  }
0xe0: {  	v48 =	vmpcnt.ones.xlane vm6;
	v51 =	vmpcnt.ones.xlane vm7;
	[tilespmem:$0x1FEB0] =	vst v28;
	v28 =	vimm.s32 $0x0  }
0xe1: {  	(xrf1) =	vsort.ascd.msk.u32 $0xffff, v18, v18;
	vm3 =	veq.s32 v5, s12;
	v5 =	vimm.s32 $0x0;
	v28 =	vsel vm11, $0xFFFFFFFF, v28  }
0xe2: {  	v40 =	vadd.s32 v51, v40;
	v63 =	vmpcnt.ones.xlane vm3;
	[tilespmem:$0x1FE00] =	vst v28;
	v28 =	vimm.s32 $0x0  }
0xe3: {  	(xrf1) =	vsort.ascd.msk.u32 $0xffff, v38, v38;
	vm6 =	veq.s32 v11, s12;
	vm1 =	veq.s32 v7, s12;
	v28 =	vsel vm2, $0xFFFFFFFF, v28  }
0xe4: {  	v7 =	vmpcnt.ones.xlane vm1;
	vm2 =	veq.s32 v12, s12;
	[tilespmem:$0x1FC70] =	vst v28;
	v28 =	vimm.s32 $0x0  }
0xe5: {  	[tilespmem:$0x1FDC0] =	vst v4;
	v12 =	vmpcnt.ones.xlane vm2;
	v28 =	vsel vm0, $0xFFFFFFFF, v28;
	vm0 =	veq.s32 v15, s12  }
0xe6: {  	[tilespmem:$0x1FDE0] =	vst v16;
	v7 =	vadd.s32 v6, v7;
	v15 =	vadd.s32 v62, v40;
	v5 =	vsel vm0, $0xFFFFFFFF, v5  }
0xe7: {  	v15 =	vadd.s32 v47, v15;
	[tilespmem:$0x1F9F0] =	vst v5;
	v5 =	vadd.s32 v12, v7;
	v12 =	vmpcnt.ones.xlane vm0  }
0xe8: {  	[tilespmem:$0x1FED0] =	vst v28;
	v15 =	vadd.s32 v48, v15;
	vm0 =	veq.s32 v9, s12;
	v28 =	vadd.s32 v63, v5  }
0xe9: {  	v9 =	vadd.s32 v45, v15;
	[tilespmem:$0x1FBC0] =	vst v28;
	v12 =	vadd.s32 v12, v28;
	v28 =	vimm.s32 $0x0  }
0xea: {  	v11 =	vmpcnt.ones.xlane vm6;
	v9 =	vadd.s32 v46, v9;
	[tilespmem:$0x1FC40] =	vst v12;
	v28 =	vsel vm6, $0xFFFFFFFF, v28  }
0xeb: {  	vm12 =	veq.s32 v10, s12;
	v12 =	vadd.s32 v3, v12;
	v9 =	vadd.s32 v60, v9;
	[tilespmem:$0x1FE60] =	vst v28  }
0xec: {  	[tilespmem:$0x1FC50] =	vst v12;
	v28 =	vimm.s32 $0x0;
	v12 =	vadd.s32 v11, v12;
	v11 =	vmpcnt.ones.xlane vm15  }
0xed: {  	v8 =	vadd.s32 v58, v9;
	v9 =	vmpcnt.ones.xlane vm13;
	v3 =	vsel vm0, $0x1, v28;
	[tilespmem:$0x1FC60] =	vst v12  }
0xee: {  	v12 =	vadd.s32 v44, v12;
	v8 =	vadd.s32 v59, v8;
	(xrf0) =	vadd.scan.msk.s32 $0xffff, v3;
	v3 =	vimm.s32 $0x0  }
0xef: {  	[tilespmem:$0x1FC20] =	vst v12;
	v11 =	vadd.s32 v11, v12;
	v12 =	vimm.s32 $0x0;
	v3 =	vsel vm9, $0xFFFFFFFF, v3  }
0xf0: {  	s11 =	simm.s32 $0x100;
	[tilespmem:$0x1FC30] =	vst v11;
	v11 =	vadd.s32 v2, v11;
	v2 =	vadd.s32 v56, v8;
	v8 =	vmpcnt.ones.xlane vm12  }
0xf1: {  	v18 =	vimm.f32 $0.0e+00;
	(xrf1) =	vsort.ascd.msk.u32 $0xffff, v19, v19;
	v12 =	vsel vm13, $0xFFFFFFFF, v12;
	[tilespmem:$0x1FD40] =	vst v3;
	v3 =	vld [tilespmem:s11+$0x0]  }
0xf2: {  	v16 =	vmpcnt.ones.xlane vm5;
	[tilespmem:$0x1FD60] =	vst v12;
	v9 =	vadd.s32 v9, v11;
	v2 =	vadd.s32 v57, v2  }
0xf3: {  	v4 =	vld [tilespmem:s11+$0x10];
	[tilespmem:$0x1FC00] =	vst v11;
	v11 =	vadd.s32 v1, v9;
	v1 =	vmpcnt.ones.xlane vm14;
	v2 =	vadd.s32 v55, v2  }
0xf4: {  	v13 =	vimm.s32 $0x0;
	[tilespmem:$0x1FBF0] =	vst v11;
	v12 =	vadd.s32 v8, v11;
	v11 =	vld [tilespmem:s11+$0x50];
	v2 =	vadd.s32 v16, v2;
	v8, _, _ =	vpop (xrf0)  }
0xf5: {  	v10 =	vld [tilespmem:s11+$0x30];
	(xrf1) =	vsort.ascd.msk.u32 $0xffff, v21, v21;
	v19 =	vadd.s32 v14, v12;
	v16 =	vsub.s32 $0x1E, v2;
	v1 =	vadd.s32 v8, v1  }
0xf6: {  	[tilespmem:$0x1FC10] =	vst v9;
	v9 =	vsub.s32 $0x80000000, v3;
	v8 =	vld [tilespmem:s11+$0x410];
	vm14 =	vlt.s32 v3, $0x0;
	v1 =	vadd.s32 v19, v1  }
0xf7: {  	v13 =	vsel vm15, $0xFFFFFFFF, v13;
	[tilespmem:$0x1FBE0] =	vst v12;
	v2 =	vld [tilespmem:s11+$0x70];
	v12 =	vsel vm14, v9, v3;
	vm14 =	vle.s32 v1, v16  }
0xf8: {  	[tilespmem:$0x1FD20] =	vst v13;
	v1 =	vsub.s32 $0x80000000, v4;
	vm0 =	vmand vm0, vm14;
	vm14 =	vlt.s32 v4, $0x0  }
0xf9: {  	v3 =	vld [tilespmem:s11+$0x430];
	v9 =	vsub.s32 $0x80000000, v11;
	[tilespmem:$0x1F900] =	vst v12;
	v14 =	vsel vm14, v1, v4;
	vm0 =	vmor vm5, vm0  }
0xfa: {  	(xrf1) =	vsort.ascd.msk.u32 $0xffff, v12, v12;
	v1 =	vsub.s32 $0x80000000, v10;
	v4 =	vld [tilespmem:s11+$0x20];
	vm5 =	vlt.s32 v10, $0x0;
	vm14 =	vlt.s32 v11, $0x0  }
0xfb: {  	v21 =	vsel vm5, v1, v10;
	v13 =	vsel vm14, v9, v11;
	v1 =	vld [tilespmem:s11+$0x470];
	v9 =	vsub.s32 $0x80000000, v8;
	[tilespmem:$0x1F910] =	vst v14  }
0xfc: {  	(xrf1) =	vsort.ascd.msk.u32 $0xffff, v14, v14;
	v11 =	vsub.s32 $0x80000000, v2;
	vm5 =	vlt.s32 v8, $0x0;
	vm14 =	vlt.s32 v2, $0x0  }
0xfd: {  	v10 =	vld [tilespmem:s11+$0x60];
	v12 =	vsel vm0, $0x3F800000, v18;
	v9 =	vsel vm5, v9, v8;
	v14 =	vsel vm14, v11, v2;
	(xrf1) =	vsort.ascd.msk.u32 $0xffff, v21, v21  }
0xfe: {  	v2 =	vld [tilespmem:s11+$0x420];
	[tilespmem:s9+$0xC70] =	vst v12;
	v8 =	vsub.s32 $0x80000000, v3;
	vm0 =	vlt.s32 v3, $0x0;
	(xrf1) =	vsort.ascd.msk.u32 $0xffff, v13, v13  }
0xff: {  	v11 =	vsel vm0, v8, v3;
	(xrf1) =	vsort.ascd.msk.u32 $0xffff, v9, v9;
	v3 =	vsub.s32 $0x80000000, v4;
	vm0 =	vlt.s32 v4, $0x0  }
0x100: {  	v8 =	vld [tilespmem:s11+$0x460];
	[tilespmem:$0x1F930] =	vst v9;
	(xrf1) =	vsort.ascd.msk.u32 $0xffff, v14, v14;
	v4 =	vsel vm0, v3, v4;
	v3 =	vsub.s32 $0x80000000, v1  }
0x101: {  	[tilespmem:$0x1F950] =	vst v11;
	vm0 =	vlt.s32 v1, $0x0;
	(xrf1) =	vsort.ascd.msk.u32 $0xffff, v11, v11  }
0x102: {  	v9 =	vsel vm0, v3, v1;
	v1 =	vsub.s32 $0x80000000, v10;
	vm0 =	vlt.s32 v10, $0x0;
	[tilespmem:$0x1F960] =	vst v4  }
0x103: {  	(xrf1) =	vsort.ascd.msk.u32 $0xffff, v4, v4;
	v10 =	vsel vm0, v1, v10;
	v1 =	vsub.s32 $0x80000000, v2;
	vm0 =	vlt.s32 v2, $0x0;
	v3, _, _ =	vpop (xrf1)  }
0x104: {  	[tilespmem:$0x1F970] =	vst v9;
	(xrf1) =	vsort.ascd.msk.u32 $0xffff, v9, v9;
	v12 =	vsel vm0, v1, v2;
	v1 =	vld [tilespmem:s11+$0x450];
	v4, _, _ =	vpop (xrf1)  }
0x105: {  	v9 =	vsub.s32 $0x80000000, v8;
	(xrf1) =	vsort.ascd.msk.u32 $0xffff, v10, v10;
	vm0 =	vlt.s32 v8, $0x0;
	v2 =	vperm.xlane v4, v0;
	v4, _, _ =	vpop (xrf1)  }
0x106: {  	[tilespmem:$0x1F980] =	vst v10;
	v11 =	vsel vm0, v9, v8;
	v8 =	vld [tilespmem:s11+$0x40];
	(xrf1) =	vsort.ascd.msk.u32 $0xffff, v12, v12;
	v4 =	vperm.xlane v4, v0;
	v10, _, _ =	vpop (xrf1)  }
0x107: {  	[tilespmem:$0x1F920] =	vst v13;
	(xrf1) =	vsort.ascd.msk.u32 $0xffff, v11, v11;
	vm0 =	vlt.s32 v10, v2  }
0x108: {  	v9 =	vld [tilespmem:s11+$0x440];
	[tilespmem:$0x1F9A0] =	vst v11;
	v11 =	vsel vm0, v10, v2;
	vm5 =	vlt.s32 v3, v4;
	v2 =	vsel vm0, v2, v10  }
0x109: {  	v10 =	vsub.s32 $0x80000000, v1;
	vm0 =	vlt.s32 v1, $0x0;
	v13 =	vsel vm5, v4, v3;
	(xrf1) =	vsort.ascd.msk.u32 $0xffff, v11, v11  }
0x10a: {  	[tilespmem:$0x1F990] =	vst v12;
	v12 =	vld [tilespmem:s11+$0x400];
	v10 =	vsel vm0, v10, v1;
	(xrf1) =	vsort.ascd.msk.u32 $0xffff, v13, v13  }
0x10b: {  	v1, _, _ =	vpop (xrf1);
	vm0 =	vlt.s32 v8, $0x0;
	(xrf1) =	vsort.ascd.msk.u32 $0xffff, v2, v2;
	v2 =	vsel vm5, v3, v4;
	v4 =	vsub.s32 $0x80000000, v8  }
0x10c: {  	v3, _, _ =	vpop (xrf1);
	(xrf1) =	vsort.ascd.msk.u32 $0xffff, v10, v10;
	v11 =	vsel vm0, v4, v8  }
0x10d: {  	[tilespmem:$0x1F9B0] =	vst v10;
	v10, _, _ =	vpop (xrf1);
	vm0 =	vlt.s32 v9, $0x0;
	(xrf1) =	vsort.ascd.msk.u32 $0xffff, v2, v2;
	v2 =	vsub.s32 $0x80000000, v9  }
0x10e: {  	v3 =	vperm.xlane v3, v0;
	v8, _, _ =	vpop (xrf1);
	v9 =	vsel vm0, v2, v9  }
0x10f: {  	vm5 =	vlt.s32 v12, $0x0;
	v4 =	vsub.s32 $0x80000000, v12;
	[tilespmem:$0x1F9C0] =	vst v11;
	(xrf1) =	vsort.ascd.msk.u32 $0xffff, v11, v11;
	v11, _, _ =	vpop (xrf1)  }
0x110: {  	v12 =	vsel vm5, v4, v12;
	v2, _, _ =	vpop (xrf1)  }
0x111: {  	v4 =	vperm.xlane v10, v0;
	vm0 =	vlt.s32 v1, v3;
	[tilespmem:$0x1F9D0] =	vst v9;
	(xrf1) =	vsort.ascd.msk.u32 $0xffff, v9, v9;
	v9, _, _ =	vpop (xrf1)  }
0x112: {  	v10 =	vsel vm0, v1, v3;
	v1 =	vsel vm0, v3, v1;
	v3, _, _ =	vpop (xrf1)  }
0x113: {  	[tilespmem:$0x1F9E0] =	vst v12;
	(xrf1) =	vsort.ascd.msk.u32 $0xffff, v12, v12;
	v2 =	vperm.xlane v2, v0;
	v12, _, _ =	vpop (xrf1);
	vm0 =	vlt.s32 v3, v4  }
0x114: {  	(xrf1) =	vsort.ascd.msk.u32 $0xffff, v10, v10;
	v10 =	vsel vm0, v4, v3;
	v13, _, _ =	vpop (xrf1)  }
0x115: {  	(xrf1) =	vsort.ascd.msk.u32 $0xffff, v1, v1;
	v1 =	vsel vm0, v3, v4;
	vm0 =	vlt.s32 v13, v2  }
0x116: {  	v9 =	vperm.xlane v9, v0;
	v4 =	vsel vm0, v2, v13  }
0x117: {  	v3, _, _ =	vpop (xrf1);
	(xrf1) =	vsort.ascd.msk.u32 $0xffff, v10, v10  }
0x118: {  	(xrf1) =	vsort.ascd.msk.u32 $0xffff, v1, v1;
	vm5 =	vlt.s32 v3, v9;
	v1 =	vsel vm0, v13, v2;
	v10, _, _ =	vpop (xrf1)  }
0x119: {  	v2 =	vsel vm5, v9, v3;
	(xrf1) =	vsort.ascd.msk.u32 $0xffff, v4, v4;
	v4, _, _ =	vpop (xrf1)  }
0x11a: {  	v3 =	vsel vm5, v3, v9;
	(xrf1) =	vsort.ascd.msk.u32 $0xffff, v2, v2;
	v2 =	vperm.xlane v4, v0;
	v4, _, _ =	vpop (xrf1)  }
0x11b: {  	(xrf1) =	vsort.ascd.msk.u32 $0xffff, v1, v1;
	v1, _, _ =	vpop (xrf1)  }
0x11c: {  	v12 =	vperm.xlane v12, v0;
	v9, _, _ =	vpop (xrf1);
	v1 =	vperm.xlane v1, v0  }
0x11d: {  	v8 =	vperm.xlane v8, v0;
	(xrf1) =	vsort.ascd.msk.u32 $0xffff, v3, v3;
	vm5 =	vgt.s32 v4, v2;
	v3, _, _ =	vpop (xrf1)  }
0x11e: {  	vm0 =	vlt.s32 v10, v12;
	v2 =	vsel vm5, v4, v2;
	vm5 =	vgt.s32 v3, v1  }
0x11f: {  	v4 =	vsel vm0, v12, v10;
	v1 =	vsel vm5, v3, v1;
	v3, _, _ =	vpop (xrf1)  }
0x120: {  	(xrf1) =	vsort.ascd.msk.u32 $0xffff, v4, v4;
	v4 =	vsel vm0, v10, v12;
	vm0 =	vlt.s32 v3, v8  }
0x121: {  	(xrf1) =	vsort.ascd.msk.u32 $0xffff, v2, v2;
	v2 =	vperm.xlane v9, v0;
	v9 =	vsel vm0, v8, v3  }
0x122: {  	(xrf1) =	vsort.ascd.msk.u32 $0xffff, v4, v4  }
0x123: {  	v4, _, _ =	vpop (xrf1);
	(xrf1) =	vsort.ascd.msk.u32 $0xffff, v1, v1;
	v1 =	vperm.xlane v11, v0  }
0x124: {  	(xrf1) =	vsort.ascd.msk.u32 $0xffff, v9, v9;
	vm5 =	vlt.s32 v4, v2;
	v9, _, _ =	vpop (xrf1)  }
0x125: {  	v3 =	vsel vm0, v3, v8;
	v10 =	vsel vm5, v2, v4;
	vm0 =	vlt.s32 v9, v1  }
0x126: {  	(xrf1) =	vsort.ascd.msk.u32 $0xffff, v10, v10;
	v10 =	vsel vm0, v1, v9  }
0x127: {  	v8, _, _ =	vpop (xrf1)  }
0x128: {  	v2 =	vsel vm5, v4, v2;
	(xrf1) =	vsort.ascd.msk.u32 $0xffff, v3, v3;
	v3, _, _ =	vpop (xrf1)  }
0x129: {  	(xrf1) =	vsort.ascd.msk.u32 $0xffff, v10, v10;
	v10, _, _ =	vpop (xrf1)  }
0x12a: {  	v1 =	vsel vm0, v9, v1;
	(xrf1) =	vsort.ascd.msk.u32 $0xffff, v2, v2;
	v4, _, _ =	vpop (xrf1)  }
0x12b: {  	v2, _, _ =	vpop (xrf1)  }
0x12c: {  	v9, _, _ =	vpop (xrf1)  }
0x12d: {  	(xrf1) =	vsort.ascd.msk.u32 $0xffff, v1, v1;
	v1, _, _ =	vpop (xrf1)  }
0x12e: {  	v10 =	vperm.xlane v10, v0;
	v11, _, _ =	vpop (xrf1)  }
0x12f: {  	v4 =	vperm.xlane v4, v0;
	v12, _, _ =	vpop (xrf1)  }
0x130: {  	vm0 =	vgt.s32 v8, v10;
	v13, _, _ =	vpop (xrf1)  }
0x131: {  	[tilespmem:$0x1F940] =	vst v14;
	v8 =	vsel vm0, v8, v10;
	vm0 =	vgt.s32 v3, v4;
	v14, _, _ =	vpop (xrf1);
	v13 =	vperm.xlane v13, v0  }
0x132: {  	v3 =	vsel vm0, v3, v4;
	v4 =	vsel vm1, $0x1, v28;
	(xrf1) =	vsort.ascd.msk.u32 $0xffff, v8, v8;
	v10, _, _ =	vpop (xrf1)  }
0x133: {  	v1 =	vperm.xlane v1, v0;
	(xrf1) =	vsort.ascd.msk.u32 $0xffff, v3, v3;
	vm0 =	vlt.s32 v10, v13  }
0x134: {  	v2 =	vperm.xlane v2, v0;
	(xrf0) =	vadd.scan.msk.s32 $0xffff, v4;
	v15, _, _ =	vpop (xrf1);
	v10 =	vsel vm0, v10, v13;
	v13 =	vperm.xlane v14, v0  }
0x135: {  	v8 =	vperm.xlane v11, v0;
	vm0 =	vgt.s32 v15, v1;
	v4, _, _ =	vpop (xrf1);
	(xrf1) =	vsort.ascd.msk.u32 $0xffff, v10, v10  }
0x136: {  	v11 =	vperm.xlane v12, v0;
	v1 =	vsel vm0, v15, v1;
	v3, _, _ =	vpop (xrf1);
	vm0 =	vgt.s32 v4, v13  }
0x137: {  	(xrf1) =	vsort.ascd.msk.u32 $0xffff, v1, v1;
	v4 =	vsel vm0, v4, v13;
	v10, _, _ =	vpop (xrf1);
	vm0 =	vgt.s32 v3, v2  }
0x138: {  	vm5 =	vgt.s32 v10, v8;
	v1 =	vsel vm0, v3, v2;
	v3, _, _ =	vpop (xrf1);
	(xrf1) =	vsort.ascd.msk.u32 $0xffff, v4, v4  }
0x139: {  	v2 =	vsel vm5, v10, v8;
	(xrf1) =	vsort.ascd.msk.u32 $0xffff, v1, v1;
	vm0 =	vgt.s32 v3, v11  }
0x13a: {  	v1 =	vsel vm0, v3, v11;
	(xrf1) =	vsort.ascd.msk.u32 $0xffff, v2, v2  }
0x13b: {  	v4 =	vperm.xlane v9, v0;
	(xrf1) =	vsort.ascd.msk.u32 $0xffff, v1, v1  }
0x13c: {  	v3, _, _ =	vpop (xrf1)  }
0x13d: {  	vm0 =	vgt.s32 v3, v4  }
0x13e: {  	v1 =	vsel vm0, v3, v4  }
0x13f: {  	(xrf1) =	vsort.ascd.msk.u32 $0xffff, v1, v1  }
0x140: {  	v2, _, _ =	vpop (xrf1)  }
0x141: {  	v4, _, _ =	vpop (xrf1)  }
0x142: {  	v4 =	vperm.xlane v4, v0  }
0x143: {  	v3 =	vsel vm2, $0x1, v28;
	vm0 =	vcmask $0x70C;
	v8, _, _ =	vpop (xrf1)  }
0x144: {  	(xrf0) =	vadd.scan.msk.s32 $0xffff, v3;
	v3 =	vsel vm3, $0x1, v28;
	v8 =	vsel vm0, $0xC0400000, v8;
	vm0 =	vlt.s32 v2, v4  }
0x145: {  	(xrf0) =	vadd.scan.msk.s32 $0xffff, v3;
	v9, _, _ =	vpop (xrf1);
	v3 =	vsel vm0, v2, v4  }
0x146: {  	v8 =	vxor.u32 $0x80000000, v8;
	v2 =	vsel vm0, v4, v2;
	v10, _, _ =	vpop (xrf1)  }
0x147: {  	v9 =	vperm.xlane v9, v0;
	(xrf0) =	vmax.scan.msk.u32 $0xffff, v8;
	v4, _, _ =	vpop (xrf1)  }
0x148: {  	(xrf1) =	vsort.ascd.msk.u32 $0xffff, v3, v3;
	v8 =	vperm.xlane v10, v0;
	v3, _, _ =	vpop (xrf1)  }
0x149: {  	(xrf1) =	vsort.ascd.msk.u32 $0xffff, v2, v2;
	vm0 =	vlt.s32 v4, v9;
	v2, _, _ =	vpop (xrf1)  }
0x14a: {  	v1, _, _ =	vpop (xrf0);
	v10 =	vsel vm0, v9, v4;
	v4 =	vsel vm0, v4, v9;
	vm0 =	vlt.s32 v2, v8  }
0x14b: {  	v9, _, _ =	vpop (xrf0);
	(xrf1) =	vsort.ascd.msk.u32 $0xffff, v10, v10;
	v10 =	vsel vm0, v8, v2;
	v2 =	vsel vm0, v2, v8  }
0x14c: {  	v3 =	vperm.xlane v3, v0;
	(xrf1) =	vsort.ascd.msk.u32 $0xffff, v4, v4;
	v8, _, _ =	vpop (xrf0)  }
0x14d: {  	v4, _, _ =	vpop (xrf1);
	(xrf1) =	vsort.ascd.msk.u32 $0xffff, v10, v10  }
0x14e: {  	vm0 =	vlt.s32 v4, v3;
	(xrf1) =	vsort.ascd.msk.u32 $0xffff, v2, v2;
	v2, _, _ =	vpop (xrf0)  }
0x14f: {  	v10 =	vsel vm0, v4, v3;
	(v2sf) =	vpush v2, $0xF  }
0x150: {  	(xrf1) =	vsort.ascd.msk.u32 $0xffff, v10, v10;
	_ =	sdelay $0x5  }
0x151: {  	v54 =	vimm.s32 $0x0;
	v1 =	vadd.s32 v1, v6  }
0x152: {  	v62 =	vimm.s32 $0x0;
	v60 =	vimm.s32 $0x0;
	vm5 =	vle.s32 v1, v16  }
0x153: {  	v58 =	vimm.s32 $0x0;
	vm1 =	vmand vm1, vm5;
	v1 =	vadd.s32 v9, v7;
	v2, _, _ =	vpop (xrf1)  }
0x154: {  	v56 =	vimm.s32 $0x0;
	vm1 =	vmor vm10, vm1;
	vm5 =	vle.s32 v1, v16;
	v6, _, _ =	vpop (xrf1)  }
0x155: {  	v1 =	vsel vm1, $0x3F800000, v18;
	vm1 =	vmand vm2, vm5;
	v5 =	vadd.s32 v8, v5;
	v7, _, _ =	vpop (xrf1)  }
0x156: {  	v3 =	vsel vm0, v3, v4;
	vm0 =	vmor vm8, vm1;
	vm1 =	vle.s32 v5, v16;
	v4, _, _ =	vpop (xrf1)  }
0x157: {  	vm1 =	vmand vm3, vm1;
	v8 =	vsel vm0, $0x3F800000, v18;
	v5 =	vperm.xlane v7, v0;
	v7, _, _ =	vpop (xrf1)  }
0x158: {  	vm0 =	vmor vm7, vm1;
	v4 =	vperm.xlane v4, v0;
	v7 =	vperm.xlane v7, v0;
	v9, _, _ =	vpop (xrf1)  }
0x159: {  	v15 =	vimm.s32 $0x0;
	v10 =	vsel vm0, $0x3F800000, v18;
	vm0 =	vgt.s32 v2, v5;
	v11, _, _ =	vpop (xrf1);
	s31 =	spop (v2sf)  }
0x15a: {  	vm1 =	vgt.s32 v6, v4;
	v12 =	vsel vm0, v2, v5;
	vm0 =	vgt.s32 v11, v7;
	s13 =	sxor.u32 $0x80000000, s31  }
0x15b: {  	v13 =	vsel vm0, v11, v7;
	v7 =	vimm.s32 $0x0;
	vm0 =	vgt.s32 v30, s13  }
0x15c: {  	v7 =	vsel vm0, $0xFFFFFFFF, v7;
	v11 =	vmpcnt.ones.xlane vm0;
	vm0 =	vgt.s32 v31, s13  }
0x15d: {  	(xrf1) =	vsort.ascd.msk.u32 $0xffff, v3, v3;
	v3 =	vimm.s32 $0x0;
	v14 =	vsel vm1, v6, v4;
	v15 =	vsel vm0, $0xFFFFFFFF, v15  }
0x15e: {  	vm1 =	vgt.s32 v33, s13;
	[tilespmem:$0x1FA00] =	vst v15;
	v15 =	vmpcnt.ones.xlane vm0;
	vm0 =	vgt.s32 v26, s13  }
0x15f: {  	v36 =	vsel vm0, $0xFFFFFFFF, v54;
	v55 =	vmpcnt.ones.xlane vm0;
	vm0 =	vgt.s32 v29, s13  }
0x160: {  	v57 =	vmpcnt.ones.xlane vm1;
	v38 =	vsel vm0, $0xFFFFFFFF, v58;
	v59 =	vmpcnt.ones.xlane vm0  }
0x161: {  	v11 =	vadd.s32 v15, v11;
	vm0 =	vgt.s32 v35, s13;
	v15 =	vimm.s32 $0x0  }
0x162: {  	v37 =	vsel vm1, $0xFFFFFFFF, v56;
	v15 =	vsel vm0, $0xFFFFFFFF, v15;
	v11 =	vadd.s32 v57, v11  }
0x163: {  	[tilespmem:$0x1FA40] =	vst v15;
	v15 =	vmpcnt.ones.xlane vm0;
	vm0 =	vgt.s32 v17, s13;
	v11 =	vadd.s32 v59, v11  }
0x164: {  	[tilespmem:$0x1FA20] =	vst v37;
	v37 =	vsel vm0, $0xFFFFFFFF, v60;
	v61 =	vmpcnt.ones.xlane vm0;
	vm0 =	vgt.s32 v32, s13  }
0x165: {  	[tilespmem:s9+$0x810] =	vst v1;
	v1 =	vimm.s32 $0x0;
	v3 =	vsel vm0, $0xFFFFFFFF, v3;
	v11 =	vadd.s32 v15, v11  }
0x166: {  	v2 =	vld [tilespmem:$0x1F9F0];
	v15 =	vimm.s32 $0x0;
	[tilespmem:$0x1FA60] =	vst v3;
	v3 =	vmpcnt.ones.xlane vm0;
	vm0 =	vgt.s32 v27, s13  }
0x167: {  	v5 =	vsel vm6, $0x1, v28;
	v4 =	vsel vm4, $0x1, v28;
	v15 =	vsel vm0, $0xFFFFFFFF, v15  }
0x168: {  	vm7 =	veq.s32 v31, s13;
	v11 =	vadd.s32 v61, v11;
	[tilespmem:$0x1FA70] =	vst v15;
	v15 =	vmpcnt.ones.xlane vm0  }
0x169: {  	vm0 =	vgt.s32 v34, s13;
	v3 =	vadd.s32 v3, v11;
	v11 =	vimm.s32 $0x0  }
0x16a: {  	[tilespmem:$0x1FA50] =	vst v37;
	v37 =	vsel vm0, $0xFFFFFFFF, v62;
	v63 =	vmpcnt.ones.xlane vm0;
	vm0 =	vgt.s32 v20, s13  }
0x16b: {  	vm8 =	vnez.u8 v2;
	v11 =	vsel vm0, $0xFFFFFFFF, v11;
	v3 =	vadd.s32 v15, v3  }
0x16c: {  	v15 =	vimm.s32 $0x0;
	[tilespmem:$0x1FA90] =	vst v11;
	v11 =	vmpcnt.ones.xlane vm0;
	vm0 =	vgt.s32 v22, s13  }
0x16d: {  	vm1 =	veq.s32 v32, s13;
	v2 =	vsel vm8, $0x1, v28;
	v15 =	vsel vm0, $0xFFFFFFFF, v15  }
0x16e: {  	v3 =	vadd.s32 v63, v3;
	[tilespmem:$0x1FAA0] =	vst v15;
	v15 =	vmpcnt.ones.xlane vm0;
	vm0 =	veq.s32 v30, s13  }
0x16f: {  	v30 =	vimm.s32 $0x0;
	v3 =	vadd.s32 v11, v3;
	v11 =	vmpcnt.ones.xlane vm7  }
0x170: {  	v30 =	vsel vm0, $0xFFFFFFFF, v30;
	v50 =	vmpcnt.ones.xlane vm0;
	v3 =	vadd.s32 v55, v3  }
0x171: {  	vm0 =	veq.s32 v33, s13;
	[tilespmem:$0x1FEF0] =	vst v30;
	v30 =	vimm.s32 $0x0;
	v3 =	vadd.s32 v15, v3  }
0x172: {  	v15 =	vmpcnt.ones.xlane vm0;
	v30 =	vsel vm0, $0xFFFFFFFF, v30;
	vm0 =	vgt.s32 v52, s13  }
0x173: {  	(xrf0) =	vadd.scan.msk.s32 $0xffff, v2;
	v48 =	vadd.s32 v50, v11;
	v11 =	vimm.s32 $0x0;
	v1 =	vsel vm0, $0xFFFFFFFF, v1  }
0x174: {  	v45 =	vadd.s32 v15, v48;
	[tilespmem:$0x1FAB0] =	vst v1;
	v1 =	vmpcnt.ones.xlane vm0;
	vm0 =	veq.s32 v29, s13  }
0x175: {  	(xrf0) =	vadd.scan.msk.s32 $0xffff, v4;
	v11 =	vsel vm0, $0xFFFFFFFF, v11;
	v2 =	vmpcnt.ones.xlane vm0;
	vm0 =	veq.s32 v35, s13  }
0x176: {  	[tilespmem:$0x1FF40] =	vst v11;
	v11 =	vimm.s32 $0x0;
	v1 =	vadd.s32 v1, v3;
	v3 =	vmpcnt.ones.xlane vm0  }
0x177: {  	v4 =	vimm.s32 $0x0;
	(xrf0) =	vadd.scan.msk.s32 $0xffff, v5;
	v11 =	vsel vm0, $0xFFFFFFFF, v11;
	v5 =	vadd.s32 v2, v45  }
0x178: {  	vm0 =	veq.s32 v17, s13;
	v42 =	vadd.s32 v3, v5;
	v3 =	vimm.s32 $0x0  }
0x179: {  	v4 =	vsel vm0, $0xFFFFFFFF, v4;
	v3 =	vsel vm1, $0xFFFFFFFF, v3  }
0x17a: {  	v2 =	vmpcnt.ones.xlane vm0;
	vm0 =	vgt.s32 v25, s13;
	[tilespmem:$0x1FF70] =	vst v3;
	v3 =	vimm.s32 $0x0  }
0x17b: {  	v3 =	vsel vm0, $0xFFFFFFFF, v3  }
0x17c: {  	[tilespmem:$0x1FAD0] =	vst v3;
	v3 =	vmpcnt.ones.xlane vm0;
	_ =	sdelay $0x1  }
0x17d: {  	v15 =	vadd.s32 v3, v1;
	v1 =	vld [tilespmem:$0x1FAE0];
	_ =	sdelay $0x3  }
0x17e: {  	v53 =	vimm.s32 $0x0  }
0x17f: {  	v40 =	vsel vm4, $0xFFFFFFFF, v53;
	vm4 =	vnez.u8 v1;
	v1 =	vld [tilespmem:$0x1FDA0];
	_ =	sdelay $0x4  }
0x180: {  	v6 =	vsel vm11, $0x1, v28;
	[tilespmem:$0x1FF10] =	vst v7;
	vm0 =	vnez.u8 v1;
	v1 =	vld [tilespmem:$0x1FDC0]  }
0x181: {  	v7 =	vsel vm15, $0x1, v28;
	vm15 =	veq.s32 v27, s13;
	(xrf0) =	vadd.scan.msk.s32 $0xffff, v6;
	[tilespmem:$0x1FAC0] =	vst v5  }
0x182: {  	(xrf0) =	vadd.scan.msk.s32 $0xffff, v7;
	v5 =	vmpcnt.ones.xlane vm1;
	[tilespmem:$0x1FF60] =	vst v4;
	v4 =	vsel vm9, $0x1, v28  }
0x183: {  	(xrf0) =	vadd.scan.msk.s32 $0xffff, v4;
	v43 =	vadd.s32 v2, v42;
	v4 =	vmpcnt.ones.xlane vm15  }
0x184: {  	v9 =	vperm.xlane v9, v0;
	v41 =	vadd.s32 v5, v43  }
0x185: {  	[tilespmem:s9+$0x820] =	vst v8;
	v44 =	vadd.s32 v4, v41;
	v4 =	vsel vm0, $0x1, v28;
	vm0 =	vnez.u8 v1;
	v1 =	vld [tilespmem:$0x1FAF0]  }
0x186: {  	[tilespmem:s9+$0x830] =	vst v10;
	vm11 =	vmmov vm12;
	vm14 =	veq.s32 v34, s13;
	v59, _, _ =	vpop (xrf0);
	v2 =	vsel vm13, $0x1, v28  }
0x187: {  	vm10 =	veq.s32 v22, s13;
	[tilespmem:$0x1FA10] =	vst v36;
	v29, _, _ =	vpop (xrf0);
	(xrf0) =	vadd.scan.msk.s32 $0xffff, v2;
	v2 =	vsel vm4, $0x1, v28  }
0x188: {  	v7 =	vmpcnt.ones.xlane vm14;
	v61, _, _ =	vpop (xrf0);
	[tilespmem:$0x1FF50] =	vst v11;
	v3 =	vsel vm12, $0x1, v28;
	(xrf0) =	vadd.scan.msk.s32 $0xffff, v2  }
0x189: {  	v60, _, _ =	vpop (xrf0);
	vm13 =	veq.s32 v20, s13;
	(xrf0) =	vadd.scan.msk.s32 $0xffff, v3;
	v5 =	vsel vm0, $0x1, v28;
	vm0 =	vgt.s32 v24, s13  }
0x18a: {  	v58, _, _ =	vpop (xrf0);
	(xrf0) =	vadd.scan.msk.s32 $0xffff, v4;
	v17 =	vmpcnt.ones.xlane vm0;
	vm5 =	vnez.u8 v1;
	v1 =	vimm.s32 $0x0  }
0x18b: {  	v11, _, _ =	vpop (xrf1);
	(xrf0) =	vadd.scan.msk.s32 $0xffff, v5;
	v6 =	vsel vm5, $0x1, v28;
	v1 =	vsel vm0, $0xFFFFFFFF, v1;
	vm0 =	veq.s32 v23, s13  }
0x18c: {  	v35 =	vmpcnt.ones.xlane vm13;
	vm1 =	vgt.s32 v11, v9;
	v57, _, _ =	vpop (xrf0);
	(xrf0) =	vadd.scan.msk.s32 $0xffff, v6;
	v20 =	vsel vm0, $0x1, v28  }
0x18d: {  	s12 =	simm.s32 $0x180;
	vm9 =	veq.s32 v52, s13;
	v36 =	vsel vm1, v11, v9;
	v47 =	vadd.s32 v7, v44;
	v56, _, _ =	vpop (xrf0);
	(xrf0) =	vadd.scan.msk.s32 $0xffff, v20  }
0x18e: {  	vm12 =	veq.s32 v26, s13;
	v55, _, _ =	vpop (xrf0);
	v15 =	vadd.s32 v17, v15;
	v17 =	vld [tilespmem:s12+$0x0];
	[tilespmem:$0x1FB00] =	vst v1;
	v1 =	vadd.s32 v35, v47  }
0x18f: {  	[tilespmem:$0x1FA30] =	vst v38;
	vm1 =	vgt.s32 v23, s13;
	v51, _, _ =	vpop (xrf0);
	v23 =	vmpcnt.ones.xlane vm9;
	v20 =	vmpcnt.ones.xlane vm12  }
0x190: {  	(xrf1) =	vsort.ascd.msk.u32 $0xffff, v12, v12;
	vm3 =	veq.s32 v24, s13;
	[tilespmem:$0x1FA80] =	vst v37;
	v22 =	vmpcnt.ones.xlane vm10;
	v9, _, _ =	vpop (xrf0)  }
0x191: {  	vm6 =	veq.s32 v25, s13;
	v38 =	vmpcnt.ones.xlane vm3;
	[tilespmem:$0x1FB10] =	vst v1;
	v46 =	vadd.s32 v20, v1;
	v1, _, _ =	vpop (xrf0)  }
0x192: {  	v37 =	vmpcnt.ones.xlane vm6;
	(xrf1) =	vsort.ascd.msk.u32 $0xffff, v36, v36;
	v20 =	vmpcnt.ones.xlane vm1;
	v2 =	vadd.s32 v22, v46;
	v22 =	vld [tilespmem:s12+$0x10];
	v12, _, _ =	vpop (xrf0)  }
0x193: {  	(xrf1) =	vsort.ascd.msk.u32 $0xffff, v14, v14;
	vm2 =	vlt.s32 v17, $0x0;
	[tilespmem:$0x1FB20] =	vst v2;
	v2 =	vadd.s32 v23, v2;
	v23, _, _ =	vpop (xrf0)  }
0x194: {  	v15 =	vadd.s32 v20, v15;
	v20 =	vld [tilespmem:s12+$0x30];
	[tilespmem:$0x1FB30] =	vst v2;
	v2 =	vadd.s32 v37, v2;
	v14 =	vadd.s32 v23, v38  }
0x195: {  	(xrf1) =	vsort.ascd.msk.u32 $0xffff, v13, v13;
	v49 =	vsub.s32 $0x1E, v15;
	v15 =	vld [tilespmem:s12+$0x50];
	v13 =	vadd.s32 v2, v14;
	v14 =	vsub.s32 $0x80000000, v17  }
0x196: {  	v23 =	vld [tilespmem:s12+$0x410];
	v3 =	vsel vm2, v14, v17;
	vm2 =	vle.s32 v13, v49  }
0x197: {  	v13 =	vsub.s32 $0x80000000, v22;
	vm0 =	vmand vm0, vm2;
	vm2 =	vlt.s32 v22, $0x0  }
0x198: {  	[tilespmem:$0x1FB40] =	vst v2;
	v14 =	vld [tilespmem:s12+$0x70];
	v2 =	vsel vm2, v13, v22  }
0x199: {  	[tilespmem:$0x1FEA0] =	vst v40;
	v17 =	vld [tilespmem:s12+$0x430];
	vm0 =	vmor vm1, vm0;
	v13 =	vsub.s32 $0x80000000, v20;
	vm1 =	vlt.s32 v20, $0x0  }
0x19a: {  	(xrf1) =	vsort.ascd.msk.u32 $0xffff, v3, v3;
	v39 =	vsub.s32 $0x80000000, v15;
	v22 =	vld [tilespmem:s12+$0x20];
	vm2 =	vlt.s32 v15, $0x0;
	v34 =	vsel vm1, v13, v20  }
0x19b: {  	v33 =	vsel vm2, v39, v15;
	(xrf1) =	vsort.ascd.msk.u32 $0xffff, v2, v2;
	v13 =	vld [tilespmem:s12+$0x470];
	v15 =	vsub.s32 $0x80000000, v23;
	vm1 =	vlt.s32 v23, $0x0  }
0x19c: {  	[tilespmem:$0x1FB60] =	vst v2;
	v52 =	vsel vm0, $0x3F800000, v18;
	(xrf1) =	vsort.ascd.msk.u32 $0xffff, v34, v34;
	v2 =	vsel vm1, v15, v23  }
0x19d: {  	v20 =	vld [tilespmem:s12+$0x60];
	v40 =	vsub.s32 $0x80000000, v14;
	vm2 =	vlt.s32 v14, $0x0;
	(xrf1) =	vsort.ascd.msk.u32 $0xffff, v33, v33;
	[tilespmem:$0x1FB70] =	vst v2  }
0x19e: {  	v15 =	vsub.s32 $0x80000000, v17;
	vm0 =	vlt.s32 v17, $0x0;
	v31 =	vsel vm2, v40, v14;
	v14 =	vld [tilespmem:s12+$0x420];
	[tilespmem:s10+$0xC70] =	vst v52  }
0x19f: {  	(xrf1) =	vsort.ascd.msk.u32 $0xffff, v2, v2;
	v2 =	vsel vm0, v15, v17;
	v15 =	vsub.s32 $0x80000000, v22;
	v17 =	vld [tilespmem:s12+$0x460];
	vm0 =	vlt.s32 v22, $0x0  }
0x1a0: {  	(xrf1) =	vsort.ascd.msk.u32 $0xffff, v31, v31;
	v36 =	vsel vm0, v15, v22;
	v15 =	vsub.s32 $0x80000000, v13  }
0x1a1: {  	[tilespmem:$0x1FB80] =	vst v2;
	(xrf1) =	vsort.ascd.msk.u32 $0xffff, v2, v2;
	vm0 =	vlt.s32 v13, $0x0  }
0x1a2: {  	v2 =	vsel vm0, v15, v13;
	(xrf1) =	vsort.ascd.msk.u32 $0xffff, v36, v36;
	v13 =	vsub.s32 $0x80000000, v20;
	vm0 =	vlt.s32 v20, $0x0  }
0x1a3: {  	v32 =	vsel vm0, v13, v20;
	(xrf1) =	vsort.ascd.msk.u32 $0xffff, v2, v2;
	v15, _, _ =	vpop (xrf1);
	v13 =	vsub.s32 $0x80000000, v14;
	vm0 =	vlt.s32 v14, $0x0  }
0x1a4: {  	[tilespmem:$0x1FB90] =	vst v2;
	(xrf1) =	vsort.ascd.msk.u32 $0xffff, v32, v32;
	v20, _, _ =	vpop (xrf1);
	v2 =	vsel vm0, v13, v14;
	vm0 =	vlt.s32 v17, $0x0  }
0x1a5: {  	v14 =	vld [tilespmem:s12+$0x450];
	v13 =	vperm.xlane v20, v0;
	v20, _, _ =	vpop (xrf1);
	[tilespmem:$0x1FBA0] =	vst v2;
	(xrf1) =	vsort.ascd.msk.u32 $0xffff, v2, v2;
	v2 =	vsub.s32 $0x80000000, v17  }
0x1a6: {  	v20 =	vperm.xlane v20, v0;
	v23, _, _ =	vpop (xrf1);
	v2 =	vsel vm0, v2, v17;
	v17 =	vld [tilespmem:s12+$0x40]  }
0x1a7: {  	v54 =	vld [tilespmem:s12+$0x400];
	vm0 =	vlt.s32 v23, v13  }
0x1a8: {  	[tilespmem:$0x1FBB0] =	vst v2;
	(xrf1) =	vsort.ascd.msk.u32 $0xffff, v2, v2;
	v2 =	vld [tilespmem:s12+$0x440];
	v53 =	vsel vm0, v23, v13;
	vm1 =	vlt.s32 v15, v20  }
0x1a9: {  	v13 =	vsel vm0, v13, v23;
	(xrf1) =	vsort.ascd.msk.u32 $0xffff, v53, v53;
	v52 =	vsel vm1, v20, v15  }
0x1aa: {  	v23 =	vsub.s32 $0x80000000, v14;
	vm0 =	vlt.s32 v14, $0x0;
	(xrf1) =	vsort.ascd.msk.u32 $0xffff, v52, v52  }
0x1ab: {  	v62, _, _ =	vpop (xrf1);
	v35 =	vsel vm0, v23, v14;
	v14 =	vsel vm1, v15, v20;
	(xrf1) =	vsort.ascd.msk.u32 $0xffff, v13, v13;
	v15 =	vsub.s32 $0x80000000, v17  }
0x1ac: {  	v13, _, _ =	vpop (xrf1);
	(xrf1) =	vsort.ascd.msk.u32 $0xffff, v35, v35  }
0x1ad: {  	vm1 =	vlt.s32 v54, $0x0;
	vm0 =	vlt.s32 v17, $0x0;
	v20, _, _ =	vpop (xrf1);
	(xrf1) =	vsort.ascd.msk.u32 $0xffff, v14, v14;
	v14 =	vsub.s32 $0x80000000, v2  }
0x1ae: {  	v40 =	vsel vm0, v15, v17;
	v13 =	vperm.xlane v13, v0;
	v17 =	vsub.s32 $0x80000000, v54;
	v15, _, _ =	vpop (xrf1)  }
0x1af: {  	vm0 =	vlt.s32 v2, $0x0;
	v39 =	vsel vm1, v17, v54;
	v23, _, _ =	vpop (xrf1)  }
0x1b0: {  	v38 =	vsel vm0, v14, v2;
	(xrf1) =	vsort.ascd.msk.u32 $0xffff, v40, v40;
	vm0 =	vlt.s32 v62, v13;
	v14, _, _ =	vpop (xrf1)  }
0x1b1: {  	v17 =	vperm.xlane v20, v0;
	(xrf1) =	vsort.ascd.msk.u32 $0xffff, v38, v38;
	v2 =	vsel vm0, v62, v13;
	v20, _, _ =	vpop (xrf1)  }
0x1b2: {  	v13 =	vsel vm0, v13, v62;
	(xrf1) =	vsort.ascd.msk.u32 $0xffff, v39, v39;
	v53, _, _ =	vpop (xrf1)  }
0x1b3: {  	(xrf1) =	vsort.ascd.msk.u32 $0xffff, v2, v2;
	v14 =	vperm.xlane v14, v0;
	vm0 =	vlt.s32 v53, v17  }
0x1b4: {  	v2, _, _ =	vpop (xrf1);
	(xrf1) =	vsort.ascd.msk.u32 $0xffff, v13, v13;
	v13 =	vperm.xlane v20, v0;
	v20 =	vsel vm0, v17, v53  }
0x1b5: {  	v54, _, _ =	vpop (xrf1)  }
0x1b6: {  	v17 =	vsel vm0, v53, v17;
	(xrf1) =	vsort.ascd.msk.u32 $0xffff, v20, v20;
	vm0 =	vlt.s32 v54, v14  }
0x1b7: {  	v20, _, _ =	vpop (xrf1);
	(xrf1) =	vsort.ascd.msk.u32 $0xffff, v17, v17;
	v17 =	vsel vm0, v14, v54;
	_ =	sdelay $0x1  }
0x1b8: {  	vm1 =	vlt.s32 v20, v13  }
0x1b9: {  	(xrf1) =	vsort.ascd.msk.u32 $0xffff, v17, v17;
	v37 =	vsel vm1, v13, v20;
	v13 =	vsel vm1, v20, v13;
	v17, _, _ =	vpop (xrf1)  }
0x1ba: {  	v14 =	vsel vm0, v54, v14;
	(xrf1) =	vsort.ascd.msk.u32 $0xffff, v37, v37;
	v52, _, _ =	vpop (xrf1)  }
0x1bb: {  	(xrf1) =	vsort.ascd.msk.u32 $0xffff, v14, v14;
	v14 =	vperm.xlane v52, v0;
	v20, _, _ =	vpop (xrf1)  }
0x1bc: {  	v2 =	vperm.xlane v2, v0;
	(xrf1) =	vsort.ascd.msk.u32 $0xffff, v13, v13;
	v13, _, _ =	vpop (xrf1)  }
0x1bd: {  	v13 =	vperm.xlane v13, v0;
	v54, _, _ =	vpop (xrf1);
	vm1 =	vgt.s32 v20, v14  }
0x1be: {  	vm0 =	vlt.s32 v17, v2;
	v14 =	vsel vm1, v20, v14;
	v20, _, _ =	vpop (xrf1)  }
0x1bf: {  	v53 =	vsel vm0, v2, v17;
	v17 =	vsel vm0, v17, v2;
	vm0 =	vgt.s32 v20, v13  }
0x1c0: {  	(xrf1) =	vsort.ascd.msk.u32 $0xffff, v53, v53;
	v13 =	vsel vm0, v20, v13  }
0x1c1: {  	(xrf1) =	vsort.ascd.msk.u32 $0xffff, v14, v14  }
0x1c2: {  	(xrf1) =	vsort.ascd.msk.u32 $0xffff, v17, v17  }
0x1c3: {  	(xrf1) =	vsort.ascd.msk.u32 $0xffff, v13, v13;
	v13, _, _ =	vpop (xrf1)  }
0x1c4: {  	v14, _, _ =	vpop (xrf1)  }
0x1c5: {  	v17, _, _ =	vpop (xrf1)  }
0x1c6: {  	v20, _, _ =	vpop (xrf1)  }
0x1c7: {  	v18, _, _ =	vpop (xrf1)  }
0x1c8: {  	v37, _, _ =	vpop (xrf1)  }
0x1c9: {  	v63, _, _ =	vpop (xrf1)  }
0x1ca: {  	v15 =	vperm.xlane v15, v0;
	v5, _, _ =	vpop (xrf1)  }
0x1cb: {  	v8, _, _ =	vpop (xrf1)  }
0x1cc: {  	v62 =	vperm.xlane v54, v0;
	vm0 =	vlt.s32 v13, v15;
	v7, _, _ =	vpop (xrf1)  }
0x1cd: {  	[tilespmem:$0x1FB50] =	vst v3;
	v3 =	vsel vm0, v15, v13;
	v4 =	vsel vm0, v13, v15;
	v13 =	vperm.xlane v23, v0;
	v54, _, _ =	vpop (xrf1)  }
0x1ce: {  	vm0 =	vlt.s32 v14, v62;
	v15, _, _ =	vpop (xrf1)  }
0x1cf: {  	v2 =	vsel vm0, v62, v14;
	v62 =	vsel vm0, v14, v62;
	v53, _, _ =	vpop (xrf1)  }
0x1d0: {  	vm0 =	vlt.s32 v17, v13;
	v14 =	vperm.xlane v37, v0;
	v24 =	vperm.xlane v53, v0;
	v10, _, _ =	vpop (xrf1)  }
0x1d1: {  	v1 =	vadd.s32 v1, v19;
	v19 =	vld [tilespmem:$0x1FC60];
	v6 =	vsel vm0, v13, v17;
	v11 =	vsel vm0, v17, v13;
	v13, _, _ =	vpop (xrf1)  }
0x1d2: {  	vm0 =	vgt.s32 v20, v14;
	vm1 =	vlt.s32 v13, v24  }
0x1d3: {  	v52 =	vsel vm0, v20, v14;
	v14 =	vsel vm1, v13, v24;
	v13 =	vld [tilespmem:$0x1FBC0]  }
0x1d4: {  	v63 =	vperm.xlane v63, v0;
	_ =	sdelay $0x1  }
0x1d5: {  	vm0 =	vgt.s32 v18, v63;
	v20 =	vadd.s32 v60, v19;
	v19 =	vld [tilespmem:$0x1FC70]  }
0x1d6: {  	v53 =	vsel vm0, v18, v63;
	vm0 =	vmmov vm5  }
0x1d7: {  	vm0 =	vmmov vm0;
	vm1 =	vle.s32 v12, v16;
	v13 =	vadd.s32 v59, v13  }
0x1d8: {  	vm5 =	vmand vm0, vm1;
	vm0 =	vmmov vm8;
	vm1 =	vle.s32 v13, v16  }
0x1d9: {  	v12 =	vimm.s32 $0x0;
	vm0 =	vmand vm0, vm1  }
0x1da: {  	v12 =	vsel vm0, $0xFFFFFFFF, v12;
	vm0 =	vnez.u8 v19;
	v19 =	vld [tilespmem:$0x1FC80];
	_ =	sdelay $0x4  }
0x1db: {  	vm8 =	vmmov vm0;
	vm0 =	vnez.u8 v19  }
0x1dc: {  	v19 =	vimm.s32 $0x0;
	vm0 =	vmmov vm0  }
0x1dd: {  	v19 =	vsel vm0, $0xFFFFFFFF, v19  }
0x1de: {  	[tilespmem:$0x1FC90] =	vst v19;
	v19 =	vld [tilespmem:$0x1FCA0];
	_ =	sdelay $0x4  }
0x1df: {  	vm0 =	vnez.u8 v19  }
0x1e0: {  	v19 =	vimm.s32 $0x0;
	vm0 =	vmmov vm0  }
0x1e1: {  	v19 =	vsel vm0, $0xFFFFFFFF, v19  }
0x1e2: {  	[tilespmem:$0x1FCB0] =	vst v19;
	v19 =	vld [tilespmem:$0x1FCC0];
	_ =	sdelay $0x1  }
0x1e3: {  	(xrf1) =	vsort.ascd.msk.u32 $0xffff, v3, v3;
	v3 =	vld [tilespmem:$0x1FCE0];
	_ =	sdelay $0x2  }
0x1e4: {  	vm0 =	vnez.u8 v19  }
0x1e5: {  	v19 =	vimm.s32 $0x0;
	vm0 =	vmmov vm0  }
0x1e6: {  	v19 =	vsel vm0, $0xFFFFFFFF, v19;
	vm0 =	vnez.u8 v3  }
0x1e7: {  	v3 =	vimm.s32 $0x0;
	vm0 =	vmmov vm0  }
0x1e8: {  	v3 =	vsel vm0, $0xFFFFFFFF, v3  }
0x1e9: {  	[tilespmem:$0x1FCF0] =	vst v3;
	v3 =	vld [tilespmem:$0x1FD00];
	_ =	sdelay $0x4  }
0x1ea: {  	vm0 =	vnez.u8 v3  }
0x1eb: {  	v3 =	vimm.s32 $0x0;
	vm0 =	vmmov vm0  }
0x1ec: {  	v3 =	vsel vm0, $0xFFFFFFFF, v3  }
0x1ed: {  	[tilespmem:$0x1FD10] =	vst v3;
	v3 =	vld [tilespmem:$0x1FD20];
	_ =	sdelay $0x1  }
0x1ee: {  	(xrf1) =	vsort.ascd.msk.u32 $0xffff, v2, v2;
	v2 =	vld [tilespmem:$0x1FD40];
	_ =	sdelay $0x2  }
0x1ef: {  	vm0 =	vnez.u8 v3  }
0x1f0: {  	v3 =	vimm.s32 $0x0;
	vm0 =	vmmov vm0  }
0x1f1: {  	v3 =	vsel vm0, $0xFFFFFFFF, v3;
	vm0 =	vnez.u8 v2  }
0x1f2: {  	v2 =	vimm.s32 $0x0;
	vm0 =	vmmov vm0  }
0x1f3: {  	v2 =	vsel vm0, $0xFFFFFFFF, v2  }
0x1f4: {  	[tilespmem:$0x1FD50] =	vst v2;
	v2 =	vld [tilespmem:$0x1FD60];
	_ =	sdelay $0x4  }
0x1f5: {  	vm0 =	vnez.u8 v2  }
0x1f6: {  	v2 =	vimm.s32 $0x0;
	vm0 =	vmmov vm0  }
0x1f7: {  	v2 =	vsel vm0, $0xFFFFFFFF, v2  }
0x1f8: {  	vm0 =	vmmov vm4;
	[tilespmem:$0x1FD70] =	vst v2;
	v2 =	vimm.s32 $0x0  }
0x1f9: {  	v2 =	vsel vm0, $0xFFFFFFFF, v2  }
0x1fa: {  	vm0 =	vmmov vm11;
	[tilespmem:$0x1FD80] =	vst v2;
	v2 =	vimm.s32 $0x0  }
0x1fb: {  	v2 =	vsel vm0, $0xFFFFFFFF, v2  }
0x1fc: {  	[tilespmem:$0x1FD90] =	vst v2;
	v2 =	vld [tilespmem:$0x1FDA0];
	_ =	sdelay $0x4  }
0x1fd: {  	vm0 =	vnez.u8 v2  }
0x1fe: {  	v2 =	vimm.s32 $0x0;
	vm0 =	vmmov vm0  }
0x1ff: {  	v2 =	vsel vm0, $0xFFFFFFFF, v2  }
0x200: {  	[tilespmem:$0x1FDB0] =	vst v2;
	v2 =	vld [tilespmem:$0x1FDC0];
	_ =	sdelay $0x4  }
0x201: {  	vm0 =	vnez.u8 v2  }
0x202: {  	v2 =	vimm.s32 $0x0;
	vm0 =	vmmov vm0  }
0x203: {  	v2 =	vsel vm0, $0xFFFFFFFF, v2  }
0x204: {  	[tilespmem:$0x1FDD0] =	vst v2;
	v2 =	vld [tilespmem:$0x1FDE0];
	_ =	sdelay $0x4  }
0x205: {  	vm0 =	vnez.u8 v2  }
0x206: {  	v2 =	vimm.s32 $0x0;
	vm0 =	vmmov vm0  }
0x207: {  	v2 =	vsel vm0, $0xFFFFFFFF, v2  }
0x208: {  	[tilespmem:$0x1FDF0] =	vst v2;
	v2 =	vld [tilespmem:$0x1FE00];
	_ =	sdelay $0x4  }
0x209: {  	vm0 =	vnez.u8 v2  }
0x20a: {  	v2 =	vimm.s32 $0x0;
	vm0 =	vmmov vm0  }
0x20b: {  	v2 =	vsel vm0, $0xFFFFFFFF, v2  }
0x20c: {  	[tilespmem:$0x1FE10] =	vst v2;
	v2 =	vld [tilespmem:$0x1FE20];
	_ =	sdelay $0x4  }
0x20d: {  	vm0 =	vnez.u8 v2  }
0x20e: {  	v2 =	vimm.s32 $0x0;
	vm0 =	vmmov vm0  }
0x20f: {  	v2 =	vsel vm0, $0xFFFFFFFF, v2  }
0x210: {  	[tilespmem:$0x1FE30] =	vst v2;
	v2 =	vld [tilespmem:$0x1FE40];
	_ =	sdelay $0x4  }
0x211: {  	vm0 =	vnez.u8 v2  }
0x212: {  	v2 =	vimm.s32 $0x0;
	vm0 =	vmmov vm0  }
0x213: {  	v2 =	vsel vm0, $0xFFFFFFFF, v2  }
0x214: {  	[tilespmem:$0x1FE50] =	vst v2;
	v2 =	vld [tilespmem:$0x1FE60];
	_ =	sdelay $0x4  }
0x215: {  	vm0 =	vnez.u8 v2  }
0x216: {  	v2 =	vimm.s32 $0x0;
	vm0 =	vmmov vm0  }
0x217: {  	v2 =	vsel vm0, $0xFFFFFFFF, v2  }
0x218: {  	[tilespmem:$0x1FE70] =	vst v2;
	v2 =	vld [tilespmem:$0x1FE80];
	_ =	sdelay $0x4  }
0x219: {  	vm0 =	vnez.u8 v2  }
0x21a: {  	v2 =	vimm.s32 $0x0;
	vm0 =	vmmov vm0  }
0x21b: {  	v2 =	vsel vm0, $0xFFFFFFFF, v2  }
0x21c: {  	[tilespmem:$0x1FE90] =	vst v2;
	v2 =	vld [tilespmem:$0x1FEA0];
	_ =	sdelay $0x4  }
0x21d: {  	vm0 =	vnez.u8 v2;
	v2 =	vld [tilespmem:$0x1FEB0];
	_ =	sdelay $0x4  }
0x21e: {  	vm11 =	vmmov vm0;
	vm0 =	vnez.u8 v2  }
0x21f: {  	v2 =	vimm.s32 $0x0;
	vm0 =	vmmov vm0  }
0x220: {  	v2 =	vsel vm0, $0xFFFFFFFF, v2  }
0x221: {  	[tilespmem:$0x1FEC0] =	vst v2;
	v2 =	vld [tilespmem:$0x1FED0];
	_ =	sdelay $0x1  }
0x222: {  	[tilespmem:$0x1FBD0] =	vst v12;
	v12 =	vld [tilespmem:$0x1FBE0];
	_ =	sdelay $0x2  }
0x223: {  	vm0 =	vnez.u8 v2  }
0x224: {  	v2 =	vimm.s32 $0x0;
	vm0 =	vmmov vm0  }
0x225: {  	v63 =	vadd.s32 v9, v12;
	v9 =	vld [tilespmem:$0x1FBF0];
	v2 =	vsel vm0, $0xFFFFFFFF, v2  }
0x226: {  	[tilespmem:$0x1FEE0] =	vst v2;
	v2 =	vld [tilespmem:$0x1FEF0];
	_ =	sdelay $0x1  }
0x227: {  	[tilespmem:$0x1FD30] =	vst v3;
	v3 =	vld [tilespmem:$0x1FF10];
	_ =	sdelay $0x2  }
0x228: {  	v12 =	vadd.s32 v51, v9;
	vm0 =	vnez.u8 v2  }
0x229: {  	v2 =	vimm.s32 $0x0;
	v51 =	vsel vm0, $0x1, v28;
	vm0 =	vmmov vm0  }
0x22a: {  	v2 =	vsel vm0, $0xFFFFFFFF, v2;
	vm0 =	vnez.u8 v3  }
0x22b: {  	v3 =	vimm.s32 $0x0;
	vm0 =	vmmov vm0  }
0x22c: {  	[tilespmem:$0x1FF30] =	vst v30;
	v3 =	vsel vm0, $0xFFFFFFFF, v3  }
0x22d: {  	[tilespmem:$0x1FF20] =	vst v3;
	v3 =	vld [tilespmem:$0x1FF30];
	_ =	sdelay $0x4  }
0x22e: {  	vm0 =	vnez.u8 v3;
	v3 =	vld [tilespmem:$0x1FF40]  }
0x22f: {  	[tilespmem:$0x1FCD0] =	vst v19;
	v19 =	vld [tilespmem:$0x1FF50];
	_ =	sdelay $0x2  }
0x230: {  	(xrf1) =	vsort.ascd.msk.u32 $0xffff, v4, v4  }
0x231: {  	v17 =	vld [tilespmem:$0x1FC20];
	(xrf1) =	vsort.ascd.msk.u32 $0xffff, v6, v6;
	v6 =	vsel vm0, $0x1, v28;
	vm0 =	vnez.u8 v3  }
0x232: {  	(xrf1) =	vsort.ascd.msk.u32 $0xffff, v62, v62;
	v3 =	vsel vm0, $0x1, v28;
	vm0 =	vnez.u8 v19;
	v19 =	vld [tilespmem:$0x1FF60]  }
0x233: {  	(xrf1) =	vsort.ascd.msk.u32 $0xffff, v11, v11;
	v11 =	vld [tilespmem:$0x1FF70];
	_ =	sdelay $0x3  }
0x234: {  	v37 =	vadd.s32 v58, v17;
	v17 =	vld [tilespmem:$0x1FC30];
	v58 =	vsel vm0, $0x1, v28;
	vm0 =	vnez.u8 v19  }
0x235: {  	v60 =	vsel vm0, $0x1, v28;
	vm0 =	vnez.u8 v11;
	v11 =	vimm.s32 $0x0  }
0x236: {  	v11 =	vsel vm15, $0xFFFFFFFF, v11  }
0x237: {  	[tilespmem:$0x1FF80] =	vst v11;
	v11 =	vimm.s32 $0x0  }
0x238: {  	v11 =	vsel vm14, $0xFFFFFFFF, v11  }
0x239: {  	v23 =	vadd.s32 v57, v17;
	v17 =	vld [tilespmem:$0x1FC40];
	[tilespmem:$0x1FF90] =	vst v11;
	v11 =	vimm.s32 $0x0  }
0x23a: {  	v9 =	vld [tilespmem:$0x1FC00];
	v11 =	vsel vm13, $0xFFFFFFFF, v11  }
0x23b: {  	[tilespmem:$0x1FFA0] =	vst v11;
	v11 =	vimm.s32 $0x0  }
0x23c: {  	v11 =	vsel vm12, $0xFFFFFFFF, v11  }
0x23d: {  	v5 =	vperm.xlane v5, v0;
	v10 =	vperm.xlane v10, v0;
	[tilespmem:$0x1FFB0] =	vst v11;
	v11 =	vimm.s32 $0x0  }
0x23e: {  	v4 =	vperm.xlane v15, v0;
	v18 =	vadd.s32 v29, v17;
	v17 =	vld [tilespmem:$0x1FC50];
	v11 =	vsel vm10, $0xFFFFFFFF, v11  }
0x23f: {  	v15 =	vsel vm7, $0x1, v28;
	v13 =	vadd.s32 v56, v9;
	v9 =	vld [tilespmem:$0x1FC10];
	[tilespmem:$0x1FFC0] =	vst v11;
	v11 =	vimm.s32 $0x0  }
0x240: {  	v57 =	vsel vm13, $0x1, v28;
	v62 =	vsel vm15, $0x1, v28;
	v11 =	vsel vm9, $0xFFFFFFFF, v11  }
0x241: {  	(xrf1) =	vsort.ascd.msk.u32 $0xffff, v52, v52;
	v52 =	vsel vm3, $0x1, v28;
	[tilespmem:$0x1FFD0] =	vst v11;
	v11 =	vimm.s32 $0x0  }
0x242: {  	(xrf1) =	vsort.ascd.msk.u32 $0xffff, v53, v53;
	v53 =	vsel vm6, $0x1, v28;
	v59 =	vsel vm12, $0x1, v28;
	v11 =	vsel vm6, $0xFFFFFFFF, v11  }
0x243: {  	v17 =	vadd.s32 v61, v17;
	v61 =	vsel vm14, $0x1, v28;
	[tilespmem:$0x1FFE0] =	vst v11;
	v11 =	vimm.s32 $0x0  }
0x244: {  	v56 =	vsel vm10, $0x1, v28;
	v9 =	vadd.s32 v55, v9;
	v11 =	vsel vm3, $0xFFFFFFFF, v11  }
0x245: {  	vm4 =	vmmov vm8;
	vm8 =	vle.s32 v37, v16;
	[tilespmem:$0x1FF00] =	vst v2;
	v2 =	vperm.xlane v8, v0  }
0x246: {  	v8 =	vperm.xlane v7, v0;
	v7 =	vperm.xlane v54, v0;
	v54 =	vsel vm9, $0x1, v28  }
0x247: {  	v55 =	vsel vm0, $0x1, v28;
	vm13 =	vle.s32 v18, v16;
	vm12 =	vle.s32 v23, v16;
	[tilespmem:$0x1FFF0] =	vst v11;
	v11, _, _ =	vpop (xrf1)  }
0x248: {  	s13 =	simm.s32 $0x800;
	(xrf0) =	vadd.scan.msk.s32 $0xffff, v15;
	vm9 =	vle.s32 v17, v16;
	vm6 =	vle.s32 v20, v16;
	v15, _, _ =	vpop (xrf1);
	vm14 =	vgt.s32 v11, v8  }
.LBB2_2:
0x249: {  	v8 =	vsel vm14, v11, v8;
	v11, _, _ =	vpop (xrf1);
	(xrf1) =	vsort.ascd.msk.u32 $0xffff, v14, v14  }
0x24a: {  	v14, _, _ =	vpop (xrf1);
	(xrf1) =	vsort.ascd.msk.u32 $0xffff, v8, v8;
	v8 =	vld [tilespmem:$0x1FE70];
	_ =	sdelay $0x2  }
0x24b: {  	vm14 =	vgt.s32 v15, v10  }
0x24c: {  	v10 =	vsel vm14, v15, v10  }
0x24d: {  	vm0 =	vnez.u8 v8;
	v8, _, _ =	vpop (xrf1);
	(xrf1) =	vsort.ascd.msk.u32 $0xffff, v10, v10;
	v10 =	vld [tilespmem:$0x1FE10];
	_ =	sdelay $0x4  }
0x24e: {  	vm1 =	vmand vm0, vm9;
	vm0 =	vnez.u8 v10;
	v10 =	vld [tilespmem:$0x1FD30];
	_ =	sdelay $0x1  }
0x24f: {  	vm2 =	vmand vm11, vm13;
	vm13 =	vgt.s32 v11, v5  }
0x250: {  	v11 =	vsel vm13, v11, v5  }
0x251: {  	vm9 =	vgt.s32 v14, v7;
	vm0 =	vmand vm0, vm6;
	vm6 =	vgt.s32 v8, v4  }
0x252: {  	(xrf1) =	vsort.ascd.msk.u32 $0xffff, v11, v11;
	v7 =	vsel vm9, v14, v7;
	vm3 =	vnez.u8 v10;
	v10 =	vsel vm6, v8, v4;
	v8, _, _ =	vpop (xrf1)  }
0x253: {  	(xrf1) =	vsort.ascd.msk.u32 $0xffff, v7, v7;
	vm9 =	vgt.s32 v8, v2  }
0x254: {  	v7 =	vld [tilespmem:$0x1FD50];
	(xrf1) =	vsort.ascd.msk.u32 $0xffff, v10, v10;
	v2 =	vsel vm9, v8, v2  }
0x255: {  	(xrf1) =	vsort.ascd.msk.u32 $0xffff, v2, v2;
	v2 =	vld [tilespmem:$0x1FD70];
	_ =	sdelay $0x3  }
0x256: {  	vm8 =	vmand vm3, vm8;
	vm3 =	vnez.u8 v7  }
0x257: {  	vm11 =	vmand vm3, vm12;
	vm3 =	vnez.u8 v2;
	v2 =	vld [tilespmem:$0x1FD80];
	_ =	sdelay $0x3  }
0x258: {  	vm6 =	vmor vm4, vm5;
	vm4 =	vle.s32 v13, v16  }
0x259: {  	vm5 =	vle.s32 v9, v16;
	vm4 =	vmand vm3, vm4;
	vm3 =	vnez.u8 v2  }
0x25a: {  	vm13 =	vmand vm3, vm5;
	vm5 =	vle.s32 v1, v16;
	v1 =	vmov v41  }
0x25b: {  	[tilespmem:$0x1F8E0] =	vst v1;
	v1 =	vld [tilespmem:$0x1FD90];
	_ =	sdelay $0x4  }
0x25c: {  	vm3 =	vnez.u8 v1;
	v1 =	vld [tilespmem:$0x1FDB0];
	_ =	sdelay $0x3  }
0x25d: {  	vm9 =	vle.s32 v12, v16  }
0x25e: {  	vm14 =	vmand vm3, vm9;
	vm3 =	vnez.u8 v1;
	v1 =	vld [tilespmem:$0x1FDD0]  }
0x25f: {  	v5, _, _ =	vpop (xrf0)  }
0x260: {  	v4 =	vadd.s32 v5, v50  }
0x261: {  	vm12 =	vle.s32 v4, v49  }
0x262: {  	vm7 =	vmand vm7, vm12;
	vm12 =	vle.s32 v63, v16  }
0x263: {  	vm15 =	vmand vm3, vm12;
	vm3 =	vnez.u8 v1;
	v1 =	vmov v47  }
0x264: {  	[tilespmem:$0x1F8A0] =	vst v1;
	v1 =	vld [tilespmem:$0x1FA00];
	_ =	sdelay $0x4  }
0x265: {  	vm10 =	vmand vm3, vm5;
	vm3 =	vnez.u8 v1;
	v1 =	vld [tilespmem:$0x1FEE0];
	_ =	sdelay $0x4  }
0x266: {  	vm5 =	vnez.u8 v1;
	v1 =	vld [tilespmem:$0x1FBD0];
	_ =	sdelay $0x4  }
0x267: {  	vm3 =	vmor vm3, vm7;
	vm7 =	vnez.u8 v1;
	v1 =	vld [tilespmem:$0x1FEC0];
	_ =	sdelay $0x4  }
0x268: {  	vm5 =	vmor vm5, vm7;
	vm7 =	vnez.u8 v1;
	v1 =	vmov v46  }
0x269: {  	[tilespmem:$0x1F880] =	vst v1;
	v1 =	vld [tilespmem:$0x1FE90];
	_ =	sdelay $0x4  }
0x26a: {  	vm2 =	vmor vm7, vm2;
	vm7 =	vnez.u8 v1;
	v1 =	vld [tilespmem:$0x1FE30];
	_ =	sdelay $0x4  }
0x26b: {  	v2 =	vmov v44;
	vm12 =	vmor vm7, vm1;
	vm1 =	vnez.u8 v1;
	v1 =	vld [tilespmem:$0x1FE50]  }
0x26c: {  	[tilespmem:$0x1F890] =	vst v2;
	v2 =	vld [tilespmem:$0x1FDF0];
	_ =	sdelay $0x3  }
0x26d: {  	vm9 =	vmor vm1, vm0;
	vm0 =	vnez.u8 v1  }
0x26e: {  	vm7 =	vmor vm0, vm8;
	vm0 =	vnez.u8 v2;
	v2 =	vld [tilespmem:$0x1FCF0];
	_ =	sdelay $0x4  }
0x26f: {  	v4 =	vmov v43;
	vm11 =	vmor vm0, vm11;
	vm0 =	vnez.u8 v2;
	v2 =	vld [tilespmem:$0x1FD10]  }
0x270: {  	[tilespmem:$0x1F8D0] =	vst v4;
	v4 =	vld [tilespmem:$0x1FC90];
	_ =	sdelay $0x3  }
0x271: {  	vm4 =	vmor vm0, vm4;
	vm0 =	vnez.u8 v2  }
0x272: {  	vm8 =	vmor vm0, vm13;
	vm0 =	vnez.u8 v4;
	v4 =	vld [tilespmem:$0x1FCB0];
	_ =	sdelay $0x4  }
0x273: {  	vm13 =	vmor vm0, vm14;
	vm0 =	vnez.u8 v4;
	v4 =	vld [tilespmem:$0x1FCD0];
	_ =	sdelay $0x2  }
0x274: {  	v1, _, _ =	vpop (xrf1)  }
0x275: {  	v22 =	vimm.f32 $0.0e+00;
	v2, _, _ =	vpop (xrf1)  }
0x276: {  	v2 =	vperm.xlane v2, v0;
	vm1 =	vmor vm0, vm15;
	vm0 =	vnez.u8 v4;
	v4, _, _ =	vpop (xrf1)  }
0x277: {  	(xrf0) =	vadd.scan.msk.s32 $0xffff, v6;
	v6 =	vsel vm6, $0x3F800000, v22;
	v7, _, _ =	vpop (xrf1)  }
0x278: {  	[tilespmem:s9+$0x800] =	vst v6;
	v9 =	vsel vm2, $0x3F800000, v22;
	vm2 =	vlt.s32 v1, v2;
	v6 =	vperm.xlane v7, v0;
	v7, _, _ =	vpop (xrf1)  }
0x279: {  	(xrf0) =	vadd.scan.msk.s32 $0xffff, v3;
	v3 =	vsel vm2, v1, v2;
	v11 =	vsel vm2, v2, v1;
	v10, _, _ =	vpop (xrf1)  }
0x27a: {  	v7 =	vperm.xlane v7, v0;
	(xrf1) =	vsort.ascd.msk.u32 $0xffff, v3, v3;
	vm2 =	vlt.s32 v10, v6;
	v2, _, _ =	vpop (xrf1)  }
0x27b: {  	v5 =	vmov v42;
	(xrf1) =	vsort.ascd.msk.u32 $0xffff, v11, v11;
	v14 =	vsel vm2, v6, v10;
	v2 =	vperm.xlane v2, v0;
	v1, _, _ =	vpop (xrf1)  }
0x27c: {  	[tilespmem:$0x1F8C0] =	vst v5;
	v15 =	vsel vm2, v10, v6;
	vm2 =	vlt.s32 v1, v7;
	(xrf1) =	vsort.ascd.msk.u32 $0xffff, v14, v14  }
0x27d: {  	v5 =	vsel vm3, $0x3F800000, v22;
	vm3 =	vcmask $0x70C;
	v6, _, _ =	vpop (xrf1);
	v11 =	vsel vm2, v7, v1;
	(xrf1) =	vsort.ascd.msk.u32 $0xffff, v15, v15  }
0x27e: {  	v4 =	vsel vm3, $0xC0400000, v4;
	vm3 =	vlt.s32 v6, v2;
	v1 =	vsel vm2, v1, v7;
	(xrf1) =	vsort.ascd.msk.u32 $0xffff, v11, v11  }
0x27f: {  	v11 =	vsel vm3, v6, v2;
	(xrf1) =	vsort.ascd.msk.u32 $0xffff, v1, v1  }
0x280: {  	v2 =	vsel vm3, v2, v6;
	(xrf1) =	vsort.ascd.msk.u32 $0xffff, v11, v11  }
0x281: {  	(xrf1) =	vsort.ascd.msk.u32 $0xffff, v2, v2;
	v2 =	vld [tilespmem:$0x1FF30];
	_ =	sdelay $0x4  }
0x282: {  	vm3 =	vnez.u8 v2;
	v2 =	vld [tilespmem:$0x1FA20];
	_ =	sdelay $0x3  }
0x283: {  	[tilespmem:s10+$0x810] =	vst v5;
	v5 =	vld [tilespmem:$0x1FA30]  }
0x284: {  	v3, _, _ =	vpop (xrf0);
	v11 =	vsel vm1, $0x3F800000, v22;
	vm1 =	vnez.u8 v2;
	v2 =	vld [tilespmem:$0x1FF40]  }
0x285: {  	v16 =	vmov v49;
	v3 =	vadd.s32 v3, v48  }
0x286: {  	vm2 =	vle.s32 v3, v16  }
0x287: {  	vm2 =	vmand vm3, vm2  }
0x288: {  	vm0 =	vmor vm0, vm10;
	vm1 =	vmor vm1, vm2  }
0x289: {  	vm2 =	vnez.u8 v2;
	v2 =	vsel vm0, $0x3F800000, v22;
	vm0 =	vnez.u8 v5;
	v5 =	vld [tilespmem:$0x1FAB0]  }
0x28a: {  	v8 =	vsel vm5, $0x3F800000, v22  }
0x28b: {  	[tilespmem:s9+$0x840] =	vst v8;
	v7, _, _ =	vpop (xrf0);
	v3 =	vsel vm1, $0x3F800000, v22  }
0x28c: {  	v7 =	vadd.s32 v7, v45;
	[tilespmem:s10+$0x820] =	vst v3;
	v3 =	vld [tilespmem:$0x1FAD0]  }
0x28d: {  	vm3 =	vle.s32 v7, v16  }
0x28e: {  	vm2 =	vmand vm2, vm3;
	vm1 =	vnez.u8 v5  }
0x28f: {  	vm0 =	vmor vm0, vm2;
	v5 =	vimm.s32 $0x0;
	vm2 =	vmmov vm1  }
0x290: {  	v5 =	vsel vm2, $0xFFFFFFFF, v5  }
0x291: {  	[tilespmem:$0x1FC90] =	vst v5;
	v5 =	vsel vm0, $0x3F800000, v22;
	vm0 =	vnez.u8 v3  }
0x292: {  	v3 =	vimm.s32 $0x0;
	vm1 =	vmmov vm0  }
0x293: {  	v3 =	vsel vm1, $0xFFFFFFFF, v3  }
0x294: {  	[tilespmem:$0x1FCB0] =	vst v3;
	v3 =	vld [tilespmem:$0x1FB00];
	_ =	sdelay $0x4  }
0x295: {  	vm0 =	vnez.u8 v3  }
0x296: {  	v3 =	vimm.s32 $0x0;
	vm1 =	vmmov vm0  }
0x297: {  	v3 =	vsel vm1, $0xFFFFFFFF, v3  }
0x298: {  	[tilespmem:$0x1FCD0] =	vst v3;
	v3 =	vld [tilespmem:$0x1FA10];
	_ =	sdelay $0x4  }
0x299: {  	vm0 =	vnez.u8 v3  }
0x29a: {  	v3 =	vimm.s32 $0x0;
	vm1 =	vmmov vm0  }
0x29b: {  	v3 =	vsel vm1, $0xFFFFFFFF, v3  }
0x29c: {  	[tilespmem:$0x1FCF0] =	vst v3;
	v3 =	vld [tilespmem:$0x1FAA0];
	_ =	sdelay $0x4  }
0x29d: {  	vm0 =	vnez.u8 v3  }
0x29e: {  	v3 =	vimm.s32 $0x0;
	vm1 =	vmmov vm0  }
0x29f: {  	v3 =	vsel vm1, $0xFFFFFFFF, v3  }
0x2a0: {  	[tilespmem:$0x1FD10] =	vst v3;
	v3 =	vld [tilespmem:$0x1FF90];
	_ =	sdelay $0x4  }
0x2a1: {  	vm0 =	vnez.u8 v3  }
0x2a2: {  	v3 =	vimm.s32 $0x0;
	vm1 =	vmmov vm0  }
0x2a3: {  	v3 =	vsel vm1, $0xFFFFFFFF, v3  }
0x2a4: {  	[tilespmem:$0x1FD30] =	vst v3;
	v3 =	vld [tilespmem:$0x1FFA0];
	_ =	sdelay $0x4  }
0x2a5: {  	vm0 =	vnez.u8 v3  }
0x2a6: {  	v3 =	vimm.s32 $0x0;
	vm1 =	vmmov vm0  }
0x2a7: {  	v3 =	vsel vm1, $0xFFFFFFFF, v3  }
0x2a8: {  	[tilespmem:$0x1FD50] =	vst v3;
	v3 =	vld [tilespmem:$0x1FFB0];
	_ =	sdelay $0x4  }
0x2a9: {  	vm0 =	vnez.u8 v3  }
0x2aa: {  	v3 =	vimm.s32 $0x0;
	vm1 =	vmmov vm0  }
0x2ab: {  	v3 =	vsel vm1, $0xFFFFFFFF, v3  }
0x2ac: {  	[tilespmem:$0x1FD70] =	vst v3;
	v3 =	vld [tilespmem:$0x1FFC0];
	_ =	sdelay $0x4  }
0x2ad: {  	vm0 =	vnez.u8 v3  }
0x2ae: {  	[tilespmem:s10+$0x830] =	vst v5;
	v3 =	vimm.s32 $0x0;
	vm1 =	vmmov vm0  }
0x2af: {  	s14 =	sshra.s32 s13, $0x2;
	v4 =	vxor.u32 $0x80000000, v4;
	[tilespmem:s9+$0x850] =	vst v9;
	v3 =	vsel vm1, $0xFFFFFFFF, v3  }
0x2b0: {  	(xrf0) =	vmax.scan.msk.u32 $0xffff, v4;
	v4 =	vsel vm12, $0x3F800000, v22;
	[tilespmem:$0x1FD80] =	vst v3;
	v3 =	vld [tilespmem:s14+$0x0]  }
0x2b1: {  	[tilespmem:s9+$0x860] =	vst v4;
	v4 =	vld [tilespmem:$0x1FFD0];
	_ =	sdelay $0x4  }
0x2b2: {  	vm0 =	vnez.u8 v4  }
0x2b3: {  	v4 =	vimm.s32 $0x0;
	vm1 =	vmmov vm0  }
0x2b4: {  	v4 =	vsel vm1, $0xFFFFFFFF, v4  }
0x2b5: {  	[tilespmem:$0x1FD90] =	vst v4;
	v4 =	vld [tilespmem:$0x1FFE0];
	_ =	sdelay $0x4  }
0x2b6: {  	vm0 =	vnez.u8 v4  }
0x2b7: {  	v4 =	vimm.s32 $0x0;
	vm1 =	vmmov vm0  }
0x2b8: {  	v4 =	vsel vm1, $0xFFFFFFFF, v4  }
0x2b9: {  	[tilespmem:$0x1FDB0] =	vst v4;
	v4 =	vld [tilespmem:$0x1FFF0];
	_ =	sdelay $0x4  }
0x2ba: {  	vm0 =	vnez.u8 v4  }
0x2bb: {  	v6 =	vimm.s32 $0x0;
	vm1 =	vmmov vm0  }
0x2bc: {  	v5 =	vsel vm1, $0xFFFFFFFF, v6  }
0x2bd: {  	[tilespmem:$0x1FDD0] =	vst v5;
	v5 =	vld [tilespmem:$0x1FA90];
	_ =	sdelay $0x4  }
0x2be: {  	vm0 =	vnez.u8 v5  }
0x2bf: {  	v5 =	vimm.s32 $0x0;
	vm1 =	vmmov vm0  }
0x2c0: {  	v5 =	vsel vm1, $0xFFFFFFFF, v5  }
0x2c1: {  	[tilespmem:$0x1FDF0] =	vst v5;
	v5 =	vld [tilespmem:$0x1FF80];
	_ =	sdelay $0x4  }
0x2c2: {  	vm0 =	vnez.u8 v5  }
0x2c3: {  	v5 =	vimm.s32 $0x0;
	vm1 =	vmmov vm0  }
0x2c4: {  	v5 =	vsel vm1, $0xFFFFFFFF, v5  }
0x2c5: {  	[tilespmem:$0x1FE10] =	vst v5;
	v5 =	vld [tilespmem:$0x1FA70];
	_ =	sdelay $0x4  }
0x2c6: {  	vm1 =	vnez.u8 v5  }
0x2c7: {  	v8 =	vimm.s32 $0x0;
	vm0 =	vmmov vm1  }
0x2c8: {  	v7 =	vsel vm0, $0xFFFFFFFF, v8  }
0x2c9: {  	[tilespmem:$0x1FE30] =	vst v7;
	v7 =	vld [tilespmem:$0x1FA80];
	_ =	sdelay $0x4  }
0x2ca: {  	vm1 =	vnez.u8 v7  }
0x2cb: {  	v7 =	vimm.s32 $0x0;
	vm0 =	vmmov vm1  }
0x2cc: {  	v7 =	vsel vm0, $0xFFFFFFFF, v7  }
0x2cd: {  	[tilespmem:$0x1FE50] =	vst v7;
	v7 =	vld [tilespmem:$0x1FF70];
	_ =	sdelay $0x4  }
0x2ce: {  	vm0 =	vnez.u8 v7  }
0x2cf: {  	v7 =	vimm.s32 $0x0;
	vm1 =	vmmov vm0  }
0x2d0: {  	v7 =	vsel vm1, $0xFFFFFFFF, v7  }
0x2d1: {  	[tilespmem:$0x1FE70] =	vst v7;
	v7 =	vld [tilespmem:$0x1FA60];
	_ =	sdelay $0x4  }
0x2d2: {  	vm2 =	vnez.u8 v7  }
0x2d3: {  	v9 =	vimm.s32 $0x0;
	vm0 =	vmmov vm2  }
0x2d4: {  	v8 =	vsel vm0, $0xFFFFFFFF, v9  }
0x2d5: {  	[tilespmem:$0x1FE90] =	vst v8;
	v8 =	vld [tilespmem:$0x1FF50];
	_ =	sdelay $0x4  }
0x2d6: {  	vm0 =	vnez.u8 v8  }
0x2d7: {  	v8 =	vimm.s32 $0x0;
	vm1 =	vmmov vm0  }
0x2d8: {  	v8 =	vsel vm1, $0xFFFFFFFF, v8  }
0x2d9: {  	[tilespmem:$0x1F8F0] =	vst v8;
	v8 =	vld [tilespmem:$0x1FF60];
	_ =	sdelay $0x3  }
0x2da: {  	v12 =	vsel vm9, $0x3F800000, v22  }
0x2db: {  	v10 =	vsel vm11, $0x3F800000, v22;
	[tilespmem:s9+$0x870] =	vst v12;
	vm0 =	vnez.u8 v8  }
0x2dc: {  	v6 =	vld [tilespmem:s14+$0x10];
	[tilespmem:s9+$0xC10] =	vst v10;
	v10 =	vimm.s32 $0x0;
	vm1 =	vmmov vm0  }
0x2dd: {  	v9 =	vsel vm1, $0xFFFFFFFF, v10  }
0x2de: {  	[tilespmem:$0x1F860] =	vst v9;
	v9 =	vld [tilespmem:$0x1FA50];
	_ =	sdelay $0x4  }
0x2df: {  	v17, _, _ =	vpop (xrf0);
	vm3 =	vnez.u8 v9  }
0x2e0: {  	(v2sf) =	vpush v17, $0xF;
	v9 =	vimm.s32 $0x0;
	vm0 =	vmmov vm3  }
0x2e1: {  	v9 =	vsel vm0, $0xFFFFFFFF, v9  }
0x2e2: {  	[tilespmem:$0x1FEC0] =	vst v9;
	v9 =	vld [tilespmem:$0x1FA40];
	_ =	sdelay $0x3  }
0x2e3: {  	v4, _, _ =	vpop (xrf1)  }
0x2e4: {  	v13 =	vsel vm7, $0x3F800000, v22;
	v5, _, _ =	vpop (xrf1);
	vm3 =	vnez.u8 v9  }
0x2e5: {  	[tilespmem:s9+$0xC00] =	vst v13;
	v13 =	vimm.s32 $0x0;
	v7, _, _ =	vpop (xrf1);
	vm0 =	vmmov vm3  }
0x2e6: {  	v18 =	vimm.s32 $0x0;
	v8, _, _ =	vpop (xrf1);
	v13 =	vsel vm0, $0xFFFFFFFF, v13;
	vm0 =	vlt.s32 v3, $0x0  }
0x2e7: {  	v9, _, _ =	vpop (xrf1);
	v17 =	vsel vm0, $0xFFFFFFFF, v18  }
0x2e8: {  	v14 =	vsel vm4, $0x3F800000, v22;
	v7 =	vperm.xlane v7, v0;
	v10, _, _ =	vpop (xrf1)  }
0x2e9: {  	v20 =	vld [tilespmem:$0x1F9E0];
	[tilespmem:s9+$0xC20] =	vst v14;
	v10 =	vperm.xlane v10, v0;
	v12, _, _ =	vpop (xrf1)  }
0x2ea: {  	v14 =	vimm.s32 $0x0;
	vm3 =	vgt.s32 v4, v7;
	vm0 =	vlt.s32 v6, $0x0;
	[tilespmem:$0x1F830] =	vst v17;
	v17, _, _ =	vpop (xrf1)  }
0x2eb: {  	[tilespmem:$0x1FEE0] =	vst v13;
	v13 =	vsel vm0, $0xFFFFFFFF, v14;
	v14 =	vsel vm3, v4, v7;
	vm3 =	vgt.s32 v17, v10  }
0x2ec: {  	s15 =	spop (v2sf);
	v9 =	vperm.xlane v9, v0;
	v17 =	vsel vm3, v17, v10;
	v10 =	vld [tilespmem:$0x1F970]  }
0x2ed: {  	v23 =	vimm.s32 $0x0;
	s15 =	sxor.u32 $0x80000000, s15  }
0x2ee: {  	v15 =	vsel vm8, $0x3F800000, v22;
	vm7 =	vgt.s32 v12, v9;
	vm0 =	veq.s32 v20, s15  }
0x2ef: {  	[tilespmem:s9+$0xC30] =	vst v15;
	v15 =	vsel vm7, v12, v9;
	v12 =	vld [tilespmem:$0x1F990];
	v9 =	vsel vm0, $0xFFFFFFFF, v23  }
0x2f0: {  	[tilespmem:$0x1FF90] =	vst v9;
	v9 =	vld [tilespmem:$0x1F930]  }
0x2f1: {  	v8 =	vperm.xlane v8, v0;
	v7 =	vimm.s32 $0x0;
	vm12 =	vgt.s32 v10, s15  }
0x2f2: {  	v25 =	vsel vm12, $0xFFFFFFFF, v7;
	v7 =	vld [tilespmem:$0x1F950]  }
0x2f3: {  	vm4 =	vgt.s32 v5, v8  }
0x2f4: {  	v19 =	vld [tilespmem:$0x1F9D0];
	[tilespmem:$0x1F840] =	vst v13;
	v13 =	vsel vm4, v5, v8  }
0x2f5: {  	v23 =	vimm.s32 $0x0;
	vm3 =	vgt.s32 v12, s15;
	vm0 =	veq.s32 v9, s15  }
0x2f6: {  	v18 =	vld [tilespmem:$0x1F9B0];
	v23 =	vsel vm0, $0xFFFFFFFF, v23;
	vm0 =	veq.s32 v12, s15;
	v12 =	vimm.s32 $0x0  }
0x2f7: {  	v8 =	vld [tilespmem:$0x1F9A0];
	[tilespmem:$0x1FFA0] =	vst v23;
	v12 =	vsel vm0, $0xFFFFFFFF, v12;
	v23 =	vimm.s32 $0x0;
	vm0 =	veq.s32 v7, s15  }
0x2f8: {  	[tilespmem:$0x1FFB0] =	vst v12;
	v12 =	vsel vm0, $0xFFFFFFFF, v23  }
0x2f9: {  	vm0 =	veq.s32 v19, s15;
	[tilespmem:$0x1FFC0] =	vst v12;
	v12 =	vimm.s32 $0x0  }
0x2fa: {  	v12 =	vsel vm0, $0xFFFFFFFF, v12  }
0x2fb: {  	vm5 =	vgt.s32 v18, s15;
	vm0 =	veq.s32 v18, s15;
	[tilespmem:$0x1FFD0] =	vst v12;
	v12 =	vimm.s32 $0x0  }
0x2fc: {  	vm1 =	veq.s32 v8, s15;
	v18 =	vimm.s32 $0x0;
	v12 =	vsel vm0, $0xFFFFFFFF, v12  }
0x2fd: {  	[tilespmem:$0x1FFE0] =	vst v12;
	v12 =	vsel vm1, $0xFFFFFFFF, v18  }
0x2fe: {  	[tilespmem:$0x1FFF0] =	vst v12;
	v12 =	vld [tilespmem:$0x1F940]  }
0x2ff: {  	v1 =	vsel vm13, $0x3F800000, v22  }
0x300: {  	[tilespmem:s9+$0xC40] =	vst v1;
	v1 =	vld [tilespmem:$0x1F980];
	_ =	sdelay $0x2  }
0x301: {  	vm11 =	vgt.s32 v19, s15;
	v23 =	vimm.s32 $0x0;
	vm1 =	veq.s32 v12, s15  }
0x302: {  	(xrf0) =	vadd.scan.msk.s32 $0xffff, v58;
	vm6 =	veq.s32 v10, s15;
	v18 =	vimm.s32 $0x0;
	v19 =	vsel vm1, $0xFFFFFFFF, v23  }
0x303: {  	[tilespmem:$0x1FF80] =	vst v19;
	v19 =	vsel vm6, $0xFFFFFFFF, v18;
	vm6 =	veq.s32 v1, s15;
	v18 =	vimm.s32 $0x0  }
0x304: {  	[tilespmem:$0x1F820] =	vst v19;
	v18 =	vsel vm6, $0xFFFFFFFF, v18;
	vm6 =	veq.s32 v21, s15;
	v19 =	vimm.s32 $0x0  }
0x305: {  	(xrf0) =	vadd.scan.msk.s32 $0xffff, v60;
	[tilespmem:$0x1FF70] =	vst v18;
	v18 =	vsel vm6, $0xFFFFFFFF, v19  }
0x306: {  	(xrf0) =	vadd.scan.msk.s32 $0xffff, v55;
	[tilespmem:$0x1FF40] =	vst v18;
	v18 =	vimm.s32 $0x0  }
0x307: {  	(xrf0) =	vadd.scan.msk.s32 $0xffff, v62  }
0x308: {  	(xrf0) =	vadd.scan.msk.s32 $0xffff, v61;
	vm2 =	vgt.s32 v8, s15;
	vm13 =	vgt.s32 v7, s15;
	v19 =	vimm.s32 $0x0  }
0x309: {  	(xrf0) =	vadd.scan.msk.s32 $0xffff, v57;
	[tilespmem:s9+$0xC60] =	vst v2;
	v48 =	vsel vm13, $0xFFFFFFFF, v19;
	v19 =	vld [tilespmem:$0x1FB70];
	v29 =	vsel vm2, $0xFFFFFFFF, v18;
	v18 =	vmovc v31  }
0x30a: {  	v4, _, _ =	vpop (xrf0);
	(xrf0) =	vadd.scan.msk.s32 $0xffff, v59;
	[tilespmem:$0x1F940] =	vst v18;
	v18 =	vld [tilespmem:$0x1FB50]  }
0x30b: {  	v2 =	vmov v33;
	vm7 =	vgt.s32 v1, s15;
	[tilespmem:$0x1F8B0] =	vst v4;
	v24, _, _ =	vpop (xrf0);
	(xrf0) =	vadd.scan.msk.s32 $0xffff, v56  }
0x30c: {  	v4, _, _ =	vpop (xrf0);
	(xrf0) =	vadd.scan.msk.s32 $0xffff, v54;
	vm4 =	vgt.s32 v9, s15;
	v1 =	vld [tilespmem:$0x1F920];
	[tilespmem:$0x1F920] =	vst v2;
	v2 =	vimm.s32 $0x0  }
0x30d: {  	v59 =	vld [tilespmem:$0x1F910];
	v5, _, _ =	vpop (xrf0);
	(xrf0) =	vadd.scan.msk.s32 $0xffff, v53;
	v2 =	vsel vm4, $0xFFFFFFFF, v2  }
0x30e: {  	v7, _, _ =	vpop (xrf0);
	(xrf0) =	vadd.scan.msk.s32 $0xffff, v52;
	[tilespmem:$0x1FA90] =	vst v2;
	v2 =	vld [tilespmem:$0x1F900]  }
0x30f: {  	(xrf0) =	vadd.scan.msk.s32 $0xffff, v51;
	v51 =	vmpcnt.ones.xlane vm0;
	vm0 =	vgt.s32 v21, s15;
	v21 =	vmovc v19;
	v19 =	vmov v18;
	v18 =	vld [tilespmem:$0x1FB80]  }
0x310: {  	[tilespmem:$0x1F900] =	vst v19;
	v19 =	vld [tilespmem:$0x1FB90];
	_ =	sdelay $0x1  }
0x311: {  	v28 =	vld [tilespmem:$0x1F960]  }
0x312: {  	v46 =	vmpcnt.ones.xlane vm11;
	v49 =	vmpcnt.ones.xlane vm2;
	[tilespmem:$0x1FB00] =	vst v29;
	v29 =	vimm.s32 $0x0  }
0x313: {  	v33 =	vmpcnt.ones.xlane vm4;
	v23 =	vmovc v34;
	v34 =	vmpcnt.ones.xlane vm1;
	vm1 =	vgt.s32 v59, s15  }
0x314: {  	vm4 =	veq.s32 v2, s15;
	vm2 =	vgt.s32 v2, s15;
	v2 =	vmovc v18;
	v18 =	vmovc v32;
	v19 =	vmov v19  }
0x315: {  	v43 =	vmpcnt.ones.xlane vm1;
	v27 =	vsel vm11, $0xFFFFFFFF, v29;
	v29 =	vmovc v36;
	[tilespmem:$0x1F970] =	vst v19;
	v19 =	vimm.s32 $0x0  }
0x316: {  	vm11 =	veq.s32 v28, s15;
	[tilespmem:$0x1F960] =	vst v29;
	v19 =	vsel vm1, $0xFFFFFFFF, v19;
	vm1 =	vgt.s32 v28, s15;
	v28 =	vld [tilespmem:$0x1FBA0]  }
0x317: {  	v29 =	vld [tilespmem:$0x1FB60];
	[tilespmem:$0x1F980] =	vst v18;
	v18 =	vmov v39  }
0x318: {  	v50 =	vimm.s32 $0x0;
	[tilespmem:$0x1F9E0] =	vst v18;
	v18 =	vld [tilespmem:$0x1FF70]  }
0x319: {  	v30 =	vsel vm2, $0xFFFFFFFF, v50  }
0x31a: {  	[tilespmem:s9+$0xC50] =	vst v11;
	v11 =	vld [tilespmem:$0x1F9C0]  }
0x31b: {  	v37 =	vimm.s32 $0x0;
	[tilespmem:$0x1F930] =	vst v21;
	v21 =	vmov v28;
	v28 =	vimm.s32 $0x0  }
0x31c: {  	v45 =	vimm.s32 $0x0;
	v60 =	vimm.s32 $0x0;
	[tilespmem:$0x1F870] =	vst v30;
	v30 =	vmovc v29;
	v29 =	vld [tilespmem:$0x1FBB0];
	v28 =	vsel vm0, $0xFFFFFFFF, v28  }
0x31d: {  	vm14 =	vgt.s32 v20, s15;
	[tilespmem:$0x1FA30] =	vst v28;
	v28 =	vmpcnt.ones.xlane vm0;
	vm0 =	vnez.u8 v18;
	v18 =	vld [tilespmem:$0x1F820]  }
0x31e: {  	v61 =	vsel vm7, $0xFFFFFFFF, v60;
	v26 =	vsel vm5, $0xFFFFFFFF, v45;
	v20 =	vmpcnt.ones.xlane vm12  }
0x31f: {  	vm12 =	vgt.s32 v11, s15;
	vm15 =	vgt.s32 v12, s15;
	[tilespmem:$0x1F990] =	vst v21;
	v21 =	vimm.s32 $0x0  }
0x320: {  	v54 =	vsel vm15, $0xFFFFFFFF, v37;
	v37 =	vmpcnt.ones.xlane vm2;
	[tilespmem:$0x1F910] =	vst v30;
	v21 =	vsel vm1, $0xFFFFFFFF, v21  }
0x321: {  	v60 =	vmpcnt.ones.xlane vm6;
	vm10 =	vgt.s32 v1, s15;
	[tilespmem:$0x1FA20] =	vst v21;
	v21 =	vmpcnt.ones.xlane vm1  }
0x322: {  	v45 =	vadd.s32 v43, v37;
	[tilespmem:$0x1F950] =	vst v2;
	v2 =	vimm.s32 $0x0;
	v44 =	vmovc v29;
	v29 =	vmovc v35;
	vm6 =	vnez.u8 v18;
	v18 =	vld [tilespmem:$0x1FF90]  }
0x323: {  	v2 =	vsel vm10, $0xFFFFFFFF, v2;
	[tilespmem:$0x1F9B0] =	vst v29;
	v29 =	vmpcnt.ones.xlane vm12;
	v30 =	vadd.s32 v21, v45  }
0x324: {  	[tilespmem:$0x1FA50] =	vst v2;
	v2 =	vmpcnt.ones.xlane vm10;
	v28 =	vadd.s32 v28, v30  }
0x325: {  	v62 =	vmpcnt.ones.xlane vm7;
	v28 =	vadd.s32 v29, v28  }
0x326: {  	v28 =	vadd.s32 v2, v28  }
0x327: {  	[tilespmem:$0x1F850] =	vst v25;
	v25 =	vadd.s32 v62, v28;
	v28 =	vmpcnt.ones.xlane vm0;
	vm0 =	vnez.u8 v18;
	v18 =	vld [tilespmem:$0x1FFA0];
	_ =	sdelay $0x4  }
0x328: {  	vm2 =	vnez.u8 v18;
	v18 =	vld [tilespmem:$0x1FFB0];
	_ =	sdelay $0x4  }
0x329: {  	vm1 =	vnez.u8 v18;
	v18 =	vld [tilespmem:$0x1FFC0];
	_ =	sdelay $0x1  }
0x32a: {  	v47 =	vimm.s32 $0x0;
	vm8 =	veq.s32 v11, s15;
	v56 =	vimm.s32 $0x0  }
0x32b: {  	v57 =	vsel vm14, $0xFFFFFFFF, v56;
	v56 =	vimm.s32 $0x0;
	[tilespmem:$0x1FAD0] =	vst v26;
	v26 =	vsel vm3, $0xFFFFFFFF, v47  }
0x32c: {  	vm7 =	veq.s32 v59, s15;
	v47 =	vmpcnt.ones.xlane vm3;
	[tilespmem:$0x1FA10] =	vst v26;
	v26 =	vmpcnt.ones.xlane vm15  }
0x32d: {  	[tilespmem:$0x1FAA0] =	vst v48;
	v48 =	vmpcnt.ones.xlane vm7;
	v50 =	vmpcnt.ones.xlane vm4;
	vm15 =	vnez.u8 v18;
	v18 =	vld [tilespmem:$0x1FFD0]  }
0x32e: {  	[tilespmem:$0x1FA80] =	vst v57;
	v57 =	vsel vm12, $0xFFFFFFFF, v56;
	v52 =	vmpcnt.ones.xlane vm5;
	v8, _, _ =	vpop (xrf0);
	v59 =	vmpcnt.ones.xlane vm11  }
0x32f: {  	v53 =	vmpcnt.ones.xlane vm13;
	v9, _, _ =	vpop (xrf0);
	vm9 =	veq.s32 v1, s15;
	v48 =	vadd.s32 v50, v48  }
0x330: {  	[tilespmem:$0x1FA60] =	vst v61;
	v10, _, _ =	vpop (xrf0);
	v31 =	vmpcnt.ones.xlane vm14;
	v45 =	vadd.s32 v59, v48;
	v29 =	vmpcnt.ones.xlane vm8  }
0x331: {  	(xrf1) =	vsort.ascd.msk.u32 $0xffff, v14, v14;
	v12, _, _ =	vpop (xrf0);
	v61 =	vmpcnt.ones.xlane vm9;
	v37 =	vimm.s32 $0x0;
	v2 =	vadd.s32 v60, v45  }
0x332: {  	(xrf1) =	vsort.ascd.msk.u32 $0xffff, v17, v17;
	v63, _, _ =	vpop (xrf0);
	v42 =	vadd.s32 v29, v2;
	v25 =	vadd.s32 v26, v25;
	vm14 =	vnez.u8 v18;
	v18 =	vld [tilespmem:$0x1FFF0]  }
0x333: {  	[tilespmem:$0x1FA70] =	vst v54;
	v1, _, _ =	vpop (xrf0);
	v62 =	vsel vm6, $0x1, v37;
	v43 =	vadd.s32 v61, v42;
	v25 =	vadd.s32 v31, v25  }
0x334: {  	s9 =	smov.u32 s10;
	v11, _, _ =	vpop (xrf0);
	(xrf0) =	vadd.scan.msk.s32 $0xffff, v62;
	v41 =	vadd.s32 v28, v43;
	v25 =	vadd.s32 v33, v25;
	v32 =	vmpcnt.ones.xlane vm0  }
0x335: {  	s10 =	smov.u32 s11;
	s11 =	smov.u32 s12;
	s12 =	smov.u32 s14;
	v54 =	vmovc v40;
	[tilespmem:$0x1F9A0] =	vst v44;
	v44 =	vadd.s32 v34, v41;
	v25 =	vadd.s32 v47, v25;
	v34 =	vmpcnt.ones.xlane vm2  }
0x336: {  	v56 =	vld [tilespmem:s12+$0x420];
	[tilespmem:$0x1F9C0] =	vst v54;
	v25 =	vadd.s32 v53, v25;
	v47 =	vadd.s32 v32, v44;
	v35 =	vmpcnt.ones.xlane vm1  }
0x337: {  	[tilespmem:$0x1FA00] =	vst v19;
	v19 =	vmovc v38;
	v14 =	vadd.s32 v34, v47;
	v36 =	vmpcnt.ones.xlane vm15;
	vm0 =	vnez.u8 v18;
	v18 =	vld [tilespmem:$0x1F830]  }
0x338: {  	v54 =	vld [tilespmem:s12+$0x70];
	[tilespmem:$0x1F9D0] =	vst v19;
	v17 =	vadd.s32 v46, v25;
	v46 =	vadd.s32 v35, v14;
	v19 =	vmpcnt.ones.xlane vm14  }
0x339: {  	(xrf1) =	vsort.ascd.msk.u32 $0xffff, v13, v13;
	v30 =	vld [tilespmem:s12+$0x30];
	v17 =	vadd.s32 v52, v17;
	v13 =	vadd.s32 v36, v46;
	v38 =	vmpcnt.ones.xlane vm0  }
0x33a: {  	v55 =	vsub.s32 $0x80000000, v3;
	(xrf1) =	vsort.ascd.msk.u32 $0xffff, v15, v15;
	v28 =	vld [tilespmem:s12+$0x20];
	v39, _, _ =	vpop (xrf0);
	v17 =	vadd.s32 v49, v17;
	v15 =	vadd.s32 v19, v13  }
0x33b: {  	v31 =	vld [tilespmem:s12+$0x50];
	v20 =	vadd.s32 v20, v17;
	v17 =	vadd.s32 v51, v15;
	v25 =	vadd.s32 v39, v38  }
0x33c: {  	v49 =	vsub.s32 $0x1E, v20;
	v20 =	vadd.s32 v17, v25;
	vm5 =	vnez.u8 v18;
	v18 =	vld [tilespmem:$0x1F840]  }
0x33d: {  	vm13 =	vle.s32 v20, v49;
	v20 =	vld [tilespmem:s12+$0x60];
	v19 =	vsel vm5, v55, v3  }
0x33e: {  	v58 =	vsub.s32 $0x80000000, v6;
	vm3 =	vmmov vm8;
	[tilespmem:$0x1FB50] =	vst v19;
	(xrf1) =	vsort.ascd.msk.u32 $0xffff, v19, v19;
	v19 =	vld [tilespmem:$0x1F850]  }
0x33f: {  	[tilespmem:$0x1FA40] =	vst v57;
	v57 =	vsub.s32 $0x80000000, v54;
	v21 =	vsub.s32 $0x80000000, v56;
	vm10 =	vlt.s32 v30, $0x0  }
0x340: {  	v40 =	vld [tilespmem:s12+$0x410];
	v53 =	vsub.s32 $0x80000000, v30;
	vm12 =	vlt.s32 v28, $0x0;
	v52 =	vsub.s32 $0x80000000, v28  }
0x341: {  	v34 =	vsel vm10, v53, v30;
	v36 =	vsel vm12, v52, v28;
	vm5 =	vlt.s32 v31, $0x0  }
0x342: {  	v3 =	vld [tilespmem:s12+$0x430];
	vm8 =	vmand vm6, vm13;
	vm6 =	vnez.u8 v18;
	v59 =	vsub.s32 $0x80000000, v20  }
0x343: {  	v30 =	vld [tilespmem:s12+$0x470];
	v18 =	vsel vm6, v58, v6;
	v6 =	vsub.s32 $0x80000000, v31;
	vm6 =	vnez.u8 v19  }
0x344: {  	[tilespmem:$0x1FB60] =	vst v18;
	(xrf1) =	vsort.ascd.msk.u32 $0xffff, v18, v18;
	v33 =	vsel vm5, v6, v31;
	vm6 =	vmor vm6, vm8  }
0x345: {  	v6 =	vsub.s32 $0x80000000, v40;
	vm8 =	vlt.s32 v40, $0x0;
	(xrf1) =	vsort.ascd.msk.u32 $0xffff, v34, v34;
	v55 =	vsel vm6, $0x3F800000, v22  }
0x346: {  	vm5 =	vlt.s32 v54, $0x0;
	v18 =	vsel vm8, v6, v40;
	(xrf1) =	vsort.ascd.msk.u32 $0xffff, v33, v33;
	[tilespmem:s10+$0xC70] =	vst v55  }
0x347: {  	v58 =	vsub.s32 $0x80000000, v3;
	v31 =	vsel vm5, v57, v54;
	vm5 =	vlt.s32 v3, $0x0;
	(xrf1) =	vsort.ascd.msk.u32 $0xffff, v18, v18;
	v6 =	vld [tilespmem:s12+$0x460]  }
0x348: {  	v39, _, _ =	vpop (xrf1);
	v19 =	vsub.s32 $0x80000000, v30;
	[tilespmem:$0x1FB70] =	vst v18;
	v18 =	vsel vm5, v58, v3;
	(xrf1) =	vsort.ascd.msk.u32 $0xffff, v31, v31  }
0x349: {  	vm6 =	vlt.s32 v20, $0x0;
	vm8 =	vlt.s32 v56, $0x0;
	vm5 =	vlt.s32 v30, $0x0;
	v3, _, _ =	vpop (xrf1);
	(xrf1) =	vsort.ascd.msk.u32 $0xffff, v18, v18  }
0x34a: {  	[tilespmem:$0x1FB80] =	vst v18;
	v61 =	vperm.xlane v3, v0;
	v3, _, _ =	vpop (xrf1);
	v18 =	vsel vm5, v19, v30;
	(xrf1) =	vsort.ascd.msk.u32 $0xffff, v36, v36  }
0x34b: {  	v32 =	vsel vm6, v59, v20;
	v38 =	vperm.xlane v3, v0;
	[tilespmem:$0x1FB90] =	vst v18;
	(xrf1) =	vsort.ascd.msk.u32 $0xffff, v18, v18  }
0x34c: {  	v62, _, _ =	vpop (xrf1);
	v18 =	vsel vm8, v21, v56;
	(xrf1) =	vsort.ascd.msk.u32 $0xffff, v32, v32;
	vm5 =	vlt.s32 v6, $0x0;
	v20 =	vsub.s32 $0x80000000, v6  }
0x34d: {  	[tilespmem:$0x1FBA0] =	vst v18;
	(xrf1) =	vsort.ascd.msk.u32 $0xffff, v18, v18;
	v3 =	vsel vm5, v20, v6;
	vm5 =	vlt.s32 v62, v61  }
0x34e: {  	v18 =	vld [tilespmem:$0x1F860];
	[tilespmem:$0x1FBB0] =	vst v3;
	(xrf1) =	vsort.ascd.msk.u32 $0xffff, v3, v3;
	v3 =	vsel vm5, v62, v61  }
0x34f: {  	(xrf1) =	vsort.ascd.msk.u32 $0xffff, v3, v3;
	v3 =	vld [tilespmem:$0x1FF40]  }
0x350: {  	v60 =	vld [tilespmem:s12+$0x450]  }
0x351: {  	v6 =	vimm.s32 $0x0  }
0x352: {  	v6 =	vsel vm11, $0xFFFFFFFF, v6  }
0x353: {  	[tilespmem:$0x1FF30] =	vst v6;
	v6 =	vsel vm11, $0x1, v37;
	vm11 =	vnez.u8 v18;
	v18 =	vimm.s32 $0x0  }
0x354: {  	v18 =	vsel vm3, $0xFFFFFFFF, v18;
	vm8 =	vnez.u8 v3  }
0x355: {  	[tilespmem:$0x1FF50] =	vst v18;
	v18 =	vsub.s32 $0x80000000, v60;
	v3 =	vsel vm8, $0x1, v37;
	vm8 =	vlt.s32 v60, $0x0  }
0x356: {  	v35 =	vsel vm8, v18, v60;
	v18 =	vimm.s32 $0x0  }
0x357: {  	v18 =	vsel vm9, $0xFFFFFFFF, v18  }
0x358: {  	[tilespmem:$0x1FF60] =	vst v18;
	v18 =	vld [tilespmem:$0x1FF70];
	_ =	sdelay $0x2  }
0x359: {  	v25 =	vld [tilespmem:s12+$0x40]  }
0x35a: {  	v26 =	vld [tilespmem:s12+$0x440]  }
0x35b: {  	vm6 =	vlt.s32 v39, v38;
	v19 =	vsel vm5, v61, v62;
	vm5 =	vnez.u8 v18;
	v18 =	vld [tilespmem:$0x1FF80]  }
0x35c: {  	[tilespmem:$0x1FAB0] =	vst v27;
	v27 =	vsel vm6, v38, v39  }
0x35d: {  	v54 =	vld [tilespmem:s12+$0x400];
	v38 =	vsel vm6, v39, v38;
	(xrf1) =	vsort.ascd.msk.u32 $0xffff, v27, v27  }
0x35e: {  	v56, _, _ =	vpop (xrf1);
	v59 =	vsub.s32 $0x80000000, v25;
	(xrf1) =	vsort.ascd.msk.u32 $0xffff, v19, v19;
	v55 =	vsel vm5, $0x1, v37;
	vm5 =	vlt.s32 v25, $0x0  }
0x35f: {  	v62 =	vsub.s32 $0x80000000, v26;
	v61, _, _ =	vpop (xrf1);
	(xrf1) =	vsort.ascd.msk.u32 $0xffff, v35, v35;
	v40 =	vsel vm5, v59, v25;
	vm5 =	vlt.s32 v26, $0x0  }
0x360: {  	v52, _, _ =	vpop (xrf1);
	(xrf1) =	vsort.ascd.msk.u32 $0xffff, v38, v38;
	v38 =	vsel vm5, v62, v26;
	vm5 =	vnez.u8 v18;
	v18 =	vld [tilespmem:$0x1FF90];
	_ =	sdelay $0x1  }
0x361: {  	v25 =	vsub.s32 $0x80000000, v54  }
0x362: {  	vm6 =	vlt.s32 v54, $0x0;
	v51 =	vperm.xlane v61, v0;
	v26, _, _ =	vpop (xrf1)  }
0x363: {  	v52 =	vperm.xlane v52, v0;
	(xrf1) =	vsort.ascd.msk.u32 $0xffff, v40, v40;
	v39 =	vsel vm6, v25, v54;
	v27, _, _ =	vpop (xrf1)  }
0x364: {  	(xrf1) =	vsort.ascd.msk.u32 $0xffff, v38, v38;
	v21 =	vperm.xlane v26, v0;
	v25, _, _ =	vpop (xrf1);
	v62 =	vsel vm5, $0x1, v37;
	vm5 =	vnez.u8 v18  }
0x365: {  	(xrf1) =	vsort.ascd.msk.u32 $0xffff, v39, v39;
	v26, _, _ =	vpop (xrf1);
	v19 =	vperm.xlane v25, v0;
	v61 =	vsel vm5, $0x1, v37;
	vm5 =	vlt.s32 v56, v51  }
0x366: {  	v25 =	vperm.xlane v26, v0;
	v53, _, _ =	vpop (xrf1);
	v18 =	vperm.xlane v27, v0;
	v54 =	vsel vm5, v56, v51  }
0x367: {  	v29 =	vld [tilespmem:$0x1FFE0];
	v27, _, _ =	vpop (xrf1);
	v51 =	vsel vm5, v51, v56;
	vm5 =	vlt.s32 v53, v52;
	(xrf1) =	vsort.ascd.msk.u32 $0xffff, v54, v54  }
0x368: {  	v26 =	vperm.xlane v27, v0;
	v27, _, _ =	vpop (xrf1);
	v54 =	vsel vm5, v52, v53;
	(xrf1) =	vsort.ascd.msk.u32 $0xffff, v51, v51  }
0x369: {  	v28, _, _ =	vpop (xrf1);
	v51 =	vsel vm5, v53, v52;
	vm5 =	vlt.s32 v27, v19;
	(xrf1) =	vsort.ascd.msk.u32 $0xffff, v54, v54  }
0x36a: {  	vm6 =	vlt.s32 v28, v25;
	v22, _, _ =	vpop (xrf1);
	v52 =	vsel vm5, v19, v27;
	(xrf1) =	vsort.ascd.msk.u32 $0xffff, v51, v51  }
0x36b: {  	v51 =	vsel vm6, v25, v28;
	(xrf1) =	vsort.ascd.msk.u32 $0xffff, v52, v52  }
0x36c: {  	vm8 =	vnez.u8 v29;
	v29, _, _ =	vpop (xrf1);
	v30 =	vsel vm5, v27, v19;
	(xrf1) =	vsort.ascd.msk.u32 $0xffff, v51, v51  }
0x36d: {  	v27 =	vperm.xlane v29, v0;
	v29, _, _ =	vpop (xrf1);
	(xrf1) =	vsort.ascd.msk.u32 $0xffff, v30, v30;
	v30 =	vld [tilespmem:$0x1FF00]  }
0x36e: {  	v57 =	vsel vm2, $0x1, v37;
	v58 =	vsel vm3, $0x1, v37  }
0x36f: {  	v20 =	vsel vm7, $0x1, v37;
	v60 =	vsel vm9, $0x1, v37;
	v59 =	vsel vm1, $0x1, v37  }
0x370: {  	v56 =	vsel vm15, $0x1, v37;
	v53 =	vsel vm8, $0x1, v37;
	vm8 =	vlt.s32 v22, v26  }
0x371: {  	v54 =	vsel vm14, $0x1, v37;
	v25 =	vsel vm6, v28, v25;
	v19, _, _ =	vpop (xrf1);
	v52 =	vsel vm0, $0x1, v37  }
0x372: {  	v51 =	vsel vm4, $0x1, v37;
	v37 =	vsel vm8, v26, v22;
	vm0 =	vnez.u8 v30;
	v30, _, _ =	vpop (xrf1);
	(xrf1) =	vsort.ascd.msk.u32 $0xffff, v25, v25  }
0x373: {  	(xrf1) =	vsort.ascd.msk.u32 $0xffff, v37, v37;
	v37 =	vld [tilespmem:$0x1F870];
	_ =	sdelay $0x1  }
0x374: {  	v19 =	vperm.xlane v19, v0;
	vm6 =	vgt.s32 v29, v27  }
0x375: {  	v27 =	vsel vm6, v29, v27;
	v28, _, _ =	vpop (xrf1)  }
0x376: {  	v22 =	vsel vm8, v22, v26;
	v25 =	vimm.s32 $0x0;
	v26, _, _ =	vpop (xrf1);
	vm6 =	vgt.s32 v28, v19;
	(xrf1) =	vsort.ascd.msk.u32 $0xffff, v27, v27  }
0x377: {  	vm3 =	vlt.s32 v26, v21;
	v19 =	vsel vm6, v28, v19;
	vm1 =	vnez.u8 v37;
	v37, _, _ =	vpop (xrf1);
	(xrf1) =	vsort.ascd.msk.u32 $0xffff, v22, v22  }
0x378: {  	vm5 =	vmmov vm0;
	vm0 =	vmmov vm4;
	v22 =	vsel vm3, v21, v26;
	v28, _, _ =	vpop (xrf1);
	(xrf1) =	vsort.ascd.msk.u32 $0xffff, v19, v19  }
0x379: {  	v25 =	vsel vm0, $0xFFFFFFFF, v25;
	(xrf1) =	vsort.ascd.msk.u32 $0xffff, v22, v22;
	v22 =	vld [tilespmem:$0x1FB40]  }
0x37a: {  	[tilespmem:$0x1FF00] =	vst v25;
	v25 =	vperm.xlane v30, v0;
	_ =	sdelay $0x1  }
0x37b: {  	vm6 =	vlt.s32 v37, v25  }
0x37c: {  	v19 =	vsel vm6, v25, v37  }
0x37d: {  	(xrf1) =	vsort.ascd.msk.u32 $0xffff, v19, v19;
	v1 =	vadd.s32 v1, v22;
	v22 =	vmov v17;
	v17 =	vsel vm3, v26, v21  }
0x37e: {  	v21, _, _ =	vpop (xrf1);
	(xrf1) =	vsort.ascd.msk.u32 $0xffff, v17, v17;
	v17 =	vld [tilespmem:$0x1FB30];
	_ =	sdelay $0x2  }
0x37f: {  	vm3 =	vlt.s32 v28, v18  }
0x380: {  	v19 =	vsel vm3, v18, v28  }
0x381: {  	v63 =	vadd.s32 v63, v17;
	v17, _, _ =	vpop (xrf1);
	(xrf1) =	vsort.ascd.msk.u32 $0xffff, v19, v19;
	v19 =	vld [tilespmem:$0x1FB20];
	_ =	sdelay $0x1  }
0x382: {  	v13 =	vmov v13  }
0x383: {  	[tilespmem:$0x1FB20] =	vst v13;
	v13 =	vld [tilespmem:$0x1FB10]  }
0x384: {  	[tilespmem:$0x1FB40] =	vst v22;
	v22 =	vmov v15;
	v15 =	vsel vm6, v37, v25  }
0x385: {  	v12 =	vadd.s32 v12, v19;
	v19, _, _ =	vpop (xrf1);
	(xrf1) =	vsort.ascd.msk.u32 $0xffff, v15, v15;
	v15 =	vld [tilespmem:$0x1F890];
	_ =	sdelay $0x2  }
0x386: {  	v13 =	vadd.s32 v9, v13;
	v9 =	vld [tilespmem:$0x1F880];
	_ =	sdelay $0x1  }
0x387: {  	v7 =	vadd.s32 v7, v15;
	v15 =	vld [tilespmem:$0x1F8A0];
	_ =	sdelay $0x2  }
0x388: {  	v9 =	vadd.s32 v10, v9;
	v10 =	vmov v14  }
0x389: {  	v14, _, _ =	vpop (xrf1);
	[tilespmem:$0x1FB10] =	vst v10;
	v10 =	vsel vm3, v28, v18;
	v18 =	vld [tilespmem:$0x1F8B0]  }
0x38a: {  	v15 =	vadd.s32 v8, v15;
	v8, _, _ =	vpop (xrf1);
	(xrf1) =	vsort.ascd.msk.u32 $0xffff, v10, v10;
	v10 =	vld [tilespmem:$0x1FAC0]  }
0x38b: {  	vm14 =	vle.s32 v11, v16;
	v11 =	vld [tilespmem:$0x1F8D0];
	_ =	sdelay $0x1  }
0x38c: {  	v29 =	vld [tilespmem:$0x1FF20];
	_ =	sdelay $0x1  }
0x38d: {  	[tilespmem:$0x1FB30] =	vst v22;
	v22 =	vmov v2;
	v10 =	vadd.s32 v18, v10;
	v18 =	vld [tilespmem:$0x1F8C0]  }
0x38e: {  	[tilespmem:$0x1FAC0] =	vst v22;
	v22 =	vadd.s32 v4, v11;
	v11 =	vld [tilespmem:$0x1F8E0]  }
0x38f: {  	vm3 =	vle.s32 v10, v16;
	v10 =	vperm.xlane v19, v0  }
0x390: {  	vm0 =	vnez.u8 v29;
	v14 =	vperm.xlane v14, v0  }
0x391: {  	vm4 =	vmmov vm0;
	v30 =	vimm.s32 $0x0;
	vm10 =	vgt.s32 v21, v10  }
0x392: {  	v2, _, _ =	vpop (xrf1);
	v19 =	vsel vm10, v21, v10;
	vm10 =	vgt.s32 v17, v14;
	v18 =	vadd.s32 v24, v18  }
0x393: {  	vm0 =	vmmov vm1;
	v5 =	vadd.s32 v5, v11;
	v11, _, _ =	vpop (xrf1);
	v14 =	vsel vm10, v17, v14;
	v17 =	vld [tilespmem:$0x1F8F0]  }
0x394: {  	vm5 =	vmand vm5, vm14;
	v29 =	vsel vm0, $0xFFFFFFFF, v30;
	v4, _, _ =	vpop (xrf1)  }
0x395: {  	vm8 =	vle.s32 v7, v16;
	vm9 =	vle.s32 v22, v16;
	vm13 =	vle.s32 v18, v16;
	v18, _, _ =	vpop (xrf1)  }
0x396: {  	p0 =	sne.s32 s13, $0xE00;
	vm6 =	vle.s32 v5, v16;
	v5 =	vperm.xlane v8, v0;
	v8 =	vperm.xlane v11, v0;
	v11, _, _ =	vpop (xrf1)  }
.Ltmp0:
0x397: {  	vm12 =	vle.s32 v15, v16;
	v2 =	vperm.xlane v2, v0;
	v7 =	vperm.xlane v4, v0;
	v15, _, _ =	vpop (xrf1);
	(pc) =	sbr.rel @p0 .LBB2_2-.Ltmp0, $4  }
0x398: {  	(xrf0) =	vadd.scan.msk.s32 $0xffff, v20;
	v4 =	vperm.xlane v18, v0;
	v18 =	vperm.xlane v11, v0;
	vm0 =	vnez.u8 v17;
	v21, _, _ =	vpop (xrf1)  }
0x399: {  	[tilespmem:$0x1FF20] =	vst v29;
	v17 =	vimm.s32 $0x0;
	v10 =	vperm.xlane v15, v0;
	vm0 =	vmand vm0, vm3;
	v11, _, _ =	vpop (xrf1)  }
0x39a: {  	(xrf1) =	vsort.ascd.msk.u32 $0xffff, v19, v19;
	vm10 =	vlt.s32 v21, v18;
	v17 =	vsel vm0, $0xFFFFFFFF, v17;
	vm14 =	vgt.s32 v11, v8  }
0x39b: {  	s13 =	sadd.s32 $0x200, s13;
	v15, _, _ =	vpop (xrf1);
	(xrf1) =	vsort.ascd.msk.u32 $0xffff, v14, v14;
	v14 =	vsel vm10, v21, v18;
	v21 =	vmov v23;
	[tilespmem:$0x1FBD0] =	vst v17  }
0x39c: {  	_ = 	snop  }
0x39d: {  	v8 =	vsel vm14, v11, v8;
	(xrf1) =	vsort.ascd.msk.u32 $0xffff, v14, v14;
	v29, _, _ =	vpop (xrf1);
	vm3 =	vgt.s32 v15, v10  }
0x39e: {  	v10 =	vsel vm3, v15, v10;
	(xrf1) =	vsort.ascd.msk.u32 $0xffff, v8, v8;
	v30, _, _ =	vpop (xrf1);
	vm15 =	vgt.s32 v29, v5  }
0x39f: {  	v5 =	vsel vm15, v29, v5;
	(xrf1) =	vsort.ascd.msk.u32 $0xffff, v10, v10;
	v37, _, _ =	vpop (xrf1);
	vm10 =	vgt.s32 v30, v7  }
0x3a0: {  	v7 =	vsel vm10, v30, v7;
	(xrf1) =	vsort.ascd.msk.u32 $0xffff, v5, v5;
	vm14 =	vgt.s32 v37, v4  }
0x3a1: {  	v14, _, _ =	vpop (xrf1);
	v4 =	vsel vm14, v37, v4;
	(xrf1) =	vsort.ascd.msk.u32 $0xffff, v7, v7  }
0x3a2: {  	vm15 =	vgt.s32 v14, v2;
	(xrf1) =	vsort.ascd.msk.u32 $0xffff, v4, v4  }
0x3a3: {  	v2 =	vsel vm15, v14, v2  }
0x3a4: {  	(xrf1) =	vsort.ascd.msk.u32 $0xffff, v2, v2;
	_ =	sdelay $0x3  }
0x3a5: {  	v2, _, _ =	vpop (xrf1)  }
0x3a6: {  	v15, _, _ =	vpop (xrf1)  }
0x3a7: {  	v4 =	vperm.xlane v15, v0  }
0x3a8: {  	v5, _, _ =	vpop (xrf1)  }
0x3a9: {  	v17, _, _ =	vpop (xrf1);
	vm10 =	vlt.s32 v2, v4  }
0x3aa: {  	v7 =	vperm.xlane v17, v0;
	v18, _, _ =	vpop (xrf1);
	v19 =	vsel vm10, v2, v4;
	v2 =	vsel vm10, v4, v2  }
0x3ab: {  	v20, _, _ =	vpop (xrf1)  }
0x3ac: {  	v8 =	vperm.xlane v18, v0;
	(xrf1) =	vsort.ascd.msk.u32 $0xffff, v19, v19;
	v22, _, _ =	vpop (xrf1);
	vm14 =	vlt.s32 v20, v7  }
0x3ad: {  	v23 =	vsel vm14, v7, v20;
	v4 =	vsel vm14, v20, v7;
	(xrf1) =	vsort.ascd.msk.u32 $0xffff, v2, v2;
	v2, _, _ =	vpop (xrf1)  }
0x3ae: {  	v24 =	vperm.xlane v22, v0;
	(xrf1) =	vsort.ascd.msk.u32 $0xffff, v23, v23;
	vm15 =	vlt.s32 v2, v8  }
0x3af: {  	(xrf1) =	vsort.ascd.msk.u32 $0xffff, v4, v4;
	v26, _, _ =	vpop (xrf1);
	v25 =	vsel vm15, v8, v2  }
0x3b0: {  	v2 =	vsel vm15, v2, v8;
	vm10 =	vlt.s32 v26, v24;
	(xrf1) =	vsort.ascd.msk.u32 $0xffff, v25, v25  }
0x3b1: {  	(xrf1) =	vsort.ascd.msk.u32 $0xffff, v2, v2;
	v2 =	vsel vm10, v26, v24  }
0x3b2: {  	v27 =	vsel vm10, v24, v26;
	(xrf1) =	vsort.ascd.msk.u32 $0xffff, v2, v2  }
0x3b3: {  	(xrf1) =	vsort.ascd.msk.u32 $0xffff, v27, v27;
	_ =	sdelay $0x6  }
0x3b4: {  	v2, _, _ =	vpop (xrf1)  }
0x3b5: {  	v28, _, _ =	vpop (xrf1)  }
0x3b6: {  	v29, _, _ =	vpop (xrf1)  }
0x3b7: {  	v30, _, _ =	vpop (xrf1)  }
0x3b8: {  	v37, _, _ =	vpop (xrf1)  }
0x3b9: {  	v7 =	vperm.xlane v29, v0;
	v18, _, _ =	vpop (xrf1)  }
0x3ba: {  	v11 =	vperm.xlane v18, v0;
	v19, _, _ =	vpop (xrf1)  }
0x3bb: {  	v8 =	vperm.xlane v30, v0;
	vm14 =	vgt.s32 v2, v7;
	v20, _, _ =	vpop (xrf1)  }
0x3bc: {  	v2 =	vsel vm14, v2, v7;
	v22 =	vperm.xlane v37, v0;
	vm15 =	vgt.s32 v20, v11  }
0x3bd: {  	vm10 =	vgt.s32 v28, v8;
	(xrf1) =	vsort.ascd.msk.u32 $0xffff, v2, v2;
	v23 =	vsel vm15, v20, v11  }
0x3be: {  	v2 =	vsel vm10, v28, v8;
	vm14 =	vgt.s32 v19, v22;
	(xrf1) =	vsort.ascd.msk.u32 $0xffff, v23, v23  }
0x3bf: {  	v24 =	vsel vm14, v19, v22;
	(xrf1) =	vsort.ascd.msk.u32 $0xffff, v2, v2  }
0x3c0: {  	(xrf1) =	vsort.ascd.msk.u32 $0xffff, v24, v24;
	_ =	sdelay $0xa  }
0x3c1: {  	v2, _, _ =	vpop (xrf1)  }
0x3c2: {  	v25, _, _ =	vpop (xrf1)  }
0x3c3: {  	v4 =	vperm.xlane v25, v0;
	v26, _, _ =	vpop (xrf1)  }
0x3c4: {  	v7 =	vperm.xlane v26, v0;
	v27, _, _ =	vpop (xrf1)  }
0x3c5: {  	(xrf0) =	vadd.scan.msk.s32 $0xffff, v6;
	vm15 =	vlt.s32 v27, v4  }
0x3c6: {  	(xrf0) =	vadd.scan.msk.s32 $0xffff, v3;
	v3 =	vsel vm15, v27, v4;
	vm10 =	vlt.s32 v2, v7  }
0x3c7: {  	(xrf1) =	vsort.ascd.msk.u32 $0xffff, v3, v3;
	v3 =	vsel vm10, v7, v2  }
0x3c8: {  	v4 =	vsel vm15, v4, v27;
	(xrf1) =	vsort.ascd.msk.u32 $0xffff, v3, v3  }
0x3c9: {  	(xrf1) =	vsort.ascd.msk.u32 $0xffff, v4, v4  }
0x3ca: {  	v2 =	vsel vm10, v2, v7  }
0x3cb: {  	(xrf1) =	vsort.ascd.msk.u32 $0xffff, v2, v2;
	_ =	sdelay $0x2  }
0x3cc: {  	v29 =	vld [tilespmem:$0x1FE70]  }
0x3cd: {  	v30 =	vld [tilespmem:$0x1FE10]  }
0x3ce: {  	v37 =	vld [tilespmem:$0x1FD30];
	v2, _, _ =	vpop (xrf0)  }
0x3cf: {  	v8 =	vld [tilespmem:$0x1FD50];
	v2 =	vadd.s32 v2, v50  }
0x3d0: {  	vm2 =	vmand vm11, vm13;
	vm13 =	vle.s32 v2, v49;
	v2 =	vld [tilespmem:$0x1FD70];
	_ =	sdelay $0x1  }
0x3d1: {  	vm0 =	vnez.u8 v29  }
0x3d2: {  	vm1 =	vmand vm0, vm9;
	vm9 =	vnez.u8 v30;
	vm14 =	vle.s32 v13, v16;
	v10, _, _ =	vpop (xrf1)  }
0x3d3: {  	vm0 =	vmand vm9, vm6;
	vm11 =	vnez.u8 v8;
	vm10 =	vnez.u8 v37;
	v11, _, _ =	vpop (xrf1)  }
0x3d4: {  	v13 =	vld [tilespmem:$0x1FD80];
	vm6 =	vmand vm10, vm8;
	vm8 =	vmand vm11, vm12;
	vm11 =	vnez.u8 v2;
	v2, _, _ =	vpop (xrf1)  }
0x3d5: {  	v2 =	vperm.xlane v2, v0  }
0x3d6: {  	v15 =	vld [tilespmem:$0x1FD90];
	v14, _, _ =	vpop (xrf1)  }
0x3d7: {  	vm5 =	vmor vm4, vm5;
	v17 =	vld [tilespmem:$0x1FDB0];
	vm4 =	vmand vm11, vm14;
	vm11 =	vgt.s32 v14, v2  }
0x3d8: {  	v4 =	vperm.xlane v10, v0;
	v2 =	vsel vm11, v14, v2;
	vm11 =	vle.s32 v1, v16;
	v1 =	vld [tilespmem:$0x1FDD0]  }
0x3d9: {  	vm12 =	vle.s32 v9, v16;
	vm14 =	vnez.u8 v13  }
0x3da: {  	vm3 =	vmand vm7, vm13;
	vm7 =	vmand vm14, vm12;
	vm13 =	vgt.s32 v11, v4  }
0x3db: {  	vm12 =	vle.s32 v12, v16;
	v4 =	vsel vm13, v11, v4;
	vm13 =	vnez.u8 v15  }
0x3dc: {  	vm10 =	vle.s32 v63, v16;
	vm9 =	vmand vm13, vm12;
	vm12 =	vnez.u8 v17  }
0x3dd: {  	vm10 =	vmand vm12, vm10;
	vm12 =	vnez.u8 v1;
	v1 =	vld [tilespmem:$0x1FA00];
	_ =	sdelay $0x4  }
0x3de: {  	vm11 =	vmand vm12, vm11;
	vm12 =	vnez.u8 v1;
	v1 =	vld [tilespmem:$0x1FEE0];
	_ =	sdelay $0x4  }
0x3df: {  	vm3 =	vmor vm12, vm3;
	vm12 =	vnez.u8 v1;
	v1 =	vld [tilespmem:$0x1FBD0];
	_ =	sdelay $0x4  }
0x3e0: {  	vm13 =	vnez.u8 v1;
	v1 =	vld [tilespmem:$0x1FEC0];
	_ =	sdelay $0x4  }
0x3e1: {  	vm12 =	vmor vm12, vm13;
	vm13 =	vnez.u8 v1;
	v1 =	vld [tilespmem:$0x1FE90];
	_ =	sdelay $0x4  }
0x3e2: {  	vm2 =	vmor vm13, vm2;
	vm13 =	vnez.u8 v1;
	v1 =	vld [tilespmem:$0x1FE30];
	_ =	sdelay $0x4  }
0x3e3: {  	vm14 =	vnez.u8 v1;
	v1 =	vld [tilespmem:$0x1FE50];
	_ =	sdelay $0x2  }
0x3e4: {  	vm15 =	vcmask $0x70C  }
0x3e5: {  	v3 =	vsel vm15, $0xC0400000, v5  }
0x3e6: {  	v3 =	vxor.u32 $0x80000000, v3;
	vm0 =	vmor vm14, vm0;
	vm14 =	vnez.u8 v1;
	v1 =	vld [tilespmem:$0x1FDF0]  }
0x3e7: {  	(xrf0) =	vmax.scan.msk.u32 $0xffff, v3;
	_ =	sdelay $0x3  }
0x3e8: {  	v3, _, _ =	vpop (xrf0);
	vm6 =	vmor vm14, vm6;
	vm14 =	vnez.u8 v1;
	v1 =	vld [tilespmem:$0x1FCF0]  }
0x3e9: {  	v5, _, _ =	vpop (xrf0)  }
0x3ea: {  	v28, _, _ =	vpop (xrf0)  }
0x3eb: {  	(v2sf) =	vpush v28, $0xF;
	_ =	sdelay $0x1  }
0x3ec: {  	vm8 =	vmor vm14, vm8;
	vm14 =	vnez.u8 v1;
	v1 =	vld [tilespmem:$0x1FD10];
	_ =	sdelay $0x1  }
0x3ed: {  	(xrf1) =	vsort.ascd.msk.u32 $0xffff, v4, v4;
	_ =	sdelay $0x2  }
0x3ee: {  	vm14 =	vmor vm14, vm4;
	vm4 =	vnez.u8 v1;
	v1 =	vld [tilespmem:$0x1FC90];
	_ =	sdelay $0x3  }
0x3ef: {  	v11 =	vld [tilespmem:$0x1F910]  }
0x3f0: {  	(xrf0) =	vadd.scan.msk.s32 $0xffff, v58;
	vm7 =	vmor vm4, vm7;
	vm4 =	vnez.u8 v1;
	v1 =	vld [tilespmem:$0x1FCB0]  }
0x3f1: {  	v19 =	vimm.f32 $0.0e+00;
	(xrf0) =	vadd.scan.msk.s32 $0xffff, v60  }
0x3f2: {  	v30 =	vimm.s32 $0x0;
	v23 =	vimm.s32 $0x0;
	v25 =	vimm.s32 $0x0;
	(xrf0) =	vadd.scan.msk.s32 $0xffff, v55  }
0x3f3: {  	v58 =	vimm.s32 $0x0;
	v3 =	vadd.s32 v3, v48;
	v60 =	vimm.s32 $0x0;
	v10 =	vld [tilespmem:$0x1F920];
	(xrf1) =	vsort.ascd.msk.u32 $0xffff, v2, v2;
	s13 =	spop (v2sf)  }
0x3f4: {  	v5 =	vadd.s32 v5, v45;
	v28 =	vimm.s32 $0x0;
	(xrf0) =	vadd.scan.msk.s32 $0xffff, v62;
	v2 =	vsel vm5, $0x3F800000, v19;
	s13 =	sxor.u32 $0x80000000, s13  }
0x3f5: {  	(xrf0) =	vadd.scan.msk.s32 $0xffff, v61;
	vm5 =	vgt.s32 v11, s13;
	vm9 =	vmor vm4, vm9;
	vm4 =	vnez.u8 v1;
	v1 =	vld [tilespmem:$0x1FCD0]  }
0x3f6: {  	(xrf0) =	vadd.scan.msk.s32 $0xffff, v57;
	v57 =	vimm.s32 $0x0;
	v18 =	vmpcnt.ones.xlane vm5;
	v4 =	vsel vm3, $0x3F800000, v19;
	v27, _, _ =	vpop (xrf1)  }
0x3f7: {  	v14 =	vld [tilespmem:$0x1F960];
	v6 =	vperm.xlane v27, v0;
	v16 =	vsel vm12, $0x3F800000, v19;
	vm13 =	vmor vm13, vm1  }
0x3f8: {  	v15 =	vld [tilespmem:$0x1F9C0];
	v20 =	vsel vm2, $0x3F800000, v19;
	v50 =	vsel vm13, $0x3F800000, v19;
	vm13 =	vgt.s32 v10, s13  }
0x3f9: {  	v63 =	vsel vm0, $0x3F800000, v19;
	v22 =	vsel vm9, $0x3F800000, v19;
	vm9 =	vgt.s32 v21, s13  }
0x3fa: {  	v9 =	vld [tilespmem:$0x1F900];
	[tilespmem:$0x1F590] =	vst v22;
	vm1 =	vmor vm4, vm10;
	vm10 =	vnez.u8 v1;
	v1 =	vsel vm6, $0x3F800000, v19  }
0x3fb: {  	v12 =	vld [tilespmem:$0x1F940];
	v26 =	vmpcnt.ones.xlane vm9;
	vm4 =	vmor vm10, vm11;
	[tilespmem:$0x1F4E0] =	vst v1;
	v1 =	vsel vm8, $0x3F800000, v19  }
0x3fc: {  	v22 =	vld [tilespmem:$0x1FA20];
	vm8 =	vgt.s32 v14, s13;
	vm10 =	vle.s32 v3, v49;
	[tilespmem:$0x1F510] =	vst v1;
	v1 =	vsel vm14, $0x3F800000, v19  }
0x3fd: {  	v17 =	vld [tilespmem:$0x1F980];
	vm11 =	vgt.s32 v15, s13;
	v3 =	vimm.s32 $0x0;
	v7 =	vsel vm8, $0xFFFFFFFF, v23;
	[tilespmem:$0x1F530] =	vst v1  }
0x3fe: {  	v48 =	vsel vm1, $0x3F800000, v19;
	vm1 =	veq.s32 v11, s13;
	v3 =	vsel vm11, $0xFFFFFFFF, v3;
	[tilespmem:$0x1F360] =	vst v7  }
0x3ff: {  	vm14 =	vgt.s32 v9, s13;
	v1 =	vimm.s32 $0x0;
	v7 =	vsel vm9, $0xFFFFFFFF, v25;
	[tilespmem:$0x1F490] =	vst v3  }
0x400: {  	vm6 =	vgt.s32 v12, s13;
	v24 =	vmpcnt.ones.xlane vm8;
	v3 =	vld [tilespmem:$0x1FF30];
	v1 =	vsel vm14, $0xFFFFFFFF, v1;
	[tilespmem:$0x1F370] =	vst v7  }
0x401: {  	v29, _, _ =	vpop (xrf1);
	vm8 =	vnez.u8 v22;
	v7 =	vsel vm13, $0xFFFFFFFF, v28;
	[tilespmem:$0x1F3F0] =	vst v1;
	v1 =	vsel vm7, $0x3F800000, v19  }
0x402: {  	vm7 =	vlt.s32 v29, v6;
	[tilespmem:$0x1F570] =	vst v1;
	v1 =	vmpcnt.ones.xlane vm14;
	vm14 =	vgt.s32 v17, s13  }
0x403: {  	v25 =	vld [tilespmem:$0x1FF40];
	[tilespmem:$0x1F480] =	vst v7;
	v7 =	vsel vm7, v29, v6;
	v29 =	vimm.s32 $0x0;
	v8 =	vsel vm14, $0xFFFFFFFF, v30  }
0x404: {  	v37 =	vmpcnt.ones.xlane vm14;
	v30 =	vimm.s32 $0x0;
	v1 =	vadd.s32 v18, v1  }
0x405: {  	vm12 =	vnez.u8 v3;
	v3 =	vmpcnt.ones.xlane vm11;
	v18 =	vimm.s32 $0x0  }
0x406: {  	vm11 =	vle.s32 v5, v49;
	vm2 =	vmand vm12, vm10;
	v1 =	vadd.s32 v24, v1  }
0x407: {  	v13 =	vsel vm6, $0xFFFFFFFF, v18;
	vm10 =	veq.s32 v9, s13;
	v24 =	vmpcnt.ones.xlane vm1  }
0x408: {  	vm12 =	vnez.u8 v25;
	v1 =	vadd.s32 v26, v1;
	vm2 =	vmor vm8, vm2  }
0x409: {  	(xrf0) =	vadd.scan.msk.s32 $0xffff, v59;
	vm3 =	vmand vm12, vm11;
	v26 =	vimm.s32 $0x0;
	vm8 =	veq.s32 v21, s13  }
0x40a: {  	v18 =	vld [tilespmem:$0x1F9E0];
	vm11 =	veq.s32 v15, s13;
	v21, _, _ =	vpop (xrf0);
	(xrf0) =	vadd.scan.msk.s32 $0xffff, v56;
	v56 =	vimm.s32 $0x0;
	v1 =	vadd.s32 v3, v1  }
0x40b: {  	[tilespmem:$0x1F4F0] =	vst v13;
	v13 =	vld [tilespmem:$0x1F930];
	v3 =	vmpcnt.ones.xlane vm13;
	v55 =	vmpcnt.ones.xlane vm8;
	v11 =	vsel vm8, $0xFFFFFFFF, v58  }
0x40c: {  	v15 =	vld [tilespmem:$0x1F950];
	v62 =	vmpcnt.ones.xlane vm11;
	[tilespmem:$0x1F340] =	vst v11;
	v11 =	vsel vm11, $0xFFFFFFFF, v60;
	vm11 =	veq.s32 v12, s13  }
0x40d: {  	v22, _, _ =	vpop (xrf0);
	v60 =	vimm.s32 $0x0;
	v1 =	vadd.s32 v3, v1;
	v3 =	vmpcnt.ones.xlane vm6  }
0x40e: {  	v22 =	vadd.s32 v22, v42;
	[tilespmem:$0x1F2B0] =	vst v11;
	v11 =	vimm.s32 $0x0;
	v1 =	vadd.s32 v37, v1  }
0x40f: {  	vm0 =	vle.s32 v22, v49;
	vm9 =	vgt.s32 v18, s13;
	v3 =	vadd.s32 v3, v1  }
0x410: {  	v1 =	vimm.s32 $0x0;
	v23 =	vmpcnt.ones.xlane vm9;
	vm13 =	vgt.s32 v13, s13  }
0x411: {  	vm12 =	vgt.s32 v15, s13;
	v1 =	vsel vm9, $0xFFFFFFFF, v1;
	v5 =	vsel vm13, $0xFFFFFFFF, v26  }
0x412: {  	v27 =	vmpcnt.ones.xlane vm13;
	vm9 =	veq.s32 v14, s13;
	v6 =	vsel vm12, $0xFFFFFFFF, v11  }
0x413: {  	v14 =	vmpcnt.ones.xlane vm12;
	[tilespmem:$0x1F540] =	vst v1;
	v1 =	vimm.s32 $0x0;
	v3 =	vadd.s32 v23, v3;
	v23 =	vld [tilespmem:$0x1F990]  }
0x414: {  	[tilespmem:$0x1F4B0] =	vst v8;
	vm13 =	veq.s32 v10, s13;
	v26 =	vimm.s32 $0x0;
	v1 =	vsel vm10, $0xFFFFFFFF, v1  }
0x415: {  	v28 =	vmpcnt.ones.xlane vm9;
	v8 =	vsel vm9, $0xFFFFFFFF, v29;
	[tilespmem:$0x1F320] =	vst v1;
	v1 =	vmpcnt.ones.xlane vm10  }
0x416: {  	v25 =	vmpcnt.ones.xlane vm13;
	v3 =	vadd.s32 v27, v3;
	vm10 =	veq.s32 v17, s13  }
0x417: {  	v27 =	vimm.s32 $0x0;
	v29 =	vmpcnt.ones.xlane vm10;
	v45 =	vadd.s32 v1, v24  }
0x418: {  	v17 =	vld [tilespmem:$0x1F970];
	v24 =	vimm.s32 $0x0;
	vm14 =	vgt.s32 v23, s13;
	v58 =	vadd.s32 v28, v45  }
0x419: {  	v9 =	vsel vm13, $0xFFFFFFFF, v24;
	vm13 =	veq.s32 v18, s13;
	v24 =	vimm.s32 $0x0  }
0x41a: {  	[tilespmem:$0x1F330] =	vst v8;
	v8 =	vsel vm14, $0xFFFFFFFF, v30;
	v37 =	vmpcnt.ones.xlane vm14;
	v30 =	vimm.s32 $0x0  }
0x41b: {  	(xrf0) =	vadd.scan.msk.s32 $0xffff, v54;
	v12 =	vsel vm13, $0xFFFFFFFF, v60;
	v61 =	vmpcnt.ones.xlane vm13;
	v60 =	vimm.s32 $0x0  }
0x41c: {  	[tilespmem:$0x1F5D0] =	vst v8;
	v8 =	vadd.s32 v55, v58;
	v55 =	vld [tilespmem:$0x1F9D0];
	v11 =	vsel vm11, $0xFFFFFFFF, v30;
	v30 =	vimm.s32 $0x0  }
0x41d: {  	[tilespmem:$0x1F5E0] =	vst v6;
	vm6 =	vgt.s32 v17, s13;
	v3 =	vadd.s32 v37, v3;
	v6 =	vadd.s32 v62, v8  }
0x41e: {  	[tilespmem:$0x1F5A0] =	vst v5;
	v37 =	vmpcnt.ones.xlane vm11;
	v62 =	vld [tilespmem:$0x1F9A0];
	vm11 =	veq.s32 v23, s13;
	v5 =	vadd.s32 v14, v3  }
0x41f: {  	[tilespmem:$0x1F2C0] =	vst v9;
	v9 =	vadd.s32 v25, v6;
	v3 =	vsel vm4, $0x3F800000, v19;
	vm4 =	veq.s32 v17, s13  }
0x420: {  	v25, _, _ =	vpop (xrf0);
	(xrf0) =	vadd.scan.msk.s32 $0xffff, v53;
	v53 =	vimm.s32 $0x0;
	v14 =	vadd.s32 v29, v9;
	v59 =	vsel vm4, $0x1, v57  }
0x421: {  	(xrf1) =	vsort.ascd.msk.u32 $0xffff, v7, v7;
	v25 =	vadd.s32 v25, v43;
	v7 =	vadd.s32 v37, v14;
	vm14 =	vgt.s32 v55, s13  }
0x422: {  	v37 =	vld [tilespmem:$0x1F9B0];
	vm13 =	veq.s32 v55, s13;
	v10 =	vsel vm14, $0xFFFFFFFF, v26;
	v28 =	vmpcnt.ones.xlane vm14  }
0x423: {  	v26, _, _ =	vpop (xrf0);
	(xrf0) =	vadd.scan.msk.s32 $0xffff, v52;
	vm14 =	vgt.s32 v62, s13;
	[tilespmem:$0x1F600] =	vst v10;
	v10 =	vsel vm10, $0xFFFFFFFF, v27  }
0x424: {  	v27, _, _ =	vpop (xrf0);
	(xrf0) =	vadd.scan.msk.s32 $0xffff, v51;
	v24 =	vsel vm14, $0xFFFFFFFF, v24;
	vm10 =	veq.s32 v13, s13;
	v51 =	vmpcnt.ones.xlane vm14  }
0x425: {  	vm14 =	veq.s32 v62, s13;
	v62 =	vmpcnt.ones.xlane vm13;
	v26 =	vadd.s32 v26, v41  }
0x426: {  	v5 =	vadd.s32 v28, v5;
	v13 =	vsel vm10, $0xFFFFFFFF, v30;
	v52 =	vmpcnt.ones.xlane vm10  }
0x427: {  	[tilespmem:$0x1F640] =	vst v24;
	v24 =	vadd.s32 v61, v7;
	v61 =	vimm.s32 $0x0;
	vm12 =	vgt.s32 v37, s13  }
0x428: {  	[tilespmem:$0x1F2D0] =	vst v10;
	vm10 =	veq.s32 v37, s13;
	v37 =	vimm.s32 $0x0;
	v10 =	vsel vm12, $0xFFFFFFFF, v53  }
0x429: {  	[tilespmem:$0x1F2F0] =	vst v12;
	v54 =	vmpcnt.ones.xlane vm12;
	v28, _, _ =	vpop (xrf0);
	v53 =	vimm.s32 $0x0;
	v12 =	vadd.s32 v52, v24  }
0x42a: {  	(xrf0) =	vadd.scan.msk.s32 $0xffff, v59;
	vm12 =	veq.s32 v15, s13;
	v15 =	vsel vm13, $0xFFFFFFFF, v60;
	v18 =	vsel vm10, $0xFFFFFFFF, v37;
	v29, _, _ =	vpop (xrf0)  }
0x42b: {  	[tilespmem:$0x1F2E0] =	vst v11;
	v55 =	vmpcnt.ones.xlane vm10;
	v5 =	vadd.s32 v54, v5;
	v30, _, _ =	vpop (xrf0);
	v54 =	vmpcnt.ones.xlane vm11  }
0x42c: {  	[tilespmem:$0x1F620] =	vst v10;
	v10 =	vmpcnt.ones.xlane vm6;
	v59 =	vmpcnt.ones.xlane vm12;
	v5 =	vadd.s32 v51, v5;
	v51, _, _ =	vpop (xrf0)  }
0x42d: {  	[tilespmem:$0x1F300] =	vst v13;
	v60 =	vsel vm9, $0x1, v57;
	v23 =	vsel vm11, $0xFFFFFFFF, v53;
	v13 =	vadd.s32 v54, v12;
	v52, _, _ =	vpop (xrf0)  }
0x42e: {  	[tilespmem:$0x1F440] =	vst v15;
	v5 =	vadd.s32 v10, v5;
	v53, _, _ =	vpop (xrf0);
	v10 =	vadd.s32 v59, v13;
	v59 =	vsel vm1, $0x1, v57  }
0x42f: {  	v37 =	vld [tilespmem:$0x1FF50];
	v15 =	vsel vm14, $0xFFFFFFFF, v61;
	[tilespmem:$0x1F310] =	vst v23;
	v23 =	vmpcnt.ones.xlane vm14;
	v54, _, _ =	vpop (xrf0);
	(xrf0) =	vadd.scan.msk.s32 $0xffff, v59  }
0x430: {  	v11 =	vsel vm12, $0xFFFFFFFF, v56;
	[tilespmem:$0x1F460] =	vst v15;
	v15 =	vadd.s32 v62, v10;
	v56, _, _ =	vpop (xrf0);
	(xrf0) =	vadd.scan.msk.s32 $0xffff, v60;
	v60 =	vld [tilespmem:$0x1FA30]  }
0x431: {  	v61, _, _ =	vpop (xrf1);
	v59 =	vsel vm8, $0x1, v57;
	v17 =	vadd.s32 v56, v23;
	v23 =	vadd.s32 v55, v15;
	v55 =	vld [tilespmem:$0x1FF00]  }
0x432: {  	[tilespmem:$0x1F450] =	vst v18;
	v18 =	vsel vm2, $0x3F800000, v19;
	v56 =	vsel vm15, $0xC0400000, v61;
	(xrf0) =	vadd.scan.msk.s32 $0xffff, v59;
	v59 =	vld [tilespmem:$0x1FF60]  }
0x433: {  	[tilespmem:$0x1F430] =	vst v11;
	v11 =	vsub.s32 $0x1E, v5;
	v62 =	vadd.s32 v23, v17;
	v61 =	vxor.u32 $0x80000000, v56;
	v56 =	vld [tilespmem:$0x1FF70]  }
0x434: {  	vm14 =	vnez.u8 v37;
	vm10 =	vle.s32 v54, v49;
	vm12 =	vle.s32 v62, v11;
	v62 =	vld [tilespmem:$0x1FAC0]  }
0x435: {  	vm15 =	vmmov vm14;
	vm13 =	vmand vm4, vm12;
	vm11 =	vnez.u8 v60  }
0x436: {  	v37 =	vld [tilespmem:$0x1FF90];
	vm2 =	vmor vm6, vm13;
	v54, _, _ =	vpop (xrf0);
	v60 =	vadd.s32 v27, v44;
	vm3 =	vmor vm11, vm3  }
0x437: {  	vm8 =	vnez.u8 v55;
	vm14 =	vnez.u8 v59;
	v1 =	vadd.s32 v54, v1  }
0x438: {  	v41 =	vld [tilespmem:$0x1FFA0];
	v17 =	vsel vm3, $0x3F800000, v19;
	vm9 =	vmmov vm8;
	vm12 =	vnez.u8 v56  }
0x439: {  	v42 =	vld [tilespmem:$0x1FF80];
	v5 =	vadd.s32 v21, v62;
	vm13 =	vmmov vm12;
	vm12 =	vle.s32 v25, v49  }
0x43a: {  	v62 =	vadd.s32 v28, v47;
	vm11 =	vle.s32 v5, v49;
	v5 =	vsel vm2, $0x3F800000, v19  }
0x43b: {  	v47 =	vld [tilespmem:$0x1FF20];
	vm2 =	vmand vm9, vm10;
	vm4 =	vmand vm13, vm12;
	vm13 =	vnez.u8 v37  }
0x43c: {  	vm9 =	vle.s32 v26, v49;
	vm12 =	vle.s32 v1, v11;
	v1 =	vld [tilespmem:$0x1FB20];
	vm3 =	vmand vm15, vm11  }
0x43d: {  	vm15 =	vmmov vm14;
	vm7 =	vmmov vm13;
	vm14 =	vnez.u8 v41  }
0x43e: {  	vm11 =	vle.s32 v60, v49;
	vm6 =	vmand vm15, vm0;
	vm15 =	vnez.u8 v42  }
0x43f: {  	v43 =	vld [tilespmem:$0x1FB10];
	vm10 =	vmmov vm14;
	vm0 =	vle.s32 v62, v49;
	vm8 =	vmmov vm15  }
0x440: {  	v44 =	vld [tilespmem:$0x1FFB0];
	vm8 =	vmand vm8, vm9;
	vm9 =	vmand vm7, vm11;
	vm15 =	vnez.u8 v47  }
0x441: {  	v56 =	vld [tilespmem:$0x1FFD0];
	vm7 =	vmand vm10, vm0;
	vm0 =	vmmov vm15;
	v1 =	vadd.s32 v51, v1  }
0x442: {  	vm2 =	vmor vm0, vm2;
	vm0 =	vle.s32 v1, v49;
	v1 =	vld [tilespmem:$0x1FB30];
	_ =	sdelay $0x2  }
0x443: {  	v22 =	vadd.s32 v29, v43;
	vm14 =	vnez.u8 v44  }
0x444: {  	v54 =	vld [tilespmem:$0x1FFC0];
	vm13 =	vle.s32 v22, v49;
	vm10 =	vmmov vm14;
	vm15 =	vnez.u8 v56  }
0x445: {  	v60 =	vld [tilespmem:$0x1FFE0];
	vm11 =	vmand vm10, vm13;
	vm10 =	vmmov vm15;
	v1 =	vadd.s32 v52, v1  }
0x446: {  	vm10 =	vmand vm10, vm0;
	vm0 =	vle.s32 v1, v49;
	v1 =	vld [tilespmem:$0x1FFF0];
	_ =	sdelay $0x2  }
0x447: {  	vm12 =	vmand vm1, vm12;
	vm14 =	vnez.u8 v54;
	v51 =	vadd.s32 v30, v46  }
0x448: {  	vm1 =	vmmov vm14;
	vm13 =	vle.s32 v51, v49;
	vm15 =	vnez.u8 v60  }
0x449: {  	vm13 =	vmand vm1, vm13;
	vm1 =	vmmov vm15;
	vm15 =	vnez.u8 v1;
	v1 =	vld [tilespmem:$0x1FA50];
	_ =	sdelay $0x2  }
0x44a: {  	v59 =	vld [tilespmem:$0x1FB40];
	_ =	sdelay $0x1  }
0x44b: {  	vm14 =	vmand vm1, vm0;
	vm1 =	vmmov vm15;
	vm15 =	vnez.u8 v1;
	v1 =	vld [tilespmem:$0x1FA40];
	_ =	sdelay $0x2  }
0x44c: {  	v22 =	vadd.s32 v53, v59  }
0x44d: {  	vm0 =	vle.s32 v22, v49  }
0x44e: {  	vm1 =	vmand vm1, vm0;
	vm0 =	vnez.u8 v1  }
0x44f: {  	vm0 =	vmmov vm0  }
0x450: {  	v1 =	vimm.s32 $0x0;
	vm0 =	vmor vm0, vm3  }
0x451: {  	vm15 =	vmmov vm15;
	v1 =	vsel vm0, $0xFFFFFFFF, v1  }
0x452: {  	vm15 =	vmor vm15, vm6;
	[tilespmem:$0x1F350] =	vst v1;
	v1 =	vimm.s32 $0x0  }
0x453: {  	v1 =	vsel vm15, $0xFFFFFFFF, v1  }
0x454: {  	[tilespmem:$0x1F380] =	vst v1;
	v1 =	vld [tilespmem:$0x1FA70];
	_ =	sdelay $0x4  }
0x455: {  	vm6 =	vnez.u8 v1;
	v1 =	vld [tilespmem:$0x1FA80];
	_ =	sdelay $0x4  }
0x456: {  	vm5 =	vmor vm5, vm12;
	vm12 =	vnez.u8 v1;
	v1 =	vld [tilespmem:$0x1FA60];
	_ =	sdelay $0x4  }
0x457: {  	vm15 =	vnez.u8 v1  }
0x458: {  	vm0 =	vmmov vm6;
	vm6 =	vmmov vm15  }
0x459: {  	(xrf0) =	vmax.scan.msk.u32 $0xffff, v61;
	v1 =	vimm.s32 $0x0;
	vm4 =	vmor vm6, vm4  }
0x45a: {  	v1 =	vsel vm4, $0xFFFFFFFF, v1  }
0x45b: {  	vm0 =	vmor vm0, vm8;
	[tilespmem:$0x1F390] =	vst v1;
	v1 =	vimm.s32 $0x0  }
0x45c: {  	vm3 =	vmmov vm12;
	v1 =	vsel vm0, $0xFFFFFFFF, v1  }
0x45d: {  	v55, _, _ =	vpop (xrf0);
	vm4 =	vmor vm3, vm9;
	[tilespmem:$0x1F3A0] =	vst v1;
	v1 =	vimm.s32 $0x0  }
0x45e: {  	v21, _, _ =	vpop (xrf0);
	v1 =	vsel vm4, $0xFFFFFFFF, v1  }
0x45f: {  	v61, _, _ =	vpop (xrf0);
	[tilespmem:$0x1F3B0] =	vst v1;
	v1 =	vld [tilespmem:$0x1FA10]  }
0x460: {  	(v2sf) =	vpush v61, $0xF;
	_ =	sdelay $0x3  }
0x461: {  	vm6 =	vnez.u8 v1;
	v1 =	vld [tilespmem:$0x1FAA0];
	_ =	sdelay $0x4  }
0x462: {  	vm8 =	vnez.u8 v1;
	v1 =	vld [tilespmem:$0x1FA90];
	_ =	sdelay $0x1  }
0x463: {  	v29 =	vimm.s32 $0x0  }
0x464: {  	v37 =	vimm.s32 $0x0;
	v21 =	vadd.s32 v21, v58;
	v61 =	vld [tilespmem:$0x1FB50];
	v41 =	vimm.s32 $0x0  }
0x465: {  	v44 =	vimm.s32 $0x0;
	v53 =	vimm.s32 $0x0;
	v59 =	vimm.s32 $0x0  }
0x466: {  	v42 =	vld [tilespmem:$0x1FAD0];
	v54 =	vimm.s32 $0x0;
	v46 =	vimm.s32 $0x0;
	vm9 =	vnez.u8 v1  }
0x467: {  	v26 =	vld [tilespmem:$0x1FB60];
	v30 =	vimm.s32 $0x0;
	v60 =	vimm.s32 $0x0;
	s31 =	spop (v2sf);
	vm4 =	vmmov vm9  }
0x468: {  	v49 =	vimm.s32 $0x0;
	s13 =	sxor.u32 $0x80000000, s31;
	v1 =	vimm.s32 $0x0;
	vm4 =	vmor vm4, vm7  }
0x469: {  	vm15 =	vgt.s32 v61, s13;
	vm0 =	vmmov vm6;
	v1 =	vsel vm4, $0xFFFFFFFF, v1  }
0x46a: {  	vm6 =	vgt.s32 v32, s13;
	vm0 =	vmor vm0, vm11;
	[tilespmem:$0x1F3C0] =	vst v1;
	v1 =	vimm.s32 $0x0  }
0x46b: {  	vm11 =	vnez.u8 v42;
	vm3 =	vmmov vm8;
	v1 =	vsel vm0, $0xFFFFFFFF, v1  }
0x46c: {  	vm8 =	vgt.s32 v26, s13;
	vm12 =	vmor vm3, vm13;
	[tilespmem:$0x1F3D0] =	vst v1;
	v1 =	vimm.s32 $0x0  }
0x46d: {  	v62 =	vmpcnt.ones.xlane vm8;
	vm9 =	vgt.s32 v36, s13;
	v1 =	vsel vm12, $0xFFFFFFFF, v1  }
0x46e: {  	v25 =	vsel vm9, $0xFFFFFFFF, v37;
	v43 =	vmpcnt.ones.xlane vm9;
	vm7 =	veq.s32 v61, s13;
	[tilespmem:$0x1F3E0] =	vst v1;
	v1 =	vld [tilespmem:$0x1FAB0]  }
0x46f: {  	v61 =	vmpcnt.ones.xlane vm6;
	vm9 =	veq.s32 v36, s13;
	vm12 =	vgt.s32 v34, s13  }
0x470: {  	v37 =	vmpcnt.ones.xlane vm9;
	vm4 =	veq.s32 v32, s13;
	v22 =	vsel vm12, $0xFFFFFFFF, v46  }
0x471: {  	v47 =	vmpcnt.ones.xlane vm12;
	v46 =	vmpcnt.ones.xlane vm7;
	vm12 =	veq.s32 v26, s13  }
0x472: {  	[tilespmem:$0x1F6A0] =	vst v22;
	v22 =	vsel vm6, $0xFFFFFFFF, v59;
	v59 =	vimm.s32 $0x0;
	vm6 =	veq.s32 v31, s13  }
0x473: {  	[tilespmem:$0x1F790] =	vst v22;
	v22 =	vsel vm7, $0xFFFFFFFF, v60;
	vm13 =	vnez.u8 v1;
	v1 =	vimm.s32 $0x0  }
0x474: {  	v51 =	vld [tilespmem:$0x1FB00];
	v60 =	vimm.s32 $0x0;
	vm0 =	vmmov vm13;
	v1 =	vsel vm15, $0xFFFFFFFF, v1  }
0x475: {  	vm13 =	vgt.s32 v40, s13;
	[tilespmem:$0x1F6C0] =	vst v1;
	v1 =	vimm.s32 $0x0;
	vm0 =	vmor vm0, vm10  }
0x476: {  	v52 =	vmpcnt.ones.xlane vm13;
	vm10 =	veq.s32 v34, s13;
	v1 =	vsel vm8, $0xFFFFFFFF, v1  }
0x477: {  	[tilespmem:$0x1F670] =	vst v25;
	v25 =	vsel vm0, $0xFFFFFFFF, v41;
	vm0 =	vmmov vm11;
	vm8 =	vgt.s32 v31, s13  }
0x478: {  	vm11 =	vgt.s32 v39, s13;
	[tilespmem:$0x1F470] =	vst v1;
	v1 =	vmpcnt.ones.xlane vm15;
	vm0 =	vmor vm0, vm14  }
0x479: {  	[tilespmem:$0x1F400] =	vst v25;
	v25 =	vsel vm13, $0xFFFFFFFF, v49;
	vm14 =	vnez.u8 v51;
	vm15 =	vgt.s32 v33, s13  }
0x47a: {  	v26 =	vsel vm8, $0xFFFFFFFF, v29;
	v36 =	vmpcnt.ones.xlane vm8;
	v49 =	vmpcnt.ones.xlane vm10  }
0x47b: {  	v51 =	vimm.s32 $0x0;
	vm13 =	veq.s32 v40, s13;
	v40 =	vimm.s32 $0x0  }
0x47c: {  	v28 =	vsel vm0, $0xFFFFFFFF, v44;
	[tilespmem:$0x1F770] =	vst v25;
	vm0 =	vmmov vm14;
	v56 =	vmpcnt.ones.xlane vm15  }
0x47d: {  	v44 =	vsel vm2, $0x3F800000, v19;
	[tilespmem:$0x1F7A0] =	vst v26;
	v26 =	vsel vm9, $0xFFFFFFFF, v30;
	v25 =	vadd.s32 v55, v45  }
0x47e: {  	[tilespmem:$0x1F610] =	vst v22;
	v22 =	vsel vm11, $0xFFFFFFFF, v51;
	vm14 =	veq.s32 v33, s13;
	v55 =	vimm.s32 $0x0  }
0x47f: {  	v51 =	vmpcnt.ones.xlane vm6;
	[tilespmem:$0x1F410] =	vst v28;
	v1 =	vadd.s32 v62, v1;
	v28 =	vsel vm15, $0xFFFFFFFF, v53  }
0x480: {  	v32 =	vld [tilespmem:$0x1F2D0];
	vm0 =	vmor vm0, vm1;
	v62 =	vmpcnt.ones.xlane vm12;
	v53 =	vmpcnt.ones.xlane vm11  }
0x481: {  	v30 =	vld [tilespmem:$0x1F2C0];
	v27 =	vsel vm14, $0xFFFFFFFF, v55;
	v1 =	vadd.s32 v43, v1;
	[tilespmem:$0x1F780] =	vst v28;
	v28 =	vsel vm0, $0xFFFFFFFF, v54  }
0x482: {  	v45 =	vld [tilespmem:$0x1F2F0];
	v43 =	vsel vm5, $0x3F800000, v19;
	v54 =	vmpcnt.ones.xlane vm13;
	v1 =	vadd.s32 v47, v1  }
0x483: {  	v55 =	vld [tilespmem:$0x1FB80];
	v47 =	vimm.s32 $0x0;
	v42 =	vadd.s32 v46, v62;
	v62 =	vmpcnt.ones.xlane vm4  }
0x484: {  	[tilespmem:$0x1F420] =	vst v28;
	v1 =	vadd.s32 v52, v1;
	v28 =	vsel vm10, $0xFFFFFFFF, v47;
	v41 =	vadd.s32 v37, v42;
	v37 =	vld [tilespmem:$0x1FB70]  }
0x485: {  	[tilespmem:$0x1F7B0] =	vst v22;
	v52 =	vimm.s32 $0x0;
	vm10 =	vnez.u8 v32;
	v32 =	vld [tilespmem:$0x1FBA0];
	v1 =	vadd.s32 v56, v1  }
0x486: {  	[tilespmem:$0x1F4C0] =	vst v28;
	v34 =	vadd.s32 v49, v41;
	v22 =	vsel vm13, $0xFFFFFFFF, v52;
	v56 =	vmpcnt.ones.xlane vm14;
	v28 =	vld [tilespmem:$0x1F2B0]  }
0x487: {  	vm8 =	vnez.u8 v30;
	vm14 =	vnez.u8 v45;
	v1 =	vadd.s32 v61, v1  }
0x488: {  	v49 =	vimm.s32 $0x0;
	v45 =	vld [tilespmem:$0x1F440];
	v52 =	vimm.s32 $0x0;
	v1 =	vadd.s32 v36, v1  }
0x489: {  	[tilespmem:$0x1F4A0] =	vst v26;
	v30 =	vsel vm6, $0xFFFFFFFF, v49;
	vm7 =	vgt.s32 v55, s13;
	v1 =	vadd.s32 v53, v1  }
0x48a: {  	[tilespmem:$0x1F500] =	vst v27;
	v36 =	vld [tilespmem:$0x1F2E0];
	v53 =	vimm.s32 $0x0;
	vm15 =	vgt.s32 v37, s13;
	vm5 =	vgt.s32 v32, s13  }
0x48b: {  	[tilespmem:$0x1F4D0] =	vst v22;
	v27 =	vsel vm15, $0xFFFFFFFF, v59;
	v61 =	vmpcnt.ones.xlane vm15;
	vm9 =	vnez.u8 v28  }
0x48c: {  	[tilespmem:$0x1F550] =	vst v30;
	v28 =	vsel vm5, $0xFFFFFFFF, v40;
	v47 =	vmpcnt.ones.xlane vm5;
	v59 =	vimm.s32 $0x0  }
0x48d: {  	v49 =	vld [tilespmem:$0x1F460];
	vm6 =	vnez.u8 v45;
	[tilespmem:$0x1F7C0] =	vst v27;
	v27 =	vsel vm4, $0xFFFFFFFF, v60;
	v22 =	vsel vm9, $0x1, v57  }
0x48e: {  	v40 =	vld [tilespmem:$0x1F430];
	vm4 =	veq.s32 v39, s13;
	[tilespmem:$0x1F520] =	vst v27;
	v27 =	vadd.s32 v54, v34;
	v1 =	vadd.s32 v61, v1  }
0x48f: {  	v60 =	vld [tilespmem:$0x1F300];
	(xrf0) =	vadd.scan.msk.s32 $0xffff, v22;
	v22 =	vsel vm8, $0x1, v57;
	vm11 =	vnez.u8 v36;
	v61 =	vmpcnt.ones.xlane vm7  }
0x490: {  	v39 =	vld [tilespmem:$0x1F310];
	v54 =	vimm.s32 $0x0;
	v29 =	vadd.s32 v56, v27;
	(xrf0) =	vadd.scan.msk.s32 $0xffff, v22;
	v22 =	vsel vm10, $0x1, v57  }
0x491: {  	[tilespmem:$0x1F7D0] =	vst v28;
	v26 =	vsel vm11, $0x1, v57;
	v56 =	vimm.s32 $0x0;
	v1 =	vadd.s32 v47, v1  }
0x492: {  	v33 =	vadd.s32 v62, v29;
	(xrf0) =	vadd.scan.msk.s32 $0xffff, v22;
	v22 =	vsel vm14, $0x1, v57;
	v30 =	vsel vm7, $0xFFFFFFFF, v56  }
0x493: {  	v47 =	vld [tilespmem:$0x1F450];
	v62 =	vmpcnt.ones.xlane vm4;
	v1 =	vadd.s32 v61, v1;
	[tilespmem:$0x1F7E0] =	vst v30;
	v30 =	vsel vm4, $0xFFFFFFFF, v59  }
0x494: {  	(xrf0) =	vadd.scan.msk.s32 $0xffff, v26;
	v31 =	vadd.s32 v51, v33;
	vm5 =	vnez.u8 v40;
	vm4 =	vnez.u8 v49  }
0x495: {  	v51 =	vld [tilespmem:$0x1F320];
	v59 =	vimm.s32 $0x0;
	[tilespmem:$0x1F580] =	vst v30;
	vm13 =	vnez.u8 v60;
	vm15 =	vnez.u8 v39  }
0x496: {  	(xrf0) =	vadd.scan.msk.s32 $0xffff, v22;
	v28 =	vsel vm4, $0x1, v57;
	vm4 =	veq.s32 v37, s13;
	v60 =	vld [tilespmem:$0x1FB90];
	v22 =	vsel vm13, $0x1, v57  }
0x497: {  	v36 =	vadd.s32 v62, v31;
	v39 =	vld [tilespmem:$0x1FBB0];
	v37 =	vsel vm4, $0xFFFFFFFF, v54;
	(xrf0) =	vadd.scan.msk.s32 $0xffff, v22;
	v22 =	vsel vm15, $0x1, v57  }
0x498: {  	v56 =	vmpcnt.ones.xlane vm4;
	vm7 =	vnez.u8 v47;
	(xrf0) =	vadd.scan.msk.s32 $0xffff, v22;
	v22 =	vsel vm5, $0x1, v57  }
0x499: {  	v54 =	vld [tilespmem:$0x1F330];
	v40, _, _ =	vpop (xrf0);
	v26 =	vsel vm7, $0x1, v57;
	vm5 =	vgt.s32 v38, s13;
	(xrf0) =	vadd.scan.msk.s32 $0xffff, v22;
	v22 =	vsel vm6, $0x1, v57  }
0x49a: {  	v45, _, _ =	vpop (xrf0);
	vm7 =	vnez.u8 v51;
	v30 =	vsel vm5, $0xFFFFFFFF, v52;
	vm6 =	vgt.s32 v35, s13;
	(xrf0) =	vadd.scan.msk.s32 $0xffff, v22  }
0x49b: {  	v22 =	vsel vm7, $0x1, v57;
	[tilespmem:$0x1F7F0] =	vst v30;
	v30 =	vsel vm6, $0xFFFFFFFF, v53;
	vm0 =	veq.s32 v60, s13  }
0x49c: {  	v47, _, _ =	vpop (xrf0);
	vm3 =	vgt.s32 v60, s13;
	vm1 =	vgt.s32 v39, s13;
	(xrf0) =	vadd.scan.msk.s32 $0xffff, v26;
	v26 =	vmpcnt.ones.xlane vm5  }
0x49d: {  	v49, _, _ =	vpop (xrf0);
	[tilespmem:$0x1F800] =	vst v30;
	v30 =	vmpcnt.ones.xlane vm6;
	vm5 =	veq.s32 v32, s13;
	v61 =	vsel vm0, $0x1, v57  }
0x49e: {  	v51, _, _ =	vpop (xrf0);
	vm6 =	vle.s32 v25, v11;
	vm4 =	vnez.u8 v54;
	(xrf0) =	vadd.scan.msk.s32 $0xffff, v28;
	v32 =	vsel vm5, $0xFFFFFFFF, v59  }
0x49f: {  	v62 =	vmpcnt.ones.xlane vm5;
	vm2 =	vmand vm4, vm6;
	vm4 =	veq.s32 v55, s13;
	(xrf0) =	vadd.scan.msk.s32 $0xffff, v22;
	v22, _, _ =	vpop (xrf0)  }
0x4a0: {  	v59 =	vimm.s32 $0x0;
	vm6 =	veq.s32 v39, s13;
	v1 =	vadd.s32 v26, v1;
	(xrf0) =	vadd.scan.msk.s32 $0xffff, v61;
	v52, _, _ =	vpop (xrf0)  }
0x4a1: {  	v26 =	vadd.s32 v56, v36;
	v56 =	vimm.s32 $0x0;
	v60 =	vmpcnt.ones.xlane vm4;
	v53, _, _ =	vpop (xrf0)  }
0x4a2: {  	[tilespmem:$0x1F5B0] =	vst v37;
	vm5 =	veq.s32 v38, s13;
	v38 =	vimm.s32 $0x0;
	v39 =	vmpcnt.ones.xlane vm6;
	v54, _, _ =	vpop (xrf0)  }
0x4a3: {  	[tilespmem:$0x1F6F0] =	vst v32;
	v32 =	vadd.s32 v62, v26;
	v28 =	vsel vm1, $0xFFFFFFFF, v56;
	v61 =	vimm.s32 $0x0;
	v55, _, _ =	vpop (xrf0)  }
0x4a4: {  	v62 =	vmpcnt.ones.xlane vm5;
	[tilespmem:$0x1F810] =	vst v28;
	v28 =	vsel vm4, $0xFFFFFFFF, v59;
	vm4 =	veq.s32 v35, s13;
	v56, _, _ =	vpop (xrf0)  }
0x4a5: {  	v59 =	vimm.s32 $0x0;
	[tilespmem:$0x1F700] =	vst v28;
	v35 =	vsel vm4, $0xFFFFFFFF, v38;
	v28 =	vadd.s32 v60, v32;
	v60, _, _ =	vpop (xrf0)  }
0x4a6: {  	v1 =	vadd.s32 v30, v1;
	v37 =	vsel vm5, $0xFFFFFFFF, v61;
	[tilespmem:$0x1F750] =	vst v35;
	v35 =	vsel vm6, $0xFFFFFFFF, v59;
	v59 =	vld [tilespmem:$0x1F350];
	v61, _, _ =	vpop (xrf0)  }
0x4a7: {  	v30 =	vmpcnt.ones.xlane vm1;
	v58 =	vadd.s32 v62, v28;
	v62 =	vadd.s32 v61, v39;
	v39 =	vld [tilespmem:$0x1F340]  }
0x4a8: {  	v25 =	vmpcnt.ones.xlane vm3;
	[tilespmem:$0x1F760] =	vst v35;
	v35 =	vmpcnt.ones.xlane vm4  }
0x4a9: {  	v1 =	vadd.s32 v30, v1  }
0x4aa: {  	v1 =	vadd.s32 v25, v1;
	v30 =	vadd.s32 v35, v58  }
0x4ab: {  	v25 =	vsub.s32 $0x1E, v1;
	v1 =	vadd.s32 v30, v62;
	vm6 =	vnez.u8 v59  }
0x4ac: {  	vm5 =	vnez.u8 v39;
	v39 =	vsel vm6, $0x3F800000, v19;
	vm6 =	vle.s32 v1, v25;
	v1 =	vld [tilespmem:$0x1F360];
	_ =	sdelay $0x3  }
0x4ad: {  	vm4 =	vle.s32 v21, v11  }
0x4ae: {  	vm5 =	vmand vm5, vm4;
	vm4 =	vnez.u8 v1;
	v1 =	vld [tilespmem:$0x1F370];
	_ =	sdelay $0x4  }
0x4af: {  	vm1 =	vnez.u8 v1;
	v1 =	vld [tilespmem:$0x1F380];
	_ =	sdelay $0x3  }
0x4b0: {  	vm0 =	vmand vm0, vm6  }
0x4b1: {  	vm6 =	vmor vm3, vm0;
	vm0 =	vnez.u8 v1;
	v1 =	vld [tilespmem:$0x1F390];
	_ =	sdelay $0x4  }
0x4b2: {  	[tilespmem:$0x1F720] =	vst v37;
	v37 =	vsel vm0, $0x3F800000, v19;
	vm0 =	vnez.u8 v1;
	v1 =	vadd.s32 v40, v8  }
0x4b3: {  	vm5 =	vmor vm1, vm5;
	vm1 =	vle.s32 v1, v11;
	v1 =	vld [tilespmem:$0x1F3A0];
	_ =	sdelay $0x3  }
0x4b4: {  	vm7 =	vmmov vm7  }
0x4b5: {  	v35 =	vsel vm0, $0x3F800000, v19;
	vm0 =	vmmov vm7;
	vm7 =	vnez.u8 v1;
	v1 =	vld [tilespmem:$0x1F3B0];
	_ =	sdelay $0x4  }
0x4b6: {  	v38 =	vsel vm7, $0x3F800000, v19;
	vm7 =	vnez.u8 v1;
	v1 =	vld [tilespmem:$0x1F3C0];
	_ =	sdelay $0x4  }
0x4b7: {  	v21 =	vsel vm7, $0x3F800000, v19;
	vm7 =	vnez.u8 v1;
	v1 =	vadd.s32 v45, v6  }
0x4b8: {  	v8 =	vsel vm7, $0x3F800000, v19;
	vm7 =	vmmov vm8;
	vm8 =	vle.s32 v1, v11;
	v1 =	vld [tilespmem:$0x1F3D0];
	_ =	sdelay $0x3  }
0x4b9: {  	v24 =	vadd.s32 v22, v24;
	v61 =	vadd.s32 v49, v14  }
0x4ba: {  	v62 =	vsel vm12, $0x1, v57;
	vm3 =	vmmov vm10;
	vm10 =	vnez.u8 v1;
	v1 =	vld [tilespmem:$0x1F3E0]  }
0x4bb: {  	vm4 =	vmor vm4, vm2;
	vm2 =	vmmov vm9;
	vm9 =	vle.s32 v60, v11;
	v40 =	vld [tilespmem:$0x1F3F0]  }
0x4bc: {  	v60 =	vadd.s32 v47, v9;
	vm9 =	vmand vm0, vm9;
	vm2 =	vmand vm2, vm1  }
0x4bd: {  	vm0 =	vmmov vm11;
	vm1 =	vle.s32 v60, v11;
	vm11 =	vle.s32 v61, v11  }
0x4be: {  	vm1 =	vmand vm3, vm1;
	vm3 =	vmand vm0, vm11;
	vm0 =	vmmov vm14  }
0x4bf: {  	vm8 =	vmand vm7, vm8;
	vm11 =	vnez.u8 v1;
	v1 =	vadd.s32 v51, v7  }
0x4c0: {  	vm7 =	vnez.u8 v40;
	v6 =	vsel vm11, $0x3F800000, v19;
	vm11 =	vle.s32 v1, v11  }
0x4c1: {  	v9 =	vsel vm10, $0x3F800000, v19;
	v1 =	vimm.s32 $0x0;
	vm0 =	vmand vm0, vm11  }
0x4c2: {  	(xrf0) =	vadd.scan.msk.s32 $0xffff, v62;
	vm10 =	vmmov vm13;
	vm13 =	vle.s32 v24, v11;
	v1 =	vsel vm0, $0xFFFFFFFF, v1  }
0x4c3: {  	v47 =	vld [tilespmem:$0x1F420];
	vm7 =	vmmov vm7;
	vm10 =	vmand vm10, vm13;
	[tilespmem:$0x1F560] =	vst v1;
	v1 =	vimm.s32 $0x0  }
0x4c4: {  	v45 =	vld [tilespmem:$0x1F410];
	vm7 =	vmmov vm7;
	v1 =	vsel vm10, $0xFFFFFFFF, v1  }
0x4c5: {  	vm11 =	vmor vm7, vm9;
	[tilespmem:$0x1F5C0] =	vst v1;
	v1 =	vimm.s32 $0x0  }
0x4c6: {  	v15 =	vadd.s32 v55, v15;
	v55 =	vld [tilespmem:$0x1F460];
	v1 =	vsel vm11, $0xFFFFFFFF, v1  }
0x4c7: {  	v12 =	vadd.s32 v52, v12;
	[tilespmem:$0x1F660] =	vst v1;
	v1 =	vld [tilespmem:$0x1F400]  }
0x4c8: {  	[tilespmem:s9+$0x800] =	vst v2;
	v13 =	vadd.s32 v53, v13;
	v10 =	vadd.s32 v54, v10;
	v54 =	vld [tilespmem:$0x1F450];
	v2 =	vadd.s32 v56, v23;
	v49, _, _ =	vpop (xrf0)  }
0x4c9: {  	v22 =	vadd.s32 v49, v46;
	vm14 =	vnez.u8 v45;
	vm7 =	vnez.u8 v47  }
0x4ca: {  	v14 =	vsel vm14, $0x3F800000, v19;
	v7 =	vsel vm7, $0x3F800000, v19;
	vm7 =	vmmov vm15  }
0x4cb: {  	vm0 =	vle.s32 v13, v11;
	v13 =	vsel vm4, $0x3F800000, v19;
	vm10 =	vle.s32 v12, v11  }
0x4cc: {  	vm15 =	vnez.u8 v55;
	vm10 =	vmand vm7, vm10;
	vm13 =	vnez.u8 v1  }
0x4cd: {  	vm11 =	vle.s32 v22, v25;
	v1 =	vsel vm13, $0x3F800000, v19;
	vm13 =	vnez.u8 v54  }
0x4ce: {  	vm7 =	vle.s32 v15, v11;
	vm14 =	vmand vm12, vm11;
	vm4 =	vmmov vm13  }
0x4cf: {  	vm11 =	vle.s32 v2, v11;
	v2 =	vimm.s32 $0x0;
	vm4 =	vmand vm4, vm7  }
0x4d0: {  	v22 =	vsel vm5, $0x3F800000, v19;
	vm5 =	vmmov vm15;
	v2 =	vsel vm4, $0xFFFFFFFF, v2  }
0x4d1: {  	vm13 =	vmand vm5, vm11;
	[tilespmem:$0x1F630] =	vst v2;
	v2 =	vimm.s32 $0x0  }
0x4d2: {  	v2 =	vsel vm13, $0xFFFFFFFF, v2  }
0x4d3: {  	[tilespmem:$0x1F650] =	vst v2;
	v2 =	vld [tilespmem:$0x1F470];
	_ =	sdelay $0x2  }
0x4d4: {  	v51 =	vld [tilespmem:$0x1F430];
	_ =	sdelay $0x1  }
0x4d5: {  	vm15 =	vnez.u8 v2;
	v2 =	vld [tilespmem:$0x1F480];
	_ =	sdelay $0x2  }
0x4d6: {  	v53 =	vld [tilespmem:$0x1F440];
	vm9 =	vnez.u8 v51  }
0x4d7: {  	vm9 =	vmmov vm9  }
0x4d8: {  	vm0 =	vmand vm9, vm0;
	vm9 =	vnez.u8 v2;
	v2 =	vld [tilespmem:$0x1F490];
	_ =	sdelay $0x1  }
0x4d9: {  	v52 =	vimm.s32 $0x0  }
0x4da: {  	v12 =	vsel vm0, $0xFFFFFFFF, v52;
	vm12 =	vnez.u8 v53  }
0x4db: {  	[tilespmem:$0x1F5F0] =	vst v12;
	v12 =	vsel vm6, $0x3F800000, v19;
	vm0 =	vmmov vm12  }
0x4dc: {  	vm6 =	vle.s32 v10, v11;
	vm14 =	vmor vm15, vm14;
	vm15 =	vnez.u8 v2  }
0x4dd: {  	vm0 =	vmand vm0, vm6;
	vm6 =	vmmov vm15  }
0x4de: {  	v2 =	vimm.s32 $0x0;
	vm2 =	vmor vm6, vm2  }
0x4df: {  	vm11 =	vmmov vm9;
	v2 =	vsel vm2, $0xFFFFFFFF, v2  }
0x4e0: {  	vm7 =	vmor vm11, vm8;
	[tilespmem:$0x1F680] =	vst v2;
	v2 =	vimm.s32 $0x0  }
0x4e1: {  	v2 =	vsel vm7, $0xFFFFFFFF, v2  }
0x4e2: {  	[tilespmem:$0x1F690] =	vst v2;
	v2 =	vld [tilespmem:$0x1F4A0];
	_ =	sdelay $0x4  }
0x4e3: {  	vm4 =	vnez.u8 v2  }
0x4e4: {  	v2 =	vsel vm4, $0x1, v57  }
0x4e5: {  	(xrf0) =	vadd.scan.msk.s32 $0xffff, v2;
	v2 =	vld [tilespmem:$0x1F4C0];
	_ =	sdelay $0x4  }
0x4e6: {  	vm5 =	vnez.u8 v2  }
0x4e7: {  	v2 =	vsel vm5, $0x1, v57  }
0x4e8: {  	(xrf0) =	vadd.scan.msk.s32 $0xffff, v2;
	v2 =	vld [tilespmem:$0x1F4D0];
	_ =	sdelay $0x4  }
0x4e9: {  	vm6 =	vnez.u8 v2  }
0x4ea: {  	v2 =	vsel vm6, $0x1, v57  }
0x4eb: {  	[tilespmem:s10+$0x810] =	vst v4;
	(xrf0) =	vadd.scan.msk.s32 $0xffff, v2;
	v2 =	vld [tilespmem:$0x1F500]  }
0x4ec: {  	[tilespmem:s9+$0x840] =	vst v16  }
0x4ed: {  	v16 =	vld [tilespmem:$0x1F590];
	[tilespmem:s10+$0x820] =	vst v18  }
0x4ee: {  	[tilespmem:s10+$0x830] =	vst v17;
	v17 =	vld [tilespmem:$0x1F5A0]  }
0x4ef: {  	[tilespmem:s9+$0x870] =	vst v63;
	v63 =	vld [tilespmem:$0x1F530]  }
0x4f0: {  	[tilespmem:s9+$0xC60] =	vst v3;
	v3 =	vld [tilespmem:$0x1F5D0];
	vm15 =	vnez.u8 v2  }
0x4f1: {  	v60 =	vld [tilespmem:$0x1F4F0];
	v2 =	vsel vm15, $0x1, v57  }
0x4f2: {  	(xrf0) =	vadd.scan.msk.s32 $0xffff, v2;
	v2 =	vld [tilespmem:$0x1F520]  }
0x4f3: {  	v56 =	vld [tilespmem:$0x1F4B0]  }
0x4f4: {  	v59 =	vld [tilespmem:$0x1F4E0]  }
0x4f5: {  	v62 =	vld [tilespmem:$0x1F510]  }
0x4f6: {  	v11 =	vld [tilespmem:$0x1F560];
	vm9 =	vnez.u8 v60  }
0x4f7: {  	v10 =	vld [tilespmem:$0x1F540];
	vm12 =	vmmov vm9;
	vm9 =	vnez.u8 v2  }
0x4f8: {  	[tilespmem:s9+$0x850] =	vst v20;
	v15 =	vld [tilespmem:$0x1F570];
	v2 =	vsel vm9, $0x1, v57  }
0x4f9: {  	[tilespmem:s9+$0x860] =	vst v50;
	(xrf0) =	vadd.scan.msk.s32 $0xffff, v2;
	v2 =	vld [tilespmem:$0x1F550]  }
0x4fa: {  	[tilespmem:s9+$0xC10] =	vst v62;
	v62 =	vimm.s32 $0x0;
	v49 =	vimm.s32 $0x0;
	v20 =	vld [tilespmem:$0x1F5C0]  }
0x4fb: {  	[tilespmem:s9+$0xC40] =	vst v16;
	v23 =	vld [tilespmem:$0x1F6F0];
	v61 =	vimm.s32 $0x0;
	v40 =	vimm.s32 $0x0;
	vm13 =	vnez.u8 v11  }
0x4fc: {  	[tilespmem:s9+$0xC50] =	vst v48;
	v18 =	vld [tilespmem:$0x1F5B0];
	vm8 =	vnez.u8 v56;
	vm11 =	vmor vm12, vm3;
	vm12 =	vnez.u8 v10  }
0x4fd: {  	[tilespmem:s9+$0xC20] =	vst v63;
	v46 =	vld [tilespmem:$0x1F5E0];
	v4 =	vsel vm11, $0xFFFFFFFF, v61;
	vm3 =	vmmov vm12;
	vm2 =	vmmov vm8  }
0x4fe: {  	[tilespmem:s9+$0xC00] =	vst v59;
	v45 =	vld [tilespmem:$0x1F720];
	vm11 =	vnez.u8 v17;
	vm8 =	vmor vm2, vm1;
	vm7 =	vnez.u8 v2  }
0x4ff: {  	v47 =	vld [tilespmem:$0x1F750];
	[tilespmem:s9+$0xC30] =	vst v15;
	vm1 =	vmmov vm11;
	vm2 =	vnez.u8 v20;
	v2 =	vsel vm7, $0x1, v57  }
0x500: {  	vm12 =	vmor vm3, vm13;
	vm3 =	vmor vm1, vm2;
	vm1 =	vnez.u8 v23;
	(xrf0) =	vadd.scan.msk.s32 $0xffff, v2;
	v2 =	vld [tilespmem:$0x1F580]  }
0x501: {  	v53 =	vimm.s32 $0x0;
	v48 =	vld [tilespmem:$0x1F5F0];
	[tilespmem:s11+$0xC70] =	vst v5;
	v10 =	vsel vm1, $0x1, v57;
	vm1 =	vnez.u8 v3  }
0x502: {  	[tilespmem:s10+$0x800] =	vst v44;
	v63 =	vsel vm14, $0x3F800000, v19;
	vm11 =	vnez.u8 v18;
	v3 =	vld [tilespmem:$0x1F700];
	vm1 =	vmmov vm1  }
0x503: {  	v50 =	vld [tilespmem:$0x1F760];
	[tilespmem:$0x1F6B0] =	vst v4;
	v4 =	vsel vm11, $0x1, v57;
	vm1 =	vmor vm1, vm10;
	vm10 =	vnez.u8 v45  }
0x504: {  	v51 =	vld [tilespmem:$0x1F600];
	[tilespmem:s11+$0x810] =	vst v43;
	v11 =	vsel vm1, $0xFFFFFFFF, v40;
	v5 =	vsel vm10, $0x1, v57;
	vm10 =	vnez.u8 v46  }
0x505: {  	v52 =	vld [tilespmem:$0x1F610];
	[tilespmem:s10+$0x840] =	vst v39;
	vm1 =	vmmov vm10;
	vm10 =	vnez.u8 v47;
	vm13 =	vnez.u8 v2  }
0x506: {  	v54 =	vld [tilespmem:$0x1F620];
	[tilespmem:$0x1F6D0] =	vst v11;
	v11 =	vsel vm10, $0x1, v57;
	vm10 =	vnez.u8 v48;
	v2 =	vsel vm13, $0x1, v57  }
0x507: {  	[tilespmem:s11+$0x820] =	vst v13;
	v56 =	vld [tilespmem:$0x1F630];
	v44 =	vsel vm8, $0x3F800000, v19;
	vm2 =	vnez.u8 v3;
	vm1 =	vmor vm1, vm10  }
0x508: {  	v59 =	vld [tilespmem:$0x1F640];
	v3 =	vsel vm2, $0x1, v57;
	vm10 =	vnez.u8 v50;
	v15 =	vsel vm1, $0xFFFFFFFF, v49;
	(xrf0) =	vadd.scan.msk.s32 $0xffff, v2  }
0x509: {  	[tilespmem:$0x1F6E0] =	vst v15;
	v15 =	vsel vm10, $0x1, v57;
	vm10 =	vnez.u8 v51;
	v2, _, _ =	vpop (xrf0);
	(xrf0) =	vadd.scan.msk.s32 $0xffff, v4  }
0x50a: {  	v61 =	vld [tilespmem:$0x1F650];
	vm2 =	vnez.u8 v52;
	v50 =	vsel vm12, $0x3F800000, v19;
	vm1 =	vmmov vm10;
	v24, _, _ =	vpop (xrf0);
	(xrf0) =	vadd.scan.msk.s32 $0xffff, v10  }
0x50b: {  	vm12 =	vmmov vm11;
	vm10 =	vnez.u8 v54;
	vm0 =	vmor vm1, vm0;
	v10, _, _ =	vpop (xrf0);
	(xrf0) =	vadd.scan.msk.s32 $0xffff, v3  }
0x50c: {  	v17 =	vsel vm0, $0xFFFFFFFF, v53;
	vm0 =	vmmov vm10;
	vm10 =	vnez.u8 v56;
	v3, _, _ =	vpop (xrf0);
	(xrf0) =	vadd.scan.msk.s32 $0xffff, v5  }
0x50d: {  	v43 =	vld [tilespmem:$0x1F690];
	v16 =	vsel vm2, $0x1, v57;
	vm0 =	vmor vm0, vm10;
	vm10 =	vnez.u8 v59;
	v5, _, _ =	vpop (xrf0);
	(xrf0) =	vadd.scan.msk.s32 $0xffff, v11  }
0x50e: {  	v57 =	vimm.s32 $0x0;
	v2 =	vadd.s32 v2, v42;
	v4 =	vadd.s32 v24, v41;
	v41 =	vld [tilespmem:$0x1F680];
	v11, _, _ =	vpop (xrf0);
	(xrf0) =	vadd.scan.msk.s32 $0xffff, v15  }
0x50f: {  	v40 =	vld [tilespmem:$0x1F670];
	v15, _, _ =	vpop (xrf0);
	(xrf0) =	vadd.scan.msk.s32 $0xffff, v16;
	v16 =	vsel vm0, $0xFFFFFFFF, v57;
	vm0 =	vmmov vm10;
	vm10 =	vnez.u8 v61  }
0x510: {  	[tilespmem:s11+$0x830] =	vst v22;
	v51 =	vsel vm3, $0x3F800000, v19;
	vm0 =	vmor vm0, vm10;
	vm10 =	vle.s32 v2, v25;
	v2 =	vld [tilespmem:$0x1F660]  }
0x511: {  	[tilespmem:s10+$0x850] =	vst v37;
	vm3 =	vmmov vm9;
	v46 =	vadd.s32 v10, v34;
	v52 =	vadd.s32 v11, v33  }
0x512: {  	[tilespmem:s10+$0xC40] =	vst v1;
	v1 =	vadd.s32 v3, v27;
	v3 =	vadd.s32 v5, v29;
	v55, _, _ =	vpop (xrf0);
	vm9 =	vle.s32 v52, v25  }
0x513: {  	[tilespmem:$0x1F710] =	vst v17;
	v60, _, _ =	vpop (xrf0);
	v17 =	vsel vm0, $0xFFFFFFFF, v62;
	vm0 =	vmand vm4, vm10;
	vm10 =	vnez.u8 v41  }
0x514: {  	[tilespmem:s10+$0x860] =	vst v35;
	v48 =	vld [tilespmem:$0x1F6A0];
	vm4 =	vnez.u8 v40;
	v53 =	vadd.s32 v55, v36;
	v37, _, _ =	vpop (xrf0);
	v22 =	vsel vm10, $0x3F800000, v19  }
0x515: {  	[tilespmem:s10+$0x870] =	vst v38;
	vm10 =	vnez.u8 v43;
	v55 =	vadd.s32 v37, v32;
	vm14 =	vnez.u8 v2  }
0x516: {  	[tilespmem:s10+$0xC00] =	vst v21;
	v39, _, _ =	vpop (xrf0);
	v2 =	vsel vm14, $0x3F800000, v19;
	vm14 =	vmor vm4, vm0;
	vm4 =	vle.s32 v4, v25  }
0x517: {  	[tilespmem:s10+$0xC10] =	vst v8;
	v49 =	vld [tilespmem:$0x1F6B0];
	v42, _, _ =	vpop (xrf0);
	v4 =	vsel vm10, $0x3F800000, v19;
	vm10 =	vle.s32 v3, v25;
	v3 =	vadd.s32 v15, v31  }
0x518: {  	[tilespmem:s10+$0xC20] =	vst v9;
	v54 =	vld [tilespmem:$0x1F6C0];
	v45, _, _ =	vpop (xrf0);
	vm0 =	vmand vm5, vm4;
	vm4 =	vmmov vm2;
	vm2 =	vmmov vm6  }
0x519: {  	[tilespmem:s10+$0xC30] =	vst v6;
	v47, _, _ =	vpop (xrf0);
	vm6 =	vle.s32 v46, v25;
	vm5 =	vnez.u8 v48;
	vm3 =	vmand vm3, vm10  }
0x51a: {  	[tilespmem:s10+$0xC50] =	vst v14;
	v56 =	vld [tilespmem:$0x1F6F0];
	vm1 =	vmmov vm4;
	vm4 =	vle.s32 v47, v25;
	vm8 =	vmor vm5, vm0  }
0x51b: {  	[tilespmem:s10+$0xC60] =	vst v7;
	v57 =	vld [tilespmem:$0x1F700];
	vm5 =	vle.s32 v53, v25;
	vm0 =	vmand vm1, vm4;
	vm1 =	vmand vm2, vm6  }
0x51c: {  	[tilespmem:s12+$0xC70] =	vst v12;
	vm6 =	vnez.u8 v49;
	vm2 =	vmmov vm7;
	vm4 =	vmmov vm15  }
0x51d: {  	[tilespmem:s11+$0x800] =	vst v2;
	v2 =	vsel vm8, $0x3F800000, v19;
	vm15 =	vnez.u8 v54;
	vm8 =	vle.s32 v3, v25  }
0x51e: {  	v59 =	vld [tilespmem:$0x1F710];
	[tilespmem:s12+$0x810] =	vst v63;
	v3 =	vadd.s32 v60, v26;
	v6 =	vsel vm6, $0x3F800000, v19;
	vm6 =	vle.s32 v1, v25  }
0x51f: {  	[tilespmem:s11+$0x840] =	vst v22;
	v60 =	vld [tilespmem:$0x1F720];
	v1 =	vsel vm14, $0x3F800000, v19;
	vm10 =	vmmov vm15;
	vm14 =	vnez.u8 v56  }
0x520: {  	vm15 =	vnez.u8 v57;
	vm4 =	vmand vm4, vm6;
	vm6 =	vmmov vm13;
	[tilespmem:s12+$0x820] =	vst v1;
	v1 =	vld [tilespmem:$0x1F6D0]  }
0x521: {  	[tilespmem:s12+$0x830] =	vst v2;
	v2 =	vld [tilespmem:$0x1F6E0];
	vm10 =	vmmov vm10;
	vm7 =	vmmov vm15;
	vm8 =	vmand vm6, vm8  }
0x522: {  	[tilespmem:$0x1F730] =	vst v16;
	v62 =	vld [tilespmem:$0x1F750];
	vm6 =	vmand vm12, vm5;
	vm12 =	vmor vm10, vm0;
	vm0 =	vmmov vm14  }
0x523: {  	[tilespmem:$0x1F740] =	vst v17;
	vm10 =	vle.s32 v3, v25;
	vm5 =	vle.s32 v55, v25;
	v3 =	vadd.s32 v39, v28  }
0x524: {  	v61 =	vld [tilespmem:$0x1F740];
	[tilespmem:s11+$0x850] =	vst v4;
	vm14 =	vnez.u8 v59;
	vm10 =	vmand vm0, vm10;
	vm7 =	vmand vm7, vm5  }
0x525: {  	[tilespmem:s11+$0x860] =	vst v44;
	vm5 =	vle.s32 v3, v25;
	v3 =	vld [tilespmem:$0x1F730];
	vm15 =	vnez.u8 v60;
	vm11 =	vnez.u8 v1  }
0x526: {  	[tilespmem:s11+$0x870] =	vst v6;
	vm13 =	vnez.u8 v2;
	vm0 =	vmmov vm15;
	v1 =	vsel vm11, $0x3F800000, v19  }
0x527: {  	v63 =	vld [tilespmem:$0x1F760];
	v2 =	vsel vm13, $0x3F800000, v19;
	vm13 =	vnez.u8 v62;
	[tilespmem:s11+$0xC20] =	vst v1;
	v1 =	vadd.s32 v45, v30  }
0x528: {  	[tilespmem:s11+$0xC00] =	vst v50;
	vm0 =	vmand vm0, vm5;
	vm5 =	vmmov vm13;
	vm13 =	vle.s32 v1, v25;
	v1 =	vld [tilespmem:$0x1F770]  }
0x529: {  	vm2 =	vmand vm2, vm9;
	[tilespmem:s11+$0xC10] =	vst v51;
	v4 =	vsel vm14, $0x3F800000, v19  }
0x52a: {  	vm11 =	vnez.u8 v61;
	[tilespmem:s11+$0xC30] =	vst v2;
	v2 =	vadd.s32 v42, v58;
	vm9 =	vnez.u8 v3  }
0x52b: {  	[tilespmem:s11+$0xC40] =	vst v4;
	v5 =	vsel vm11, $0x3F800000, v19;
	v3 =	vsel vm9, $0x3F800000, v19;
	vm9 =	vle.s32 v2, v25;
	v2 =	vld [tilespmem:$0x1F780]  }
0x52c: {  	vm14 =	vnez.u8 v63;
	[tilespmem:s11+$0xC60] =	vst v5  }
0x52d: {  	vm11 =	vmmov vm14;
	[tilespmem:s11+$0xC50] =	vst v3;
	vm15 =	vnez.u8 v1;
	v1 =	vsel vm12, $0x3F800000, v19  }
0x52e: {  	vm9 =	vmand vm5, vm9;
	vm5 =	vmand vm11, vm13;
	vm11 =	vmmov vm15;
	[tilespmem:s12+$0x800] =	vst v1;
	v1 =	vld [tilespmem:$0x1F790]  }
0x52f: {  	vm1 =	vmor vm11, vm1  }
0x530: {  	vm13 =	vnez.u8 v2;
	v2 =	vsel vm1, $0x3F800000, v19  }
0x531: {  	vm11 =	vmmov vm13;
	[tilespmem:s12+$0x840] =	vst v2;
	v2 =	vld [tilespmem:$0x1F7A0]  }
0x532: {  	vm4 =	vmor vm11, vm4  }
0x533: {  	vm14 =	vnez.u8 v1;
	v1 =	vsel vm4, $0x3F800000, v19  }
0x534: {  	vm1 =	vmmov vm14;
	[tilespmem:s12+$0x850] =	vst v1;
	v1 =	vld [tilespmem:$0x1F7B0]  }
0x535: {  	vm1 =	vmor vm1, vm3  }
0x536: {  	vm15 =	vnez.u8 v2;
	v2 =	vsel vm1, $0x3F800000, v19  }
0x537: {  	vm3 =	vmmov vm15;
	[tilespmem:s12+$0x860] =	vst v2;
	v2 =	vld [tilespmem:$0x1F7C0]  }
0x538: {  	vm2 =	vmor vm3, vm2  }
0x539: {  	vm4 =	vnez.u8 v1;
	v1 =	vsel vm2, $0x3F800000, v19  }
0x53a: {  	vm1 =	vmmov vm4;
	[tilespmem:s12+$0x870] =	vst v1;
	v1 =	vld [tilespmem:$0x1F7D0]  }
0x53b: {  	vm1 =	vmor vm1, vm8  }
0x53c: {  	vm8 =	vnez.u8 v2;
	v2 =	vsel vm1, $0x3F800000, v19  }
0x53d: {  	vm2 =	vmmov vm8;
	[tilespmem:s12+$0xC00] =	vst v2;
	v2 =	vld [tilespmem:$0x1F7E0]  }
0x53e: {  	vm2 =	vmor vm2, vm6  }
0x53f: {  	vm11 =	vnez.u8 v1;
	v1 =	vsel vm2, $0x3F800000, v19  }
0x540: {  	[tilespmem:s12+$0xC10] =	vst v1;
	v1 =	vld [tilespmem:$0x1F7F0];
	_ =	sdelay $0x1  }
0x541: {  	vm1 =	vmmov vm11;
	vm12 =	vnez.u8 v2  }
0x542: {  	vm1 =	vmor vm1, vm10;
	vm2 =	vmmov vm12  }
0x543: {  	v2 =	vsel vm1, $0x3F800000, v19;
	vm2 =	vmor vm2, vm7  }
0x544: {  	[tilespmem:s12+$0xC20] =	vst v2;
	v2 =	vld [tilespmem:$0x1F800];
	vm13 =	vnez.u8 v1;
	v1 =	vsel vm2, $0x3F800000, v19  }
0x545: {  	[tilespmem:s12+$0xC30] =	vst v1;
	v1 =	vld [tilespmem:$0x1F810];
	_ =	sdelay $0x3  }
0x546: {  	vm1 =	vmmov vm13;
	vm14 =	vnez.u8 v2  }
0x547: {  	vm0 =	vmor vm1, vm0;
	vm1 =	vmmov vm14;
	vm15 =	vnez.u8 v1  }
0x548: {  	v2 =	vsel vm0, $0x3F800000, v19;
	vm1 =	vmor vm1, vm9;
	vm0 =	vmmov vm15  }
0x549: {  	s8 =	sadd.s32 $0x1, s8;
	[tilespmem:s12+$0xC40] =	vst v2;
	v1 =	vsel vm1, $0x3F800000, v19;
	vm0 =	vmor vm0, vm5  }
0x54a: {  	p0 =	sne.s32 s8, s5;
	[tilespmem:s12+$0xC50] =	vst v1;
	v2 =	vsel vm0, $0x3F800000, v19  }
.Ltmp1:
0x54b: {  	[tilespmem:s12+$0xC60] =	vst v2;
	(pc) =	sbr.rel @p0 .LBB2_1-.Ltmp1, $4  }
0x54c: {  	[hbm4b:s4+s2] =	stream.linear.scatter [tilespmem:s7], [sflag:$0x1], $0x800, $0x38;
	[tilespmem:$0x1000] =	vst v63  }
0x54d: {  	_ =	swait.ge [sflag:s6], $0x800  }
0x54e: {  	[sflag:s6] =	ssyncset.done $0x0  }
0x54f: {  	[sflag:s6] =	ssyncadd.s32 $0xFFFFF800  }
0x550: {  	_ =	sfence.sel $0x180000  }
0x551: {  	[bflag:$0x0] =	sbarrier.arrive $0xFFFF  }
0x552: {  	p0 =	sne.s32 s1, $0x0;
	_ =	strace $0x90000047  }
0x553: {  	s0 =	sadd.s32 @!p0 $0x100000, s0;
	[bflag:$0x2] =	sbarrier.arrive $0xFFFF  }
0x554: {  	[sflag:s0] =	ssyncadd.tile.s32 @!p0 $0x1;
	_ =	shalt  }
.Lfunc_end2:
_tile_overlayer_lowered:
.L_overlay_start_2:
0x555: {  	(tag) =	ssettag $0x2  }
0x556: {  	s0 =	rddreg [dreg:$0x0];
	s2 =	stileid.u32  }
0x557: {  	s1 =	rddreg [dreg:$0x1];
	p0 =	sne.s32 s2, $0x0  }
0x558: {  	s3 =	rddreg [dreg:$0x2];
	[bflag:$0x3] =	sbarrier.arrive $0xFFFF;
	s2 =	simm.s32 @!p0 $0x1C01  }
0x559: {  	[timem:s3], [sflag:s2] =	dma.local @!p0 [hbm:s0], s1  }
0x55a: {  	s0 =	simm.s32 @!p0 $0x1  }
0x55b: {  	_ =	swait.ge @!p0 [sflag:s0], s1  }
0x55c: {  	s1 =	ssub.s32 @!p0 $0x0, s1;
	[sflag:s0] =	ssyncset.done @!p0 $0x0  }
0x55d: {  	[sflag:s0] =	ssyncadd.s32 @!p0 s1  }
0x55e: {  	[bflag:$0x3] =	sbarrier.arrive $0xFFFF  }
0x55f: {  	_ =	shalt  }

</sc_bundles>
